<compile_context>
chip_gen: v7x
topology: tpu7x:2x2x1
jax: 0.10.2.dev20260603
libtpu: 0.0.44.dev20260713+nightly
codegen_flags: <defaults>
</compile_context>

<pallas_src>
import functools

import jax
import jax.numpy as jnp
from jax import lax
from jax.experimental import pallas as pl
from jax.experimental.pallas import tpu as pltpu
from jax.experimental.pallas import tpu_sc as plsc

N = 10000
D_IN = 128
D_OUT = 200
E = 320000

NC = 2
NS = 16
NW = NC * NS
CHK = 80
CPT = 125
D_PAD = 256
R_STEP = 624
R_LEN = 640
N1 = 10240
R1D = N1 // NS
HBLK = 32

_mesh = plsc.VectorSubcoreMesh(core_axis_name="c", subcore_axis_name="s")


@functools.partial(
    pl.kernel, mesh=_mesh,
    out_type=jax.ShapeDtypeStruct((NC * N1,), jnp.float32),
    scratch_types=[
        pltpu.VMEM((CPT, CHK), jnp.int32),
        pltpu.VMEM((CHK,), jnp.float32),
        pltpu.VMEM_SHARED((N1,), jnp.float32),
    ],
)
def _hist_k(ei3_hbm, ones_hbm, zeros1_hbm, deg_hbm, dst_v, ones_v, deg_sh):
    cid = lax.axis_index("c")
    sid = lax.axis_index("s")
    wid = sid * NC + cid
    r0 = sid * R1D
    pltpu.sync_copy(zeros1_hbm.at[pl.ds(r0, R1D)], deg_sh.at[pl.ds(r0, R1D)])
    pltpu.sync_copy(ei3_hbm.at[NW + wid], dst_v)
    pltpu.sync_copy(ones_hbm, ones_v)
    plsc.subcore_barrier()

    def body(j, carry):
        pltpu.sync_copy(ones_v, deg_sh.at[dst_v.at[j]], add=True)
        return carry

    lax.fori_loop(0, CPT, body, 0)
    plsc.subcore_barrier()
    pltpu.sync_copy(deg_sh.at[pl.ds(r0, R1D)],
                    deg_hbm.at[pl.ds(cid * N1 + r0, R1D)])


@functools.partial(
    pl.kernel, mesh=_mesh,
    out_type=jax.ShapeDtypeStruct((NC * N, D_IN), jnp.float32),
    scratch_types=[
        pltpu.VMEM((HBLK, CHK), jnp.int32),
        pltpu.VMEM((HBLK, CHK), jnp.int32),
        pltpu.VMEM((CHK, D_IN), jnp.float32),
        pltpu.VMEM((CHK, D_IN), jnp.float32),
        pltpu.VMEM((CHK, D_IN), jnp.float32),
        pltpu.VMEM_SHARED((N, D_IN), jnp.float32),
        pltpu.SemaphoreType.DMA,
        pltpu.SemaphoreType.DMA,
        pltpu.SemaphoreType.DMA,
    ],
)
def _scatter_k(ei3_hbm, g_hbm, zeros_hbm, out_hbm,
               src_v, dst_v, rows_a, rows_b, rows_c, acc_sh,
               sem_a, sem_b, sem_c):
    cid = lax.axis_index("c")
    sid = lax.axis_index("s")
    wid = sid * NC + cid
    r0 = sid * R_STEP

    @pl.when(cid == 0)
    def _():
        pltpu.sync_copy(g_hbm.at[pl.ds(r0, R_LEN)], acc_sh.at[pl.ds(r0, R_LEN)])

    @pl.when(cid != 0)
    def _():
        pltpu.sync_copy(zeros_hbm.at[pl.ds(r0, R_LEN)], acc_sh.at[pl.ds(r0, R_LEN)])

    plsc.subcore_barrier()

    def fire(j, rows, sem):
        pltpu.async_copy(g_hbm.at[src_v.at[j]], rows, sem)

    def drain(rows, sem):
        pltpu.make_async_copy(g_hbm.at[pl.ds(0, CHK)], rows, sem).wait()

    def scat(j, rows):
        pltpu.sync_copy(rows, acc_sh.at[dst_v.at[j]], add=True)

    bufs = ((rows_a, sem_a), (rows_b, sem_b), (rows_c, sem_c))

    def run_block(start, L):
        if L == HBLK:
            pltpu.sync_copy(ei3_hbm.at[wid, pl.ds(start, HBLK)], src_v)
            pltpu.sync_copy(ei3_hbm.at[NW + wid, pl.ds(start, HBLK)], dst_v)
        else:
            pltpu.sync_copy(ei3_hbm.at[wid, pl.ds(start, L)],
                            src_v.at[pl.ds(0, L)])
            pltpu.sync_copy(ei3_hbm.at[NW + wid, pl.ds(start, L)],
                            dst_v.at[pl.ds(0, L)])
        for t in range(3):
            fire(t, *bufs[t])
        K = (L - 6) // 3 + 1

        def body(k, carry):
            j = 3 * k
            for t in range(3):
                drain(*bufs[t])
                scat(j + t, bufs[t][0])
                fire(j + t + 3, *bufs[t])
            return carry

        lax.fori_loop(0, K, body, 0)
        for j in range(3 * K, L):
            drain(*bufs[j % 3])
            scat(j, bufs[j % 3][0])
            if j + 3 <= L - 1:
                fire(j + 3, *bufs[j % 3])

    run_block(0, 32)
    run_block(32, 32)
    run_block(64, 32)
    run_block(96, 29)

    plsc.subcore_barrier()
    pltpu.sync_copy(acc_sh.at[pl.ds(r0, R_LEN)],
                    out_hbm.at[pl.ds(cid * N + r0, R_LEN)])


def _scale_body(p0_ref, p1_ref, x_ref, g_ref, dinv_ref):
    deg = p0_ref[...] + p1_ref[...] + 1.0
    dinv = lax.rsqrt(deg)
    dinv_ref[...] = dinv
    g_ref[...] = dinv * x_ref[...]


def _mm_body(q0_ref, q1_ref, dinv_ref, w1_ref, b1_ref, w2_ref, b2_ref,
             mu_ref, ls_ref):
    a = (q0_ref[...] + q1_ref[...]) * dinv_ref[...]
    mu_ref[...] = jnp.dot(a, w1_ref[...], preferred_element_type=jnp.float32) + b1_ref[...]
    ls_ref[...] = jnp.dot(a, w2_ref[...], preferred_element_type=jnp.float32) + b2_ref[...]


_NB = N // 1000


def kernel(x, edge_index, W1, b1, W2, b2):
    ei3 = edge_index.reshape(2 * NW, CPT, CHK)

    ones = jnp.ones((CHK,), jnp.float32)
    zeros1 = jnp.zeros((N1,), jnp.float32)
    zeros2 = jnp.zeros((N, D_IN), jnp.float32)

    deg_p = _hist_k(ei3, ones, zeros1)
    p0c = deg_p[:N].reshape(N, 1)
    p1c = deg_p[N1:N1 + N].reshape(N, 1)

    BR = 1000
    g, dinv = pl.pallas_call(
        _scale_body,
        grid=(N // BR,),
        in_specs=[
            pl.BlockSpec((BR, 1), lambda i: (i, 0)),
            pl.BlockSpec((BR, 1), lambda i: (i, 0)),
            pl.BlockSpec((BR, D_IN), lambda i: (i, 0)),
        ],
        out_specs=[
            pl.BlockSpec((BR, D_IN), lambda i: (i, 0)),
            pl.BlockSpec((BR, 1), lambda i: (i, 0)),
        ],
        out_shape=[
            jax.ShapeDtypeStruct((N, D_IN), jnp.float32),
            jax.ShapeDtypeStruct((N, 1), jnp.float32),
        ],
    )(p0c, p1c, x)

    parts = _scatter_k(ei3, g, zeros2)

    BRM = 2000
    mu, ls = pl.pallas_call(
        _mm_body,
        grid=(N // BRM,),
        in_specs=[
            pl.BlockSpec((BRM, D_IN), lambda i: (i, 0)),
            pl.BlockSpec((BRM, D_IN), lambda i: (i + N // 2000, 0)),
            pl.BlockSpec((BRM, 1), lambda i: (i, 0)),
            pl.BlockSpec((D_IN, D_OUT), lambda i: (0, 0)),
            pl.BlockSpec((1, D_OUT), lambda i: (0, 0)),
            pl.BlockSpec((D_IN, D_OUT), lambda i: (0, 0)),
            pl.BlockSpec((1, D_OUT), lambda i: (0, 0)),
        ],
        out_specs=[
            pl.BlockSpec((BRM, D_OUT), lambda i: (i, 0)),
            pl.BlockSpec((BRM, D_OUT), lambda i: (i, 0)),
        ],
        out_shape=[
            jax.ShapeDtypeStruct((N, D_OUT), jnp.float32),
            jax.ShapeDtypeStruct((N, D_OUT), jnp.float32),
        ],
    )(parts, parts, dinv, W1, b1.reshape(1, D_OUT), W2, b2.reshape(1, D_OUT))

    return (mu, ls)

# --- scband reference (transcript-rebuilt; emitter-appended) ---
"""Pipeline reference for scband-cmap-encdoer-20263655702714 (READ-ONLY COPY).

The authoritative reference and input builder live on the scoring server;
editing this copy changes nothing except your own understanding.
"""

import jax, jax.numpy as jnp
import numpy as np

N = 10000
D_IN = 128
D_OUT = 200
E = 320000


def glorot(key, shape):
    s = float(np.sqrt(6.0 / (shape[0] + shape[1])))
    return jax.random.uniform(key, shape, minval=-s, maxval=s, dtype=jnp.float32)


def setup_inputs(seed: int = 0):
    key = jax.random.key(seed)
    k1, k2, k3, k4 = jax.random.split(key, 4)
    x = jax.random.normal(k1, (N, D_IN), dtype=jnp.float32)
    edge_index = jax.random.randint(k2, (2, E), 0, N, dtype=jnp.int32)
    W1 = glorot(k3, (D_IN, D_OUT))
    b1 = jnp.zeros((D_OUT,), dtype=jnp.float32)
    W2 = glorot(k4, (D_IN, D_OUT))
    b2 = jnp.zeros((D_OUT,), dtype=jnp.float32)
    return {"x": x, "edge_index": edge_index, "W1": W1, "b1": b1, "W2": W2, "b2": b2}


def gcn_conv(x, edge_index, W, b):
    # PyG GCNConv defaults: add_self_loops=True, normalize=True, bias=True
    src = edge_index[0]
    dst = edge_index[1]
    loop = jnp.arange(N, dtype=edge_index.dtype)
    src = jnp.concatenate([src, loop])
    dst = jnp.concatenate([dst, loop])
    # degree computed over destination (col) with unit edge weights
    deg = jnp.zeros((N,), dtype=x.dtype).at[dst].add(1.0)
    dinv = jnp.where(deg > 0.0, jax.lax.rsqrt(deg), 0.0)
    norm = dinv[src] * dinv[dst]
    h = x @ W
    msg = jnp.take(h, src, axis=0) * norm[:, None]
    out = jnp.zeros((N, W.shape[1]), dtype=x.dtype).at[dst].add(msg)
    return out + b


def reference(x, edge_index, W1, b1, W2, b2):
    mu = gcn_conv(x, edge_index, W1, b1)
    logstd = gcn_conv(x, edge_index, W2, b2)
    return (mu, logstd)

if __name__ == "__main__":
    import jax
    _d = setup_inputs()
    print(jax.jit(kernel)(*tuple(_d.values())))

</pallas_src>

<mosaic_0001>
#map = affine_map<(d0, d1) -> (0, 0, 0)>
#map1 = affine_map<(d0, d1) -> (0)>
module attributes {stable_mosaic.version = 14 : i64} {
  func.func @_hist_k(%arg0: i32, %arg1: i32, %arg2: memref<64x125x80xi32, #tpu.memory_space<hbm>>, %arg3: memref<80xf32, #tpu.memory_space<hbm>>, %arg4: memref<10240xf32, #tpu.memory_space<hbm>>, %arg5: memref<20480xf32, #tpu.memory_space<hbm>>, %arg6: memref<125x80xi32, #tpu.memory_space<vmem>>, %arg7: memref<80xf32, #tpu.memory_space<vmem>>, %arg8: memref<10240xf32, #tpu.memory_space<vmem_shared>>) attributes {dimension_semantics = [#tpu.dimension_semantics<core_parallel>, #tpu.dimension_semantics<subcore_parallel>], iteration_bounds = array<i64: 2, 16>, scalar_prefetch = 0 : i64, scratch_operands = 3 : i64, tpu.core_type = #tpu.core_type<sc_vector_subcore>, window_params = [{transform_indices = #map}, {transform_indices = #map1}, {transform_indices = #map1}, {transform_indices = #map1}]} {
    %mul3A = arith.constant 2 : i32
    %mul3A_0 = arith.muli %arg1, %mul3A : i32
    %add3A = arith.addi %mul3A_0, %arg0 : i32
    %mul3A_1 = arith.constant 640 : i32
    %mul3A_2 = arith.muli %arg1, %mul3A_1 : i32
    "tpu.region"() ({
      %run_scoped3A = tpu.sem_alloc : memref<!tpu.dma_semaphore, #tpu.memory_space<semaphore_mem>>
      %dma_start3A = tpu.memref_slice %arg8[%mul3A_2] : memref<10240xf32, #tpu.memory_space<vmem_shared>> -> memref<640xf32, #tpu.memory_space<vmem_shared>>
      %dma_start3A_14 = tpu.memref_slice %arg4[%mul3A_2] : memref<10240xf32, #tpu.memory_space<hbm>> -> memref<640xf32, #tpu.memory_space<hbm>>
      tpu.enqueue_dma source(%dma_start3A_14 : memref<640xf32, #tpu.memory_space<hbm>>) target(%dma_start3A : memref<640xf32, #tpu.memory_space<vmem_shared>>) target_semaphore(%run_scoped3A : memref<!tpu.dma_semaphore, #tpu.memory_space<semaphore_mem>>)
      %dma_wait3A = tpu.memref_slice %arg8[%mul3A_2] : memref<10240xf32, #tpu.memory_space<vmem_shared>> -> memref<640xf32, #tpu.memory_space<vmem_shared>>
      %dma_wait3A_15 = tpu.memref_slice %arg4[%mul3A_2] : memref<10240xf32, #tpu.memory_space<hbm>> -> memref<640xf32, #tpu.memory_space<hbm>>
      tpu.wait_dma2 semaphore(%run_scoped3A : memref<!tpu.dma_semaphore, #tpu.memory_space<semaphore_mem>>) src(%dma_wait3A_15 : memref<640xf32, #tpu.memory_space<hbm>>) dst(%dma_wait3A : memref<640xf32, #tpu.memory_space<vmem_shared>>)
      tpu.yield
    }) : () -> ()
    %add3A_3 = arith.constant 32 : i32
    %add3A_4 = arith.addi %add3A_3, %add3A : i32
    "tpu.region"() ({
      %run_scoped3A = tpu.sem_alloc : memref<!tpu.dma_semaphore, #tpu.memory_space<semaphore_mem>>
      %dma_start3A = arith.constant 0 : i32
      %dma_start3A_14 = arith.constant 0 : i32
      %dma_start3A_15 = tpu.memref_slice %arg2[%add3A_4, %dma_start3A, %dma_start3A_14] : memref<64x125x80xi32, #tpu.memory_space<hbm>> -> memref<1x125x80xi32, #tpu.memory_space<hbm>>
      %dma_start3A_16 = tpu.memref_squeeze %dma_start3A_15 : memref<1x125x80xi32, #tpu.memory_space<hbm>> -> memref<125x80xi32, #tpu.memory_space<hbm>>
      %dma_start3A_17 = arith.constant 0 : i32
      %dma_start3A_18 = arith.constant 0 : i32
      %dma_start3A_19 = tpu.memref_slice %arg2[%add3A_4, %dma_start3A_17, %dma_start3A_18] : memref<64x125x80xi32, #tpu.memory_space<hbm>> -> memref<1x125x80xi32, #tpu.memory_space<hbm>>
      %dma_start3A_20 = tpu.memref_squeeze %dma_start3A_19 : memref<1x125x80xi32, #tpu.memory_space<hbm>> -> memref<125x80xi32, #tpu.memory_space<hbm>>
      tpu.enqueue_dma source(%dma_start3A_20 : memref<125x80xi32, #tpu.memory_space<hbm>>) target(%arg6 : memref<125x80xi32, #tpu.memory_space<vmem>>) target_semaphore(%run_scoped3A : memref<!tpu.dma_semaphore, #tpu.memory_space<semaphore_mem>>)
      %dma_wait3A = arith.constant 0 : i32
      %dma_wait3A_21 = arith.constant 0 : i32
      %dma_wait3A_22 = tpu.memref_slice %arg2[%add3A_4, %dma_wait3A, %dma_wait3A_21] : memref<64x125x80xi32, #tpu.memory_space<hbm>> -> memref<1x125x80xi32, #tpu.memory_space<hbm>>
      %dma_wait3A_23 = tpu.memref_squeeze %dma_wait3A_22 : memref<1x125x80xi32, #tpu.memory_space<hbm>> -> memref<125x80xi32, #tpu.memory_space<hbm>>
      %dma_wait3A_24 = arith.constant 0 : i32
      %dma_wait3A_25 = arith.constant 0 : i32
      %dma_wait3A_26 = tpu.memref_slice %arg2[%add3A_4, %dma_wait3A_24, %dma_wait3A_25] : memref<64x125x80xi32, #tpu.memory_space<hbm>> -> memref<1x125x80xi32, #tpu.memory_space<hbm>>
      %dma_wait3A_27 = tpu.memref_squeeze %dma_wait3A_26 : memref<1x125x80xi32, #tpu.memory_space<hbm>> -> memref<125x80xi32, #tpu.memory_space<hbm>>
      tpu.wait_dma2 semaphore(%run_scoped3A : memref<!tpu.dma_semaphore, #tpu.memory_space<semaphore_mem>>) src(%dma_wait3A_27 : memref<125x80xi32, #tpu.memory_space<hbm>>) dst(%arg6 : memref<125x80xi32, #tpu.memory_space<vmem>>)
      tpu.yield
    }) : () -> ()
    "tpu.region"() ({
      %run_scoped3A = tpu.sem_alloc : memref<!tpu.dma_semaphore, #tpu.memory_space<semaphore_mem>>
      tpu.enqueue_dma source(%arg3 : memref<80xf32, #tpu.memory_space<hbm>>) target(%arg7 : memref<80xf32, #tpu.memory_space<vmem>>) target_semaphore(%run_scoped3A : memref<!tpu.dma_semaphore, #tpu.memory_space<semaphore_mem>>)
      tpu.wait_dma2 semaphore(%run_scoped3A : memref<!tpu.dma_semaphore, #tpu.memory_space<semaphore_mem>>) src(%arg3 : memref<80xf32, #tpu.memory_space<hbm>>) dst(%arg7 : memref<80xf32, #tpu.memory_space<vmem>>)
      tpu.yield
    }) : () -> ()
    %barrier3A = arith.constant 0 : index
    tpu.barrier barrier_id(%barrier3A)
    %scan3A = arith.constant 0 : i32
    %scan3A_5 = arith.constant 0 : i32
    %scan3A_6 = arith.constant 125 : i32
    %scan3A_7 = arith.addi %scan3A_5, %scan3A_6 : i32
    %scan3A_8 = arith.constant 1 : i32
    scf.for %scan3A_14 = %scan3A_5 to %scan3A_7 step %scan3A_8  : i32 {
      "tpu.region"() ({
        %run_scoped3A = tpu.sem_alloc : memref<!tpu.dma_semaphore, #tpu.memory_space<semaphore_mem>>
        %dma_start3A = arith.constant 0 : i32
        %dma_start3A_15 = tpu.memref_slice %arg6[%scan3A_14, %dma_start3A] : memref<125x80xi32, #tpu.memory_space<vmem>> -> memref<1x80xi32, #tpu.memory_space<vmem>>
        %dma_start3A_16 = tpu.memref_squeeze %dma_start3A_15 : memref<1x80xi32, #tpu.memory_space<vmem>> -> memref<80xi32, #tpu.memory_space<vmem>>
        %dma_start3A_17 = arith.constant 0 : i32
        %dma_start3A_18 = tpu.memref_slice %arg8[%dma_start3A_17] : memref<10240xf32, #tpu.memory_space<vmem_shared>> -> memref<10240xf32, #tpu.memory_space<vmem_shared>>
        tpu.enqueue_indirect_dma source(%arg7 : memref<80xf32, #tpu.memory_space<vmem>>) target(%dma_start3A_18 : memref<10240xf32, #tpu.memory_space<vmem_shared>>) offsets(%dma_start3A_16 : memref<80xi32, #tpu.memory_space<vmem>>) semaphore(%run_scoped3A : memref<!tpu.dma_semaphore, #tpu.memory_space<semaphore_mem>>) {add = true}
        %dma_wait3A = arith.constant 0 : i32
        %dma_wait3A_19 = tpu.memref_slice %arg6[%scan3A_14, %dma_wait3A] : memref<125x80xi32, #tpu.memory_space<vmem>> -> memref<1x80xi32, #tpu.memory_space<vmem>>
        %dma_wait3A_20 = tpu.memref_squeeze %dma_wait3A_19 : memref<1x80xi32, #tpu.memory_space<vmem>> -> memref<80xi32, #tpu.memory_space<vmem>>
        %dma_wait3A_21 = arith.constant 0 : i32
        %dma_wait3A_22 = tpu.memref_slice %arg8[%dma_wait3A_21] : memref<10240xf32, #tpu.memory_space<vmem_shared>> -> memref<10240xf32, #tpu.memory_space<vmem_shared>>
        tpu.wait_indirect_dma semaphore(%run_scoped3A : memref<!tpu.dma_semaphore, #tpu.memory_space<semaphore_mem>>) src(%arg7 : memref<80xf32, #tpu.memory_space<vmem>>) dst(%dma_wait3A_22 : memref<10240xf32, #tpu.memory_space<vmem_shared>>)
        tpu.yield
      }) : () -> ()
    }
    %scan3A_9 = arith.constant 125 : i32
    %barrier3A_10 = arith.constant 0 : index
    tpu.barrier barrier_id(%barrier3A_10)
    %mul3A_11 = arith.constant 10240 : i32
    %mul3A_12 = arith.muli %arg0, %mul3A_11 : i32
    %add3A_13 = arith.addi %mul3A_12, %mul3A_2 : i32
    "tpu.region"() ({
      %run_scoped3A = tpu.sem_alloc : memref<!tpu.dma_semaphore, #tpu.memory_space<semaphore_mem>>
      %dma_start3A = tpu.memref_slice %arg5[%add3A_13] : memref<20480xf32, #tpu.memory_space<hbm>> -> memref<640xf32, #tpu.memory_space<hbm>>
      %dma_start3A_14 = tpu.memref_slice %arg8[%mul3A_2] : memref<10240xf32, #tpu.memory_space<vmem_shared>> -> memref<640xf32, #tpu.memory_space<vmem_shared>>
      tpu.enqueue_dma source(%dma_start3A_14 : memref<640xf32, #tpu.memory_space<vmem_shared>>) target(%dma_start3A : memref<640xf32, #tpu.memory_space<hbm>>) target_semaphore(%run_scoped3A : memref<!tpu.dma_semaphore, #tpu.memory_space<semaphore_mem>>)
      %dma_wait3A = tpu.memref_slice %arg5[%add3A_13] : memref<20480xf32, #tpu.memory_space<hbm>> -> memref<640xf32, #tpu.memory_space<hbm>>
      %dma_wait3A_15 = tpu.memref_slice %arg8[%mul3A_2] : memref<10240xf32, #tpu.memory_space<vmem_shared>> -> memref<640xf32, #tpu.memory_space<vmem_shared>>
      tpu.wait_dma2 semaphore(%run_scoped3A : memref<!tpu.dma_semaphore, #tpu.memory_space<semaphore_mem>>) src(%dma_wait3A_15 : memref<640xf32, #tpu.memory_space<vmem_shared>>) dst(%dma_wait3A : memref<640xf32, #tpu.memory_space<hbm>>)
      tpu.yield
    }) : () -> ()
    return
  }
}

#map = affine_map<(d0, d1) -> (0, 0, 0)>
#map1 = affine_map<(d0, d1) -> (0, 0)>
module attributes {stable_mosaic.version = 14 : i64} {
  func.func @_scatter_k(%arg0: i32, %arg1: i32, %arg2: memref<64x125x80xi32, #tpu.memory_space<hbm>>, %arg3: memref<10000x128xf32, #tpu.memory_space<hbm>>, %arg4: memref<10000x128xf32, #tpu.memory_space<hbm>>, %arg5: memref<20000x128xf32, #tpu.memory_space<hbm>>, %arg6: memref<32x80xi32, #tpu.memory_space<vmem>>, %arg7: memref<32x80xi32, #tpu.memory_space<vmem>>, %arg8: memref<80x128xf32, #tpu.memory_space<vmem>>, %arg9: memref<80x128xf32, #tpu.memory_space<vmem>>, %arg10: memref<80x128xf32, #tpu.memory_space<vmem>>, %arg11: memref<10000x128xf32, #tpu.memory_space<vmem_shared>>, %arg12: memref<!tpu.dma_semaphore, #tpu.memory_space<semaphore_mem>>, %arg13: memref<!tpu.dma_semaphore, #tpu.memory_space<semaphore_mem>>, %arg14: memref<!tpu.dma_semaphore, #tpu.memory_space<semaphore_mem>>) attributes {dimension_semantics = [#tpu.dimension_semantics<core_parallel>, #tpu.dimension_semantics<subcore_parallel>], iteration_bounds = array<i64: 2, 16>, scalar_prefetch = 0 : i64, scratch_operands = 9 : i64, tpu.core_type = #tpu.core_type<sc_vector_subcore>, window_params = [{transform_indices = #map}, {transform_indices = #map1}, {transform_indices = #map1}, {transform_indices = #map1}]} {
    %mul3A = arith.constant 2 : i32
    %mul3A_0 = arith.muli %arg1, %mul3A : i32
    %add3A = arith.addi %mul3A_0, %arg0 : i32
    %mul3A_1 = arith.constant 624 : i32
    %mul3A_2 = arith.muli %arg1, %mul3A_1 : i32
    %eq3A = arith.constant 0 : i32
    %eq3A_3 = arith.cmpi eq, %arg0, %eq3A : i32
    %convert_element_type3A = arith.extui %eq3A_3 : i1 to i32
    %cond3A = arith.constant 0 : i32
    %cond3A_4 = arith.cmpi ne, %convert_element_type3A, %cond3A : i32
    scf.if %cond3A_4 {
      "tpu.region"() ({
        %run_scoped3A_321 = tpu.sem_alloc : memref<!tpu.dma_semaphore, #tpu.memory_space<semaphore_mem>>
        %dma_start3A_322 = arith.constant 0 : i32
        %dma_start3A_323 = tpu.memref_slice %arg11[%mul3A_2, %dma_start3A_322] : memref<10000x128xf32, #tpu.memory_space<vmem_shared>> -> memref<640x128xf32, #tpu.memory_space<vmem_shared>>
        %dma_start3A_324 = arith.constant 0 : i32
        %dma_start3A_325 = tpu.memref_slice %arg3[%mul3A_2, %dma_start3A_324] : memref<10000x128xf32, #tpu.memory_space<hbm>> -> memref<640x128xf32, #tpu.memory_space<hbm>>
        tpu.enqueue_dma source(%dma_start3A_325 : memref<640x128xf32, #tpu.memory_space<hbm>>) target(%dma_start3A_323 : memref<640x128xf32, #tpu.memory_space<vmem_shared>>) target_semaphore(%run_scoped3A_321 : memref<!tpu.dma_semaphore, #tpu.memory_space<semaphore_mem>>)
        %dma_wait3A_326 = arith.constant 0 : i32
        %dma_wait3A_327 = tpu.memref_slice %arg11[%mul3A_2, %dma_wait3A_326] : memref<10000x128xf32, #tpu.memory_space<vmem_shared>> -> memref<640x128xf32, #tpu.memory_space<vmem_shared>>
        %dma_wait3A_328 = arith.constant 0 : i32
        %dma_wait3A_329 = tpu.memref_slice %arg3[%mul3A_2, %dma_wait3A_328] : memref<10000x128xf32, #tpu.memory_space<hbm>> -> memref<640x128xf32, #tpu.memory_space<hbm>>
        tpu.wait_dma2 semaphore(%run_scoped3A_321 : memref<!tpu.dma_semaphore, #tpu.memory_space<semaphore_mem>>) src(%dma_wait3A_329 : memref<640x128xf32, #tpu.memory_space<hbm>>) dst(%dma_wait3A_327 : memref<640x128xf32, #tpu.memory_space<vmem_shared>>)
        tpu.yield
      }) : () -> ()
    } else {
    }
    %ne3A = arith.constant 0 : i32
    %ne3A_5 = arith.cmpi ne, %arg0, %ne3A : i32
    %convert_element_type3A_6 = arith.extui %ne3A_5 : i1 to i32
    %cond3A_7 = arith.constant 0 : i32
    %cond3A_8 = arith.cmpi ne, %convert_element_type3A_6, %cond3A_7 : i32
    scf.if %cond3A_8 {
      "tpu.region"() ({
        %run_scoped3A_321 = tpu.sem_alloc : memref<!tpu.dma_semaphore, #tpu.memory_space<semaphore_mem>>
        %dma_start3A_322 = arith.constant 0 : i32
        %dma_start3A_323 = tpu.memref_slice %arg11[%mul3A_2, %dma_start3A_322] : memref<10000x128xf32, #tpu.memory_space<vmem_shared>> -> memref<640x128xf32, #tpu.memory_space<vmem_shared>>
        %dma_start3A_324 = arith.constant 0 : i32
        %dma_start3A_325 = tpu.memref_slice %arg4[%mul3A_2, %dma_start3A_324] : memref<10000x128xf32, #tpu.memory_space<hbm>> -> memref<640x128xf32, #tpu.memory_space<hbm>>
        tpu.enqueue_dma source(%dma_start3A_325 : memref<640x128xf32, #tpu.memory_space<hbm>>) target(%dma_start3A_323 : memref<640x128xf32, #tpu.memory_space<vmem_shared>>) target_semaphore(%run_scoped3A_321 : memref<!tpu.dma_semaphore, #tpu.memory_space<semaphore_mem>>)
        %dma_wait3A_326 = arith.constant 0 : i32
        %dma_wait3A_327 = tpu.memref_slice %arg11[%mul3A_2, %dma_wait3A_326] : memref<10000x128xf32, #tpu.memory_space<vmem_shared>> -> memref<640x128xf32, #tpu.memory_space<vmem_shared>>
        %dma_wait3A_328 = arith.constant 0 : i32
        %dma_wait3A_329 = tpu.memref_slice %arg4[%mul3A_2, %dma_wait3A_328] : memref<10000x128xf32, #tpu.memory_space<hbm>> -> memref<640x128xf32, #tpu.memory_space<hbm>>
        tpu.wait_dma2 semaphore(%run_scoped3A_321 : memref<!tpu.dma_semaphore, #tpu.memory_space<semaphore_mem>>) src(%dma_wait3A_329 : memref<640x128xf32, #tpu.memory_space<hbm>>) dst(%dma_wait3A_327 : memref<640x128xf32, #tpu.memory_space<vmem_shared>>)
        tpu.yield
      }) : () -> ()
    } else {
    }
    %barrier3A = arith.constant 0 : index
    tpu.barrier barrier_id(%barrier3A)
    "tpu.region"() ({
      %run_scoped3A_321 = tpu.sem_alloc : memref<!tpu.dma_semaphore, #tpu.memory_space<semaphore_mem>>
      %dma_start3A_322 = arith.constant 0 : i32
      %dma_start3A_323 = arith.constant 0 : i32
      %dma_start3A_324 = tpu.memref_slice %arg2[%add3A, %dma_start3A_322, %dma_start3A_323] : memref<64x125x80xi32, #tpu.memory_space<hbm>> -> memref<1x32x80xi32, #tpu.memory_space<hbm>>
      %dma_start3A_325 = tpu.memref_squeeze %dma_start3A_324 : memref<1x32x80xi32, #tpu.memory_space<hbm>> -> memref<32x80xi32, #tpu.memory_space<hbm>>
      %dma_start3A_326 = arith.constant 0 : i32
      %dma_start3A_327 = arith.constant 0 : i32
      %dma_start3A_328 = tpu.memref_slice %arg2[%add3A, %dma_start3A_326, %dma_start3A_327] : memref<64x125x80xi32, #tpu.memory_space<hbm>> -> memref<1x32x80xi32, #tpu.memory_space<hbm>>
      %dma_start3A_329 = tpu.memref_squeeze %dma_start3A_328 : memref<1x32x80xi32, #tpu.memory_space<hbm>> -> memref<32x80xi32, #tpu.memory_space<hbm>>
      tpu.enqueue_dma source(%dma_start3A_329 : memref<32x80xi32, #tpu.memory_space<hbm>>) target(%arg6 : memref<32x80xi32, #tpu.memory_space<vmem>>) target_semaphore(%run_scoped3A_321 : memref<!tpu.dma_semaphore, #tpu.memory_space<semaphore_mem>>)
      %dma_wait3A_330 = arith.constant 0 : i32
      %dma_wait3A_331 = arith.constant 0 : i32
      %dma_wait3A_332 = tpu.memref_slice %arg2[%add3A, %dma_wait3A_330, %dma_wait3A_331] : memref<64x125x80xi32, #tpu.memory_space<hbm>> -> memref<1x32x80xi32, #tpu.memory_space<hbm>>
      %dma_wait3A_333 = tpu.memref_squeeze %dma_wait3A_332 : memref<1x32x80xi32, #tpu.memory_space<hbm>> -> memref<32x80xi32, #tpu.memory_space<hbm>>
      %dma_wait3A_334 = arith.constant 0 : i32
      %dma_wait3A_335 = arith.constant 0 : i32
      %dma_wait3A_336 = tpu.memref_slice %arg2[%add3A, %dma_wait3A_334, %dma_wait3A_335] : memref<64x125x80xi32, #tpu.memory_space<hbm>> -> memref<1x32x80xi32, #tpu.memory_space<hbm>>
      %dma_wait3A_337 = tpu.memref_squeeze %dma_wait3A_336 : memref<1x32x80xi32, #tpu.memory_space<hbm>> -> memref<32x80xi32, #tpu.memory_space<hbm>>
      tpu.wait_dma2 semaphore(%run_scoped3A_321 : memref<!tpu.dma_semaphore, #tpu.memory_space<semaphore_mem>>) src(%dma_wait3A_337 : memref<32x80xi32, #tpu.memory_space<hbm>>) dst(%arg6 : memref<32x80xi32, #tpu.memory_space<vmem>>)
      tpu.yield
    }) : () -> ()
    %add3A_9 = arith.constant 32 : i32
    %add3A_10 = arith.addi %add3A_9, %add3A : i32
    "tpu.region"() ({
      %run_scoped3A_321 = tpu.sem_alloc : memref<!tpu.dma_semaphore, #tpu.memory_space<semaphore_mem>>
      %dma_start3A_322 = arith.constant 0 : i32
      %dma_start3A_323 = arith.constant 0 : i32
      %dma_start3A_324 = tpu.memref_slice %arg2[%add3A_10, %dma_start3A_322, %dma_start3A_323] : memref<64x125x80xi32, #tpu.memory_space<hbm>> -> memref<1x32x80xi32, #tpu.memory_space<hbm>>
      %dma_start3A_325 = tpu.memref_squeeze %dma_start3A_324 : memref<1x32x80xi32, #tpu.memory_space<hbm>> -> memref<32x80xi32, #tpu.memory_space<hbm>>
      %dma_start3A_326 = arith.constant 0 : i32
      %dma_start3A_327 = arith.constant 0 : i32
      %dma_start3A_328 = tpu.memref_slice %arg2[%add3A_10, %dma_start3A_326, %dma_start3A_327] : memref<64x125x80xi32, #tpu.memory_space<hbm>> -> memref<1x32x80xi32, #tpu.memory_space<hbm>>
      %dma_start3A_329 = tpu.memref_squeeze %dma_start3A_328 : memref<1x32x80xi32, #tpu.memory_space<hbm>> -> memref<32x80xi32, #tpu.memory_space<hbm>>
      tpu.enqueue_dma source(%dma_start3A_329 : memref<32x80xi32, #tpu.memory_space<hbm>>) target(%arg7 : memref<32x80xi32, #tpu.memory_space<vmem>>) target_semaphore(%run_scoped3A_321 : memref<!tpu.dma_semaphore, #tpu.memory_space<semaphore_mem>>)
      %dma_wait3A_330 = arith.constant 0 : i32
      %dma_wait3A_331 = arith.constant 0 : i32
      %dma_wait3A_332 = tpu.memref_slice %arg2[%add3A_10, %dma_wait3A_330, %dma_wait3A_331] : memref<64x125x80xi32, #tpu.memory_space<hbm>> -> memref<1x32x80xi32, #tpu.memory_space<hbm>>
      %dma_wait3A_333 = tpu.memref_squeeze %dma_wait3A_332 : memref<1x32x80xi32, #tpu.memory_space<hbm>> -> memref<32x80xi32, #tpu.memory_space<hbm>>
      %dma_wait3A_334 = arith.constant 0 : i32
      %dma_wait3A_335 = arith.constant 0 : i32
      %dma_wait3A_336 = tpu.memref_slice %arg2[%add3A_10, %dma_wait3A_334, %dma_wait3A_335] : memref<64x125x80xi32, #tpu.memory_space<hbm>> -> memref<1x32x80xi32, #tpu.memory_space<hbm>>
      %dma_wait3A_337 = tpu.memref_squeeze %dma_wait3A_336 : memref<1x32x80xi32, #tpu.memory_space<hbm>> -> memref<32x80xi32, #tpu.memory_space<hbm>>
      tpu.wait_dma2 semaphore(%run_scoped3A_321 : memref<!tpu.dma_semaphore, #tpu.memory_space<semaphore_mem>>) src(%dma_wait3A_337 : memref<32x80xi32, #tpu.memory_space<hbm>>) dst(%arg7 : memref<32x80xi32, #tpu.memory_space<vmem>>)
      tpu.yield
    }) : () -> ()
    %dma_start3A = arith.constant 0 : i32
    %dma_start3A_11 = arith.constant 0 : i32
    %dma_start3A_12 = tpu.memref_slice %arg6[%dma_start3A, %dma_start3A_11] : memref<32x80xi32, #tpu.memory_space<vmem>> -> memref<1x80xi32, #tpu.memory_space<vmem>>
    %dma_start3A_13 = tpu.memref_squeeze %dma_start3A_12 : memref<1x80xi32, #tpu.memory_space<vmem>> -> memref<80xi32, #tpu.memory_space<vmem>>
    %dma_start3A_14 = arith.constant 0 : i32
    %dma_start3A_15 = arith.constant 0 : i32
    %dma_start3A_16 = tpu.memref_slice %arg3[%dma_start3A_14, %dma_start3A_15] : memref<10000x128xf32, #tpu.memory_space<hbm>> -> memref<10000x128xf32, #tpu.memory_space<hbm>>
    tpu.enqueue_indirect_dma source(%dma_start3A_16 : memref<10000x128xf32, #tpu.memory_space<hbm>>) target(%arg8 : memref<80x128xf32, #tpu.memory_space<vmem>>) offsets(%dma_start3A_13 : memref<80xi32, #tpu.memory_space<vmem>>) semaphore(%arg12 : memref<!tpu.dma_semaphore, #tpu.memory_space<semaphore_mem>>)
    %dma_start3A_17 = arith.constant 1 : i32
    %dma_start3A_18 = arith.constant 0 : i32
    %dma_start3A_19 = tpu.memref_slice %arg6[%dma_start3A_17, %dma_start3A_18] : memref<32x80xi32, #tpu.memory_space<vmem>> -> memref<1x80xi32, #tpu.memory_space<vmem>>
    %dma_start3A_20 = tpu.memref_squeeze %dma_start3A_19 : memref<1x80xi32, #tpu.memory_space<vmem>> -> memref<80xi32, #tpu.memory_space<vmem>>
    %dma_start3A_21 = arith.constant 0 : i32
    %dma_start3A_22 = arith.constant 0 : i32
    %dma_start3A_23 = tpu.memref_slice %arg3[%dma_start3A_21, %dma_start3A_22] : memref<10000x128xf32, #tpu.memory_space<hbm>> -> memref<10000x128xf32, #tpu.memory_space<hbm>>
    tpu.enqueue_indirect_dma source(%dma_start3A_23 : memref<10000x128xf32, #tpu.memory_space<hbm>>) target(%arg9 : memref<80x128xf32, #tpu.memory_space<vmem>>) offsets(%dma_start3A_20 : memref<80xi32, #tpu.memory_space<vmem>>) semaphore(%arg13 : memref<!tpu.dma_semaphore, #tpu.memory_space<semaphore_mem>>)
    %dma_start3A_24 = arith.constant 2 : i32
    %dma_start3A_25 = arith.constant 0 : i32
    %dma_start3A_26 = tpu.memref_slice %arg6[%dma_start3A_24, %dma_start3A_25] : memref<32x80xi32, #tpu.memory_space<vmem>> -> memref<1x80xi32, #tpu.memory_space<vmem>>
    %dma_start3A_27 = tpu.memref_squeeze %dma_start3A_26 : memref<1x80xi32, #tpu.memory_space<vmem>> -> memref<80xi32, #tpu.memory_space<vmem>>
    %dma_start3A_28 = arith.constant 0 : i32
    %dma_start3A_29 = arith.constant 0 : i32
    %dma_start3A_30 = tpu.memref_slice %arg3[%dma_start3A_28, %dma_start3A_29] : memref<10000x128xf32, #tpu.memory_space<hbm>> -> memref<10000x128xf32, #tpu.memory_space<hbm>>
    tpu.enqueue_indirect_dma source(%dma_start3A_30 : memref<10000x128xf32, #tpu.memory_space<hbm>>) target(%arg10 : memref<80x128xf32, #tpu.memory_space<vmem>>) offsets(%dma_start3A_27 : memref<80xi32, #tpu.memory_space<vmem>>) semaphore(%arg14 : memref<!tpu.dma_semaphore, #tpu.memory_space<semaphore_mem>>)
    %scan3A = arith.constant 0 : i32
    %scan3A_31 = arith.constant 0 : i32
    %scan3A_32 = arith.constant 9 : i32
    %scan3A_33 = arith.addi %scan3A_31, %scan3A_32 : i32
    %scan3A_34 = arith.constant 1 : i32
    scf.for %scan3A_321 = %scan3A_31 to %scan3A_33 step %scan3A_34  : i32 {
      %mul3A_322 = arith.constant 3 : i32
      %mul3A_323 = arith.muli %mul3A_322, %scan3A_321 : i32
      %dma_wait3A_324 = arith.constant 0 : i32
      %dma_wait3A_325 = arith.constant 0 : i32
      %dma_wait3A_326 = tpu.memref_slice %arg3[%dma_wait3A_324, %dma_wait3A_325] : memref<10000x128xf32, #tpu.memory_space<hbm>> -> memref<80x128xf32, #tpu.memory_space<hbm>>
      %dma_wait3A_327 = arith.constant 0 : i32
      %dma_wait3A_328 = arith.constant 0 : i32
      %dma_wait3A_329 = tpu.memref_slice %arg3[%dma_wait3A_327, %dma_wait3A_328] : memref<10000x128xf32, #tpu.memory_space<hbm>> -> memref<80x128xf32, #tpu.memory_space<hbm>>
      tpu.wait_dma2 semaphore(%arg12 : memref<!tpu.dma_semaphore, #tpu.memory_space<semaphore_mem>>) src(%dma_wait3A_329 : memref<80x128xf32, #tpu.memory_space<hbm>>) dst(%arg8 : memref<80x128xf32, #tpu.memory_space<vmem>>)
      %add3A_330 = arith.constant 0 : i32
      %add3A_331 = arith.addi %mul3A_323, %add3A_330 : i32
      "tpu.region"() ({
        %run_scoped3A_378 = tpu.sem_alloc : memref<!tpu.dma_semaphore, #tpu.memory_space<semaphore_mem>>
        %dma_start3A_379 = arith.constant 0 : i32
        %dma_start3A_380 = tpu.memref_slice %arg7[%add3A_331, %dma_start3A_379] : memref<32x80xi32, #tpu.memory_space<vmem>> -> memref<1x80xi32, #tpu.memory_space<vmem>>
        %dma_start3A_381 = tpu.memref_squeeze %dma_start3A_380 : memref<1x80xi32, #tpu.memory_space<vmem>> -> memref<80xi32, #tpu.memory_space<vmem>>
        %dma_start3A_382 = arith.constant 0 : i32
        %dma_start3A_383 = arith.constant 0 : i32
        %dma_start3A_384 = tpu.memref_slice %arg11[%dma_start3A_382, %dma_start3A_383] : memref<10000x128xf32, #tpu.memory_space<vmem_shared>> -> memref<10000x128xf32, #tpu.memory_space<vmem_shared>>
        tpu.enqueue_indirect_dma source(%arg8 : memref<80x128xf32, #tpu.memory_space<vmem>>) target(%dma_start3A_384 : memref<10000x128xf32, #tpu.memory_space<vmem_shared>>) offsets(%dma_start3A_381 : memref<80xi32, #tpu.memory_space<vmem>>) semaphore(%run_scoped3A_378 : memref<!tpu.dma_semaphore, #tpu.memory_space<semaphore_mem>>) {add = true}
        %dma_wait3A_385 = arith.constant 0 : i32
        %dma_wait3A_386 = tpu.memref_slice %arg7[%add3A_331, %dma_wait3A_385] : memref<32x80xi32, #tpu.memory_space<vmem>> -> memref<1x80xi32, #tpu.memory_space<vmem>>
        %dma_wait3A_387 = tpu.memref_squeeze %dma_wait3A_386 : memref<1x80xi32, #tpu.memory_space<vmem>> -> memref<80xi32, #tpu.memory_space<vmem>>
        %dma_wait3A_388 = arith.constant 0 : i32
        %dma_wait3A_389 = arith.constant 0 : i32
        %dma_wait3A_390 = tpu.memref_slice %arg11[%dma_wait3A_388, %dma_wait3A_389] : memref<10000x128xf32, #tpu.memory_space<vmem_shared>> -> memref<10000x128xf32, #tpu.memory_space<vmem_shared>>
        tpu.wait_indirect_dma semaphore(%run_scoped3A_378 : memref<!tpu.dma_semaphore, #tpu.memory_space<semaphore_mem>>) src(%arg8 : memref<80x128xf32, #tpu.memory_space<vmem>>) dst(%dma_wait3A_390 : memref<10000x128xf32, #tpu.memory_space<vmem_shared>>)
        tpu.yield
      }) : () -> ()
      %add3A_332 = arith.constant 0 : i32
      %add3A_333 = arith.addi %mul3A_323, %add3A_332 : i32
      %add3A_334 = arith.constant 3 : i32
      %add3A_335 = arith.addi %add3A_333, %add3A_334 : i32
      %dma_start3A_336 = arith.constant 0 : i32
      %dma_start3A_337 = tpu.memref_slice %arg6[%add3A_335, %dma_start3A_336] : memref<32x80xi32, #tpu.memory_space<vmem>> -> memref<1x80xi32, #tpu.memory_space<vmem>>
      %dma_start3A_338 = tpu.memref_squeeze %dma_start3A_337 : memref<1x80xi32, #tpu.memory_space<vmem>> -> memref<80xi32, #tpu.memory_space<vmem>>
      %dma_start3A_339 = arith.constant 0 : i32
      %dma_start3A_340 = arith.constant 0 : i32
      %dma_start3A_341 = tpu.memref_slice %arg3[%dma_start3A_339, %dma_start3A_340] : memref<10000x128xf32, #tpu.memory_space<hbm>> -> memref<10000x128xf32, #tpu.memory_space<hbm>>
      tpu.enqueue_indirect_dma source(%dma_start3A_341 : memref<10000x128xf32, #tpu.memory_space<hbm>>) target(%arg8 : memref<80x128xf32, #tpu.memory_space<vmem>>) offsets(%dma_start3A_338 : memref<80xi32, #tpu.memory_space<vmem>>) semaphore(%arg12 : memref<!tpu.dma_semaphore, #tpu.memory_space<semaphore_mem>>)
      %dma_wait3A_342 = arith.constant 0 : i32
      %dma_wait3A_343 = arith.constant 0 : i32
      %dma_wait3A_344 = tpu.memref_slice %arg3[%dma_wait3A_342, %dma_wait3A_343] : memref<10000x128xf32, #tpu.memory_space<hbm>> -> memref<80x128xf32, #tpu.memory_space<hbm>>
      %dma_wait3A_345 = arith.constant 0 : i32
      %dma_wait3A_346 = arith.constant 0 : i32
      %dma_wait3A_347 = tpu.memref_slice %arg3[%dma_wait3A_345, %dma_wait3A_346] : memref<10000x128xf32, #tpu.memory_space<hbm>> -> memref<80x128xf32, #tpu.memory_space<hbm>>
      tpu.wait_dma2 semaphore(%arg13 : memref<!tpu.dma_semaphore, #tpu.memory_space<semaphore_mem>>) src(%dma_wait3A_347 : memref<80x128xf32, #tpu.memory_space<hbm>>) dst(%arg9 : memref<80x128xf32, #tpu.memory_space<vmem>>)
      %add3A_348 = arith.constant 1 : i32
      %add3A_349 = arith.addi %mul3A_323, %add3A_348 : i32
      "tpu.region"() ({
        %run_scoped3A_378 = tpu.sem_alloc : memref<!tpu.dma_semaphore, #tpu.memory_space<semaphore_mem>>
        %dma_start3A_379 = arith.constant 0 : i32
        %dma_start3A_380 = tpu.memref_slice %arg7[%add3A_349, %dma_start3A_379] : memref<32x80xi32, #tpu.memory_space<vmem>> -> memref<1x80xi32, #tpu.memory_space<vmem>>
        %dma_start3A_381 = tpu.memref_squeeze %dma_start3A_380 : memref<1x80xi32, #tpu.memory_space<vmem>> -> memref<80xi32, #tpu.memory_space<vmem>>
        %dma_start3A_382 = arith.constant 0 : i32
        %dma_start3A_383 = arith.constant 0 : i32
        %dma_start3A_384 = tpu.memref_slice %arg11[%dma_start3A_382, %dma_start3A_383] : memref<10000x128xf32, #tpu.memory_space<vmem_shared>> -> memref<10000x128xf32, #tpu.memory_space<vmem_shared>>
        tpu.enqueue_indirect_dma source(%arg9 : memref<80x128xf32, #tpu.memory_space<vmem>>) target(%dma_start3A_384 : memref<10000x128xf32, #tpu.memory_space<vmem_shared>>) offsets(%dma_start3A_381 : memref<80xi32, #tpu.memory_space<vmem>>) semaphore(%run_scoped3A_378 : memref<!tpu.dma_semaphore, #tpu.memory_space<semaphore_mem>>) {add = true}
        %dma_wait3A_385 = arith.constant 0 : i32
        %dma_wait3A_386 = tpu.memref_slice %arg7[%add3A_349, %dma_wait3A_385] : memref<32x80xi32, #tpu.memory_space<vmem>> -> memref<1x80xi32, #tpu.memory_space<vmem>>
        %dma_wait3A_387 = tpu.memref_squeeze %dma_wait3A_386 : memref<1x80xi32, #tpu.memory_space<vmem>> -> memref<80xi32, #tpu.memory_space<vmem>>
        %dma_wait3A_388 = arith.constant 0 : i32
        %dma_wait3A_389 = arith.constant 0 : i32
        %dma_wait3A_390 = tpu.memref_slice %arg11[%dma_wait3A_388, %dma_wait3A_389] : memref<10000x128xf32, #tpu.memory_space<vmem_shared>> -> memref<10000x128xf32, #tpu.memory_space<vmem_shared>>
        tpu.wait_indirect_dma semaphore(%run_scoped3A_378 : memref<!tpu.dma_semaphore, #tpu.memory_space<semaphore_mem>>) src(%arg9 : memref<80x128xf32, #tpu.memory_space<vmem>>) dst(%dma_wait3A_390 : memref<10000x128xf32, #tpu.memory_space<vmem_shared>>)
        tpu.yield
      }) : () -> ()
      %add3A_350 = arith.constant 1 : i32
      %add3A_351 = arith.addi %mul3A_323, %add3A_350 : i32
      %add3A_352 = arith.constant 3 : i32
      %add3A_353 = arith.addi %add3A_351, %add3A_352 : i32
      %dma_start3A_354 = arith.constant 0 : i32
      %dma_start3A_355 = tpu.memref_slice %arg6[%add3A_353, %dma_start3A_354] : memref<32x80xi32, #tpu.memory_space<vmem>> -> memref<1x80xi32, #tpu.memory_space<vmem>>
      %dma_start3A_356 = tpu.memref_squeeze %dma_start3A_355 : memref<1x80xi32, #tpu.memory_space<vmem>> -> memref<80xi32, #tpu.memory_space<vmem>>
      %dma_start3A_357 = arith.constant 0 : i32
      %dma_start3A_358 = arith.constant 0 : i32
      %dma_start3A_359 = tpu.memref_slice %arg3[%dma_start3A_357, %dma_start3A_358] : memref<10000x128xf32, #tpu.memory_space<hbm>> -> memref<10000x128xf32, #tpu.memory_space<hbm>>
      tpu.enqueue_indirect_dma source(%dma_start3A_359 : memref<10000x128xf32, #tpu.memory_space<hbm>>) target(%arg9 : memref<80x128xf32, #tpu.memory_space<vmem>>) offsets(%dma_start3A_356 : memref<80xi32, #tpu.memory_space<vmem>>) semaphore(%arg13 : memref<!tpu.dma_semaphore, #tpu.memory_space<semaphore_mem>>)
      %dma_wait3A_360 = arith.constant 0 : i32
      %dma_wait3A_361 = arith.constant 0 : i32
      %dma_wait3A_362 = tpu.memref_slice %arg3[%dma_wait3A_360, %dma_wait3A_361] : memref<10000x128xf32, #tpu.memory_space<hbm>> -> memref<80x128xf32, #tpu.memory_space<hbm>>
      %dma_wait3A_363 = arith.constant 0 : i32
      %dma_wait3A_364 = arith.constant 0 : i32
      %dma_wait3A_365 = tpu.memref_slice %arg3[%dma_wait3A_363, %dma_wait3A_364] : memref<10000x128xf32, #tpu.memory_space<hbm>> -> memref<80x128xf32, #tpu.memory_space<hbm>>
      tpu.wait_dma2 semaphore(%arg14 : memref<!tpu.dma_semaphore, #tpu.memory_space<semaphore_mem>>) src(%dma_wait3A_365 : memref<80x128xf32, #tpu.memory_space<hbm>>) dst(%arg10 : memref<80x128xf32, #tpu.memory_space<vmem>>)
      %add3A_366 = arith.constant 2 : i32
      %add3A_367 = arith.addi %mul3A_323, %add3A_366 : i32
      "tpu.region"() ({
        %run_scoped3A_378 = tpu.sem_alloc : memref<!tpu.dma_semaphore, #tpu.memory_space<semaphore_mem>>
        %dma_start3A_379 = arith.constant 0 : i32
        %dma_start3A_380 = tpu.memref_slice %arg7[%add3A_367, %dma_start3A_379] : memref<32x80xi32, #tpu.memory_space<vmem>> -> memref<1x80xi32, #tpu.memory_space<vmem>>
        %dma_start3A_381 = tpu.memref_squeeze %dma_start3A_380 : memref<1x80xi32, #tpu.memory_space<vmem>> -> memref<80xi32, #tpu.memory_space<vmem>>
        %dma_start3A_382 = arith.constant 0 : i32
        %dma_start3A_383 = arith.constant 0 : i32
        %dma_start3A_384 = tpu.memref_slice %arg11[%dma_start3A_382, %dma_start3A_383] : memref<10000x128xf32, #tpu.memory_space<vmem_shared>> -> memref<10000x128xf32, #tpu.memory_space<vmem_shared>>
        tpu.enqueue_indirect_dma source(%arg10 : memref<80x128xf32, #tpu.memory_space<vmem>>) target(%dma_start3A_384 : memref<10000x128xf32, #tpu.memory_space<vmem_shared>>) offsets(%dma_start3A_381 : memref<80xi32, #tpu.memory_space<vmem>>) semaphore(%run_scoped3A_378 : memref<!tpu.dma_semaphore, #tpu.memory_space<semaphore_mem>>) {add = true}
        %dma_wait3A_385 = arith.constant 0 : i32
        %dma_wait3A_386 = tpu.memref_slice %arg7[%add3A_367, %dma_wait3A_385] : memref<32x80xi32, #tpu.memory_space<vmem>> -> memref<1x80xi32, #tpu.memory_space<vmem>>
        %dma_wait3A_387 = tpu.memref_squeeze %dma_wait3A_386 : memref<1x80xi32, #tpu.memory_space<vmem>> -> memref<80xi32, #tpu.memory_space<vmem>>
        %dma_wait3A_388 = arith.constant 0 : i32
        %dma_wait3A_389 = arith.constant 0 : i32
        %dma_wait3A_390 = tpu.memref_slice %arg11[%dma_wait3A_388, %dma_wait3A_389] : memref<10000x128xf32, #tpu.memory_space<vmem_shared>> -> memref<10000x128xf32, #tpu.memory_space<vmem_shared>>
        tpu.wait_indirect_dma semaphore(%run_scoped3A_378 : memref<!tpu.dma_semaphore, #tpu.memory_space<semaphore_mem>>) src(%arg10 : memref<80x128xf32, #tpu.memory_space<vmem>>) dst(%dma_wait3A_390 : memref<10000x128xf32, #tpu.memory_space<vmem_shared>>)
        tpu.yield
      }) : () -> ()
      %add3A_368 = arith.constant 2 : i32
      %add3A_369 = arith.addi %mul3A_323, %add3A_368 : i32
      %add3A_370 = arith.constant 3 : i32
      %add3A_371 = arith.addi %add3A_369, %add3A_370 : i32
      %dma_start3A_372 = arith.constant 0 : i32
      %dma_start3A_373 = tpu.memref_slice %arg6[%add3A_371, %dma_start3A_372] : memref<32x80xi32, #tpu.memory_space<vmem>> -> memref<1x80xi32, #tpu.memory_space<vmem>>
      %dma_start3A_374 = tpu.memref_squeeze %dma_start3A_373 : memref<1x80xi32, #tpu.memory_space<vmem>> -> memref<80xi32, #tpu.memory_space<vmem>>
      %dma_start3A_375 = arith.constant 0 : i32
      %dma_start3A_376 = arith.constant 0 : i32
      %dma_start3A_377 = tpu.memref_slice %arg3[%dma_start3A_375, %dma_start3A_376] : memref<10000x128xf32, #tpu.memory_space<hbm>> -> memref<10000x128xf32, #tpu.memory_space<hbm>>
      tpu.enqueue_indirect_dma source(%dma_start3A_377 : memref<10000x128xf32, #tpu.memory_space<hbm>>) target(%arg10 : memref<80x128xf32, #tpu.memory_space<vmem>>) offsets(%dma_start3A_374 : memref<80xi32, #tpu.memory_space<vmem>>) semaphore(%arg14 : memref<!tpu.dma_semaphore, #tpu.memory_space<semaphore_mem>>)
    }
    %scan3A_35 = arith.constant 9 : i32
    %dma_wait3A = arith.constant 0 : i32
    %dma_wait3A_36 = arith.constant 0 : i32
    %dma_wait3A_37 = tpu.memref_slice %arg3[%dma_wait3A, %dma_wait3A_36] : memref<10000x128xf32, #tpu.memory_space<hbm>> -> memref<80x128xf32, #tpu.memory_space<hbm>>
    %dma_wait3A_38 = arith.constant 0 : i32
    %dma_wait3A_39 = arith.constant 0 : i32
    %dma_wait3A_40 = tpu.memref_slice %arg3[%dma_wait3A_38, %dma_wait3A_39] : memref<10000x128xf32, #tpu.memory_space<hbm>> -> memref<80x128xf32, #tpu.memory_space<hbm>>
    tpu.wait_dma2 semaphore(%arg12 : memref<!tpu.dma_semaphore, #tpu.memory_space<semaphore_mem>>) src(%dma_wait3A_40 : memref<80x128xf32, #tpu.memory_space<hbm>>) dst(%arg8 : memref<80x128xf32, #tpu.memory_space<vmem>>)
    %run_scoped3A = arith.constant 27 : i32
    "tpu.region"() ({
      %run_scoped3A_321 = tpu.sem_alloc : memref<!tpu.dma_semaphore, #tpu.memory_space<semaphore_mem>>
      %dma_start3A_322 = arith.constant 0 : i32
      %dma_start3A_323 = tpu.memref_slice %arg7[%run_scoped3A, %dma_start3A_322] : memref<32x80xi32, #tpu.memory_space<vmem>> -> memref<1x80xi32, #tpu.memory_space<vmem>>
      %dma_start3A_324 = tpu.memref_squeeze %dma_start3A_323 : memref<1x80xi32, #tpu.memory_space<vmem>> -> memref<80xi32, #tpu.memory_space<vmem>>
      %dma_start3A_325 = arith.constant 0 : i32
      %dma_start3A_326 = arith.constant 0 : i32
      %dma_start3A_327 = tpu.memref_slice %arg11[%dma_start3A_325, %dma_start3A_326] : memref<10000x128xf32, #tpu.memory_space<vmem_shared>> -> memref<10000x128xf32, #tpu.memory_space<vmem_shared>>
      tpu.enqueue_indirect_dma source(%arg8 : memref<80x128xf32, #tpu.memory_space<vmem>>) target(%dma_start3A_327 : memref<10000x128xf32, #tpu.memory_space<vmem_shared>>) offsets(%dma_start3A_324 : memref<80xi32, #tpu.memory_space<vmem>>) semaphore(%run_scoped3A_321 : memref<!tpu.dma_semaphore, #tpu.memory_space<semaphore_mem>>) {add = true}
      %dma_wait3A_328 = arith.constant 0 : i32
      %dma_wait3A_329 = tpu.memref_slice %arg7[%run_scoped3A, %dma_wait3A_328] : memref<32x80xi32, #tpu.memory_space<vmem>> -> memref<1x80xi32, #tpu.memory_space<vmem>>
      %dma_wait3A_330 = tpu.memref_squeeze %dma_wait3A_329 : memref<1x80xi32, #tpu.memory_space<vmem>> -> memref<80xi32, #tpu.memory_space<vmem>>
      %dma_wait3A_331 = arith.constant 0 : i32
      %dma_wait3A_332 = arith.constant 0 : i32
      %dma_wait3A_333 = tpu.memref_slice %arg11[%dma_wait3A_331, %dma_wait3A_332] : memref<10000x128xf32, #tpu.memory_space<vmem_shared>> -> memref<10000x128xf32, #tpu.memory_space<vmem_shared>>
      tpu.wait_indirect_dma semaphore(%run_scoped3A_321 : memref<!tpu.dma_semaphore, #tpu.memory_space<semaphore_mem>>) src(%arg8 : memref<80x128xf32, #tpu.memory_space<vmem>>) dst(%dma_wait3A_333 : memref<10000x128xf32, #tpu.memory_space<vmem_shared>>)
      tpu.yield
    }) : () -> ()
    %dma_start3A_41 = arith.constant 30 : i32
    %dma_start3A_42 = arith.constant 0 : i32
    %dma_start3A_43 = tpu.memref_slice %arg6[%dma_start3A_41, %dma_start3A_42] : memref<32x80xi32, #tpu.memory_space<vmem>> -> memref<1x80xi32, #tpu.memory_space<vmem>>
    %dma_start3A_44 = tpu.memref_squeeze %dma_start3A_43 : memref<1x80xi32, #tpu.memory_space<vmem>> -> memref<80xi32, #tpu.memory_space<vmem>>
    %dma_start3A_45 = arith.constant 0 : i32
    %dma_start3A_46 = arith.constant 0 : i32
    %dma_start3A_47 = tpu.memref_slice %arg3[%dma_start3A_45, %dma_start3A_46] : memref<10000x128xf32, #tpu.memory_space<hbm>> -> memref<10000x128xf32, #tpu.memory_space<hbm>>
    tpu.enqueue_indirect_dma source(%dma_start3A_47 : memref<10000x128xf32, #tpu.memory_space<hbm>>) target(%arg8 : memref<80x128xf32, #tpu.memory_space<vmem>>) offsets(%dma_start3A_44 : memref<80xi32, #tpu.memory_space<vmem>>) semaphore(%arg12 : memref<!tpu.dma_semaphore, #tpu.memory_space<semaphore_mem>>)
    %dma_wait3A_48 = arith.constant 0 : i32
    %dma_wait3A_49 = arith.constant 0 : i32
    %dma_wait3A_50 = tpu.memref_slice %arg3[%dma_wait3A_48, %dma_wait3A_49] : memref<10000x128xf32, #tpu.memory_space<hbm>> -> memref<80x128xf32, #tpu.memory_space<hbm>>
    %dma_wait3A_51 = arith.constant 0 : i32
    %dma_wait3A_52 = arith.constant 0 : i32
    %dma_wait3A_53 = tpu.memref_slice %arg3[%dma_wait3A_51, %dma_wait3A_52] : memref<10000x128xf32, #tpu.memory_space<hbm>> -> memref<80x128xf32, #tpu.memory_space<hbm>>
    tpu.wait_dma2 semaphore(%arg13 : memref<!tpu.dma_semaphore, #tpu.memory_space<semaphore_mem>>) src(%dma_wait3A_53 : memref<80x128xf32, #tpu.memory_space<hbm>>) dst(%arg9 : memref<80x128xf32, #tpu.memory_space<vmem>>)
    %run_scoped3A_54 = arith.constant 28 : i32
    "tpu.region"() ({
      %run_scoped3A_321 = tpu.sem_alloc : memref<!tpu.dma_semaphore, #tpu.memory_space<semaphore_mem>>
      %dma_start3A_322 = arith.constant 0 : i32
      %dma_start3A_323 = tpu.memref_slice %arg7[%run_scoped3A_54, %dma_start3A_322] : memref<32x80xi32, #tpu.memory_space<vmem>> -> memref<1x80xi32, #tpu.memory_space<vmem>>
      %dma_start3A_324 = tpu.memref_squeeze %dma_start3A_323 : memref<1x80xi32, #tpu.memory_space<vmem>> -> memref<80xi32, #tpu.memory_space<vmem>>
      %dma_start3A_325 = arith.constant 0 : i32
      %dma_start3A_326 = arith.constant 0 : i32
      %dma_start3A_327 = tpu.memref_slice %arg11[%dma_start3A_325, %dma_start3A_326] : memref<10000x128xf32, #tpu.memory_space<vmem_shared>> -> memref<10000x128xf32, #tpu.memory_space<vmem_shared>>
      tpu.enqueue_indirect_dma source(%arg9 : memref<80x128xf32, #tpu.memory_space<vmem>>) target(%dma_start3A_327 : memref<10000x128xf32, #tpu.memory_space<vmem_shared>>) offsets(%dma_start3A_324 : memref<80xi32, #tpu.memory_space<vmem>>) semaphore(%run_scoped3A_321 : memref<!tpu.dma_semaphore, #tpu.memory_space<semaphore_mem>>) {add = true}
      %dma_wait3A_328 = arith.constant 0 : i32
      %dma_wait3A_329 = tpu.memref_slice %arg7[%run_scoped3A_54, %dma_wait3A_328] : memref<32x80xi32, #tpu.memory_space<vmem>> -> memref<1x80xi32, #tpu.memory_space<vmem>>
      %dma_wait3A_330 = tpu.memref_squeeze %dma_wait3A_329 : memref<1x80xi32, #tpu.memory_space<vmem>> -> memref<80xi32, #tpu.memory_space<vmem>>
      %dma_wait3A_331 = arith.constant 0 : i32
      %dma_wait3A_332 = arith.constant 0 : i32
      %dma_wait3A_333 = tpu.memref_slice %arg11[%dma_wait3A_331, %dma_wait3A_332] : memref<10000x128xf32, #tpu.memory_space<vmem_shared>> -> memref<10000x128xf32, #tpu.memory_space<vmem_shared>>
      tpu.wait_indirect_dma semaphore(%run_scoped3A_321 : memref<!tpu.dma_semaphore, #tpu.memory_space<semaphore_mem>>) src(%arg9 : memref<80x128xf32, #tpu.memory_space<vmem>>) dst(%dma_wait3A_333 : memref<10000x128xf32, #tpu.memory_space<vmem_shared>>)
      tpu.yield
    }) : () -> ()
    %dma_start3A_55 = arith.constant 31 : i32
    %dma_start3A_56 = arith.constant 0 : i32
    %dma_start3A_57 = tpu.memref_slice %arg6[%dma_start3A_55, %dma_start3A_56] : memref<32x80xi32, #tpu.memory_space<vmem>> -> memref<1x80xi32, #tpu.memory_space<vmem>>
    %dma_start3A_58 = tpu.memref_squeeze %dma_start3A_57 : memref<1x80xi32, #tpu.memory_space<vmem>> -> memref<80xi32, #tpu.memory_space<vmem>>
    %dma_start3A_59 = arith.constant 0 : i32
    %dma_start3A_60 = arith.constant 0 : i32
    %dma_start3A_61 = tpu.memref_slice %arg3[%dma_start3A_59, %dma_start3A_60] : memref<10000x128xf32, #tpu.memory_space<hbm>> -> memref<10000x128xf32, #tpu.memory_space<hbm>>
    tpu.enqueue_indirect_dma source(%dma_start3A_61 : memref<10000x128xf32, #tpu.memory_space<hbm>>) target(%arg9 : memref<80x128xf32, #tpu.memory_space<vmem>>) offsets(%dma_start3A_58 : memref<80xi32, #tpu.memory_space<vmem>>) semaphore(%arg13 : memref<!tpu.dma_semaphore, #tpu.memory_space<semaphore_mem>>)
    %dma_wait3A_62 = arith.constant 0 : i32
    %dma_wait3A_63 = arith.constant 0 : i32
    %dma_wait3A_64 = tpu.memref_slice %arg3[%dma_wait3A_62, %dma_wait3A_63] : memref<10000x128xf32, #tpu.memory_space<hbm>> -> memref<80x128xf32, #tpu.memory_space<hbm>>
    %dma_wait3A_65 = arith.constant 0 : i32
    %dma_wait3A_66 = arith.constant 0 : i32
    %dma_wait3A_67 = tpu.memref_slice %arg3[%dma_wait3A_65, %dma_wait3A_66] : memref<10000x128xf32, #tpu.memory_space<hbm>> -> memref<80x128xf32, #tpu.memory_space<hbm>>
    tpu.wait_dma2 semaphore(%arg14 : memref<!tpu.dma_semaphore, #tpu.memory_space<semaphore_mem>>) src(%dma_wait3A_67 : memref<80x128xf32, #tpu.memory_space<hbm>>) dst(%arg10 : memref<80x128xf32, #tpu.memory_space<vmem>>)
    %run_scoped3A_68 = arith.constant 29 : i32
    "tpu.region"() ({
      %run_scoped3A_321 = tpu.sem_alloc : memref<!tpu.dma_semaphore, #tpu.memory_space<semaphore_mem>>
      %dma_start3A_322 = arith.constant 0 : i32
      %dma_start3A_323 = tpu.memref_slice %arg7[%run_scoped3A_68, %dma_start3A_322] : memref<32x80xi32, #tpu.memory_space<vmem>> -> memref<1x80xi32, #tpu.memory_space<vmem>>
      %dma_start3A_324 = tpu.memref_squeeze %dma_start3A_323 : memref<1x80xi32, #tpu.memory_space<vmem>> -> memref<80xi32, #tpu.memory_space<vmem>>
      %dma_start3A_325 = arith.constant 0 : i32
      %dma_start3A_326 = arith.constant 0 : i32
      %dma_start3A_327 = tpu.memref_slice %arg11[%dma_start3A_325, %dma_start3A_326] : memref<10000x128xf32, #tpu.memory_space<vmem_shared>> -> memref<10000x128xf32, #tpu.memory_space<vmem_shared>>
      tpu.enqueue_indirect_dma source(%arg10 : memref<80x128xf32, #tpu.memory_space<vmem>>) target(%dma_start3A_327 : memref<10000x128xf32, #tpu.memory_space<vmem_shared>>) offsets(%dma_start3A_324 : memref<80xi32, #tpu.memory_space<vmem>>) semaphore(%run_scoped3A_321 : memref<!tpu.dma_semaphore, #tpu.memory_space<semaphore_mem>>) {add = true}
      %dma_wait3A_328 = arith.constant 0 : i32
      %dma_wait3A_329 = tpu.memref_slice %arg7[%run_scoped3A_68, %dma_wait3A_328] : memref<32x80xi32, #tpu.memory_space<vmem>> -> memref<1x80xi32, #tpu.memory_space<vmem>>
      %dma_wait3A_330 = tpu.memref_squeeze %dma_wait3A_329 : memref<1x80xi32, #tpu.memory_space<vmem>> -> memref<80xi32, #tpu.memory_space<vmem>>
      %dma_wait3A_331 = arith.constant 0 : i32
      %dma_wait3A_332 = arith.constant 0 : i32
      %dma_wait3A_333 = tpu.memref_slice %arg11[%dma_wait3A_331, %dma_wait3A_332] : memref<10000x128xf32, #tpu.memory_space<vmem_shared>> -> memref<10000x128xf32, #tpu.memory_space<vmem_shared>>
      tpu.wait_indirect_dma semaphore(%run_scoped3A_321 : memref<!tpu.dma_semaphore, #tpu.memory_space<semaphore_mem>>) src(%arg10 : memref<80x128xf32, #tpu.memory_space<vmem>>) dst(%dma_wait3A_333 : memref<10000x128xf32, #tpu.memory_space<vmem_shared>>)
      tpu.yield
    }) : () -> ()
    %dma_wait3A_69 = arith.constant 0 : i32
    %dma_wait3A_70 = arith.constant 0 : i32
    %dma_wait3A_71 = tpu.memref_slice %arg3[%dma_wait3A_69, %dma_wait3A_70] : memref<10000x128xf32, #tpu.memory_space<hbm>> -> memref<80x128xf32, #tpu.memory_space<hbm>>
    %dma_wait3A_72 = arith.constant 0 : i32
    %dma_wait3A_73 = arith.constant 0 : i32
    %dma_wait3A_74 = tpu.memref_slice %arg3[%dma_wait3A_72, %dma_wait3A_73] : memref<10000x128xf32, #tpu.memory_space<hbm>> -> memref<80x128xf32, #tpu.memory_space<hbm>>
    tpu.wait_dma2 semaphore(%arg12 : memref<!tpu.dma_semaphore, #tpu.memory_space<semaphore_mem>>) src(%dma_wait3A_74 : memref<80x128xf32, #tpu.memory_space<hbm>>) dst(%arg8 : memref<80x128xf32, #tpu.memory_space<vmem>>)
    %run_scoped3A_75 = arith.constant 30 : i32
    "tpu.region"() ({
      %run_scoped3A_321 = tpu.sem_alloc : memref<!tpu.dma_semaphore, #tpu.memory_space<semaphore_mem>>
      %dma_start3A_322 = arith.constant 0 : i32
      %dma_start3A_323 = tpu.memref_slice %arg7[%run_scoped3A_75, %dma_start3A_322] : memref<32x80xi32, #tpu.memory_space<vmem>> -> memref<1x80xi32, #tpu.memory_space<vmem>>
      %dma_start3A_324 = tpu.memref_squeeze %dma_start3A_323 : memref<1x80xi32, #tpu.memory_space<vmem>> -> memref<80xi32, #tpu.memory_space<vmem>>
      %dma_start3A_325 = arith.constant 0 : i32
      %dma_start3A_326 = arith.constant 0 : i32
      %dma_start3A_327 = tpu.memref_slice %arg11[%dma_start3A_325, %dma_start3A_326] : memref<10000x128xf32, #tpu.memory_space<vmem_shared>> -> memref<10000x128xf32, #tpu.memory_space<vmem_shared>>
      tpu.enqueue_indirect_dma source(%arg8 : memref<80x128xf32, #tpu.memory_space<vmem>>) target(%dma_start3A_327 : memref<10000x128xf32, #tpu.memory_space<vmem_shared>>) offsets(%dma_start3A_324 : memref<80xi32, #tpu.memory_space<vmem>>) semaphore(%run_scoped3A_321 : memref<!tpu.dma_semaphore, #tpu.memory_space<semaphore_mem>>) {add = true}
      %dma_wait3A_328 = arith.constant 0 : i32
      %dma_wait3A_329 = tpu.memref_slice %arg7[%run_scoped3A_75, %dma_wait3A_328] : memref<32x80xi32, #tpu.memory_space<vmem>> -> memref<1x80xi32, #tpu.memory_space<vmem>>
      %dma_wait3A_330 = tpu.memref_squeeze %dma_wait3A_329 : memref<1x80xi32, #tpu.memory_space<vmem>> -> memref<80xi32, #tpu.memory_space<vmem>>
      %dma_wait3A_331 = arith.constant 0 : i32
      %dma_wait3A_332 = arith.constant 0 : i32
      %dma_wait3A_333 = tpu.memref_slice %arg11[%dma_wait3A_331, %dma_wait3A_332] : memref<10000x128xf32, #tpu.memory_space<vmem_shared>> -> memref<10000x128xf32, #tpu.memory_space<vmem_shared>>
      tpu.wait_indirect_dma semaphore(%run_scoped3A_321 : memref<!tpu.dma_semaphore, #tpu.memory_space<semaphore_mem>>) src(%arg8 : memref<80x128xf32, #tpu.memory_space<vmem>>) dst(%dma_wait3A_333 : memref<10000x128xf32, #tpu.memory_space<vmem_shared>>)
      tpu.yield
    }) : () -> ()
    %dma_wait3A_76 = arith.constant 0 : i32
    %dma_wait3A_77 = arith.constant 0 : i32
    %dma_wait3A_78 = tpu.memref_slice %arg3[%dma_wait3A_76, %dma_wait3A_77] : memref<10000x128xf32, #tpu.memory_space<hbm>> -> memref<80x128xf32, #tpu.memory_space<hbm>>
    %dma_wait3A_79 = arith.constant 0 : i32
    %dma_wait3A_80 = arith.constant 0 : i32
    %dma_wait3A_81 = tpu.memref_slice %arg3[%dma_wait3A_79, %dma_wait3A_80] : memref<10000x128xf32, #tpu.memory_space<hbm>> -> memref<80x128xf32, #tpu.memory_space<hbm>>
    tpu.wait_dma2 semaphore(%arg13 : memref<!tpu.dma_semaphore, #tpu.memory_space<semaphore_mem>>) src(%dma_wait3A_81 : memref<80x128xf32, #tpu.memory_space<hbm>>) dst(%arg9 : memref<80x128xf32, #tpu.memory_space<vmem>>)
    %run_scoped3A_82 = arith.constant 31 : i32
    "tpu.region"() ({
      %run_scoped3A_321 = tpu.sem_alloc : memref<!tpu.dma_semaphore, #tpu.memory_space<semaphore_mem>>
      %dma_start3A_322 = arith.constant 0 : i32
      %dma_start3A_323 = tpu.memref_slice %arg7[%run_scoped3A_82, %dma_start3A_322] : memref<32x80xi32, #tpu.memory_space<vmem>> -> memref<1x80xi32, #tpu.memory_space<vmem>>
      %dma_start3A_324 = tpu.memref_squeeze %dma_start3A_323 : memref<1x80xi32, #tpu.memory_space<vmem>> -> memref<80xi32, #tpu.memory_space<vmem>>
      %dma_start3A_325 = arith.constant 0 : i32
      %dma_start3A_326 = arith.constant 0 : i32
      %dma_start3A_327 = tpu.memref_slice %arg11[%dma_start3A_325, %dma_start3A_326] : memref<10000x128xf32, #tpu.memory_space<vmem_shared>> -> memref<10000x128xf32, #tpu.memory_space<vmem_shared>>
      tpu.enqueue_indirect_dma source(%arg9 : memref<80x128xf32, #tpu.memory_space<vmem>>) target(%dma_start3A_327 : memref<10000x128xf32, #tpu.memory_space<vmem_shared>>) offsets(%dma_start3A_324 : memref<80xi32, #tpu.memory_space<vmem>>) semaphore(%run_scoped3A_321 : memref<!tpu.dma_semaphore, #tpu.memory_space<semaphore_mem>>) {add = true}
      %dma_wait3A_328 = arith.constant 0 : i32
      %dma_wait3A_329 = tpu.memref_slice %arg7[%run_scoped3A_82, %dma_wait3A_328] : memref<32x80xi32, #tpu.memory_space<vmem>> -> memref<1x80xi32, #tpu.memory_space<vmem>>
      %dma_wait3A_330 = tpu.memref_squeeze %dma_wait3A_329 : memref<1x80xi32, #tpu.memory_space<vmem>> -> memref<80xi32, #tpu.memory_space<vmem>>
      %dma_wait3A_331 = arith.constant 0 : i32
      %dma_wait3A_332 = arith.constant 0 : i32
      %dma_wait3A_333 = tpu.memref_slice %arg11[%dma_wait3A_331, %dma_wait3A_332] : memref<10000x128xf32, #tpu.memory_space<vmem_shared>> -> memref<10000x128xf32, #tpu.memory_space<vmem_shared>>
      tpu.wait_indirect_dma semaphore(%run_scoped3A_321 : memref<!tpu.dma_semaphore, #tpu.memory_space<semaphore_mem>>) src(%arg9 : memref<80x128xf32, #tpu.memory_space<vmem>>) dst(%dma_wait3A_333 : memref<10000x128xf32, #tpu.memory_space<vmem_shared>>)
      tpu.yield
    }) : () -> ()
    "tpu.region"() ({
      %run_scoped3A_321 = tpu.sem_alloc : memref<!tpu.dma_semaphore, #tpu.memory_space<semaphore_mem>>
      %dma_start3A_322 = arith.constant 32 : i32
      %dma_start3A_323 = arith.constant 0 : i32
      %dma_start3A_324 = tpu.memref_slice %arg2[%add3A, %dma_start3A_322, %dma_start3A_323] : memref<64x125x80xi32, #tpu.memory_space<hbm>> -> memref<1x32x80xi32, #tpu.memory_space<hbm>>
      %dma_start3A_325 = tpu.memref_squeeze %dma_start3A_324 : memref<1x32x80xi32, #tpu.memory_space<hbm>> -> memref<32x80xi32, #tpu.memory_space<hbm>>
      %dma_start3A_326 = arith.constant 32 : i32
      %dma_start3A_327 = arith.constant 0 : i32
      %dma_start3A_328 = tpu.memref_slice %arg2[%add3A, %dma_start3A_326, %dma_start3A_327] : memref<64x125x80xi32, #tpu.memory_space<hbm>> -> memref<1x32x80xi32, #tpu.memory_space<hbm>>
      %dma_start3A_329 = tpu.memref_squeeze %dma_start3A_328 : memref<1x32x80xi32, #tpu.memory_space<hbm>> -> memref<32x80xi32, #tpu.memory_space<hbm>>
      tpu.enqueue_dma source(%dma_start3A_329 : memref<32x80xi32, #tpu.memory_space<hbm>>) target(%arg6 : memref<32x80xi32, #tpu.memory_space<vmem>>) target_semaphore(%run_scoped3A_321 : memref<!tpu.dma_semaphore, #tpu.memory_space<semaphore_mem>>)
      %dma_wait3A_330 = arith.constant 32 : i32
      %dma_wait3A_331 = arith.constant 0 : i32
      %dma_wait3A_332 = tpu.memref_slice %arg2[%add3A, %dma_wait3A_330, %dma_wait3A_331] : memref<64x125x80xi32, #tpu.memory_space<hbm>> -> memref<1x32x80xi32, #tpu.memory_space<hbm>>
      %dma_wait3A_333 = tpu.memref_squeeze %dma_wait3A_332 : memref<1x32x80xi32, #tpu.memory_space<hbm>> -> memref<32x80xi32, #tpu.memory_space<hbm>>
      %dma_wait3A_334 = arith.constant 32 : i32
      %dma_wait3A_335 = arith.constant 0 : i32
      %dma_wait3A_336 = tpu.memref_slice %arg2[%add3A, %dma_wait3A_334, %dma_wait3A_335] : memref<64x125x80xi32, #tpu.memory_space<hbm>> -> memref<1x32x80xi32, #tpu.memory_space<hbm>>
      %dma_wait3A_337 = tpu.memref_squeeze %dma_wait3A_336 : memref<1x32x80xi32, #tpu.memory_space<hbm>> -> memref<32x80xi32, #tpu.memory_space<hbm>>
      tpu.wait_dma2 semaphore(%run_scoped3A_321 : memref<!tpu.dma_semaphore, #tpu.memory_space<semaphore_mem>>) src(%dma_wait3A_337 : memref<32x80xi32, #tpu.memory_space<hbm>>) dst(%arg6 : memref<32x80xi32, #tpu.memory_space<vmem>>)
      tpu.yield
    }) : () -> ()
    %add3A_83 = arith.constant 32 : i32
    %add3A_84 = arith.addi %add3A_83, %add3A : i32
    "tpu.region"() ({
      %run_scoped3A_321 = tpu.sem_alloc : memref<!tpu.dma_semaphore, #tpu.memory_space<semaphore_mem>>
      %dma_start3A_322 = arith.constant 32 : i32
      %dma_start3A_323 = arith.constant 0 : i32
      %dma_start3A_324 = tpu.memref_slice %arg2[%add3A_84, %dma_start3A_322, %dma_start3A_323] : memref<64x125x80xi32, #tpu.memory_space<hbm>> -> memref<1x32x80xi32, #tpu.memory_space<hbm>>
      %dma_start3A_325 = tpu.memref_squeeze %dma_start3A_324 : memref<1x32x80xi32, #tpu.memory_space<hbm>> -> memref<32x80xi32, #tpu.memory_space<hbm>>
      %dma_start3A_326 = arith.constant 32 : i32
      %dma_start3A_327 = arith.constant 0 : i32
      %dma_start3A_328 = tpu.memref_slice %arg2[%add3A_84, %dma_start3A_326, %dma_start3A_327] : memref<64x125x80xi32, #tpu.memory_space<hbm>> -> memref<1x32x80xi32, #tpu.memory_space<hbm>>
      %dma_start3A_329 = tpu.memref_squeeze %dma_start3A_328 : memref<1x32x80xi32, #tpu.memory_space<hbm>> -> memref<32x80xi32, #tpu.memory_space<hbm>>
      tpu.enqueue_dma source(%dma_start3A_329 : memref<32x80xi32, #tpu.memory_space<hbm>>) target(%arg7 : memref<32x80xi32, #tpu.memory_space<vmem>>) target_semaphore(%run_scoped3A_321 : memref<!tpu.dma_semaphore, #tpu.memory_space<semaphore_mem>>)
      %dma_wait3A_330 = arith.constant 32 : i32
      %dma_wait3A_331 = arith.constant 0 : i32
      %dma_wait3A_332 = tpu.memref_slice %arg2[%add3A_84, %dma_wait3A_330, %dma_wait3A_331] : memref<64x125x80xi32, #tpu.memory_space<hbm>> -> memref<1x32x80xi32, #tpu.memory_space<hbm>>
      %dma_wait3A_333 = tpu.memref_squeeze %dma_wait3A_332 : memref<1x32x80xi32, #tpu.memory_space<hbm>> -> memref<32x80xi32, #tpu.memory_space<hbm>>
      %dma_wait3A_334 = arith.constant 32 : i32
      %dma_wait3A_335 = arith.constant 0 : i32
      %dma_wait3A_336 = tpu.memref_slice %arg2[%add3A_84, %dma_wait3A_334, %dma_wait3A_335] : memref<64x125x80xi32, #tpu.memory_space<hbm>> -> memref<1x32x80xi32, #tpu.memory_space<hbm>>
      %dma_wait3A_337 = tpu.memref_squeeze %dma_wait3A_336 : memref<1x32x80xi32, #tpu.memory_space<hbm>> -> memref<32x80xi32, #tpu.memory_space<hbm>>
      tpu.wait_dma2 semaphore(%run_scoped3A_321 : memref<!tpu.dma_semaphore, #tpu.memory_space<semaphore_mem>>) src(%dma_wait3A_337 : memref<32x80xi32, #tpu.memory_space<hbm>>) dst(%arg7 : memref<32x80xi32, #tpu.memory_space<vmem>>)
      tpu.yield
    }) : () -> ()
    %dma_start3A_85 = arith.constant 0 : i32
    %dma_start3A_86 = arith.constant 0 : i32
    %dma_start3A_87 = tpu.memref_slice %arg6[%dma_start3A_85, %dma_start3A_86] : memref<32x80xi32, #tpu.memory_space<vmem>> -> memref<1x80xi32, #tpu.memory_space<vmem>>
    %dma_start3A_88 = tpu.memref_squeeze %dma_start3A_87 : memref<1x80xi32, #tpu.memory_space<vmem>> -> memref<80xi32, #tpu.memory_space<vmem>>
    %dma_start3A_89 = arith.constant 0 : i32
    %dma_start3A_90 = arith.constant 0 : i32
    %dma_start3A_91 = tpu.memref_slice %arg3[%dma_start3A_89, %dma_start3A_90] : memref<10000x128xf32, #tpu.memory_space<hbm>> -> memref<10000x128xf32, #tpu.memory_space<hbm>>
    tpu.enqueue_indirect_dma source(%dma_start3A_91 : memref<10000x128xf32, #tpu.memory_space<hbm>>) target(%arg8 : memref<80x128xf32, #tpu.memory_space<vmem>>) offsets(%dma_start3A_88 : memref<80xi32, #tpu.memory_space<vmem>>) semaphore(%arg12 : memref<!tpu.dma_semaphore, #tpu.memory_space<semaphore_mem>>)
    %dma_start3A_92 = arith.constant 1 : i32
    %dma_start3A_93 = arith.constant 0 : i32
    %dma_start3A_94 = tpu.memref_slice %arg6[%dma_start3A_92, %dma_start3A_93] : memref<32x80xi32, #tpu.memory_space<vmem>> -> memref<1x80xi32, #tpu.memory_space<vmem>>
    %dma_start3A_95 = tpu.memref_squeeze %dma_start3A_94 : memref<1x80xi32, #tpu.memory_space<vmem>> -> memref<80xi32, #tpu.memory_space<vmem>>
    %dma_start3A_96 = arith.constant 0 : i32
    %dma_start3A_97 = arith.constant 0 : i32
    %dma_start3A_98 = tpu.memref_slice %arg3[%dma_start3A_96, %dma_start3A_97] : memref<10000x128xf32, #tpu.memory_space<hbm>> -> memref<10000x128xf32, #tpu.memory_space<hbm>>
    tpu.enqueue_indirect_dma source(%dma_start3A_98 : memref<10000x128xf32, #tpu.memory_space<hbm>>) target(%arg9 : memref<80x128xf32, #tpu.memory_space<vmem>>) offsets(%dma_start3A_95 : memref<80xi32, #tpu.memory_space<vmem>>) semaphore(%arg13 : memref<!tpu.dma_semaphore, #tpu.memory_space<semaphore_mem>>)
    %dma_start3A_99 = arith.constant 2 : i32
    %dma_start3A_100 = arith.constant 0 : i32
    %dma_start3A_101 = tpu.memref_slice %arg6[%dma_start3A_99, %dma_start3A_100] : memref<32x80xi32, #tpu.memory_space<vmem>> -> memref<1x80xi32, #tpu.memory_space<vmem>>
    %dma_start3A_102 = tpu.memref_squeeze %dma_start3A_101 : memref<1x80xi32, #tpu.memory_space<vmem>> -> memref<80xi32, #tpu.memory_space<vmem>>
    %dma_start3A_103 = arith.constant 0 : i32
    %dma_start3A_104 = arith.constant 0 : i32
    %dma_start3A_105 = tpu.memref_slice %arg3[%dma_start3A_103, %dma_start3A_104] : memref<10000x128xf32, #tpu.memory_space<hbm>> -> memref<10000x128xf32, #tpu.memory_space<hbm>>
    tpu.enqueue_indirect_dma source(%dma_start3A_105 : memref<10000x128xf32, #tpu.memory_space<hbm>>) target(%arg10 : memref<80x128xf32, #tpu.memory_space<vmem>>) offsets(%dma_start3A_102 : memref<80xi32, #tpu.memory_space<vmem>>) semaphore(%arg14 : memref<!tpu.dma_semaphore, #tpu.memory_space<semaphore_mem>>)
    %scan3A_106 = arith.constant 0 : i32
    %scan3A_107 = arith.constant 0 : i32
    %scan3A_108 = arith.constant 9 : i32
    %scan3A_109 = arith.addi %scan3A_107, %scan3A_108 : i32
    %scan3A_110 = arith.constant 1 : i32
    scf.for %scan3A_321 = %scan3A_107 to %scan3A_109 step %scan3A_110  : i32 {
      %mul3A_322 = arith.constant 3 : i32
      %mul3A_323 = arith.muli %mul3A_322, %scan3A_321 : i32
      %dma_wait3A_324 = arith.constant 0 : i32
      %dma_wait3A_325 = arith.constant 0 : i32
      %dma_wait3A_326 = tpu.memref_slice %arg3[%dma_wait3A_324, %dma_wait3A_325] : memref<10000x128xf32, #tpu.memory_space<hbm>> -> memref<80x128xf32, #tpu.memory_space<hbm>>
      %dma_wait3A_327 = arith.constant 0 : i32
      %dma_wait3A_328 = arith.constant 0 : i32
      %dma_wait3A_329 = tpu.memref_slice %arg3[%dma_wait3A_327, %dma_wait3A_328] : memref<10000x128xf32, #tpu.memory_space<hbm>> -> memref<80x128xf32, #tpu.memory_space<hbm>>
      tpu.wait_dma2 semaphore(%arg12 : memref<!tpu.dma_semaphore, #tpu.memory_space<semaphore_mem>>) src(%dma_wait3A_329 : memref<80x128xf32, #tpu.memory_space<hbm>>) dst(%arg8 : memref<80x128xf32, #tpu.memory_space<vmem>>)
      %add3A_330 = arith.constant 0 : i32
      %add3A_331 = arith.addi %mul3A_323, %add3A_330 : i32
      "tpu.region"() ({
        %run_scoped3A_378 = tpu.sem_alloc : memref<!tpu.dma_semaphore, #tpu.memory_space<semaphore_mem>>
        %dma_start3A_379 = arith.constant 0 : i32
        %dma_start3A_380 = tpu.memref_slice %arg7[%add3A_331, %dma_start3A_379] : memref<32x80xi32, #tpu.memory_space<vmem>> -> memref<1x80xi32, #tpu.memory_space<vmem>>
        %dma_start3A_381 = tpu.memref_squeeze %dma_start3A_380 : memref<1x80xi32, #tpu.memory_space<vmem>> -> memref<80xi32, #tpu.memory_space<vmem>>
        %dma_start3A_382 = arith.constant 0 : i32
        %dma_start3A_383 = arith.constant 0 : i32
        %dma_start3A_384 = tpu.memref_slice %arg11[%dma_start3A_382, %dma_start3A_383] : memref<10000x128xf32, #tpu.memory_space<vmem_shared>> -> memref<10000x128xf32, #tpu.memory_space<vmem_shared>>
        tpu.enqueue_indirect_dma source(%arg8 : memref<80x128xf32, #tpu.memory_space<vmem>>) target(%dma_start3A_384 : memref<10000x128xf32, #tpu.memory_space<vmem_shared>>) offsets(%dma_start3A_381 : memref<80xi32, #tpu.memory_space<vmem>>) semaphore(%run_scoped3A_378 : memref<!tpu.dma_semaphore, #tpu.memory_space<semaphore_mem>>) {add = true}
        %dma_wait3A_385 = arith.constant 0 : i32
        %dma_wait3A_386 = tpu.memref_slice %arg7[%add3A_331, %dma_wait3A_385] : memref<32x80xi32, #tpu.memory_space<vmem>> -> memref<1x80xi32, #tpu.memory_space<vmem>>
        %dma_wait3A_387 = tpu.memref_squeeze %dma_wait3A_386 : memref<1x80xi32, #tpu.memory_space<vmem>> -> memref<80xi32, #tpu.memory_space<vmem>>
        %dma_wait3A_388 = arith.constant 0 : i32
        %dma_wait3A_389 = arith.constant 0 : i32
        %dma_wait3A_390 = tpu.memref_slice %arg11[%dma_wait3A_388, %dma_wait3A_389] : memref<10000x128xf32, #tpu.memory_space<vmem_shared>> -> memref<10000x128xf32, #tpu.memory_space<vmem_shared>>
        tpu.wait_indirect_dma semaphore(%run_scoped3A_378 : memref<!tpu.dma_semaphore, #tpu.memory_space<semaphore_mem>>) src(%arg8 : memref<80x128xf32, #tpu.memory_space<vmem>>) dst(%dma_wait3A_390 : memref<10000x128xf32, #tpu.memory_space<vmem_shared>>)
        tpu.yield
      }) : () -> ()
      %add3A_332 = arith.constant 0 : i32
      %add3A_333 = arith.addi %mul3A_323, %add3A_332 : i32
      %add3A_334 = arith.constant 3 : i32
      %add3A_335 = arith.addi %add3A_333, %add3A_334 : i32
      %dma_start3A_336 = arith.constant 0 : i32
      %dma_start3A_337 = tpu.memref_slice %arg6[%add3A_335, %dma_start3A_336] : memref<32x80xi32, #tpu.memory_space<vmem>> -> memref<1x80xi32, #tpu.memory_space<vmem>>
      %dma_start3A_338 = tpu.memref_squeeze %dma_start3A_337 : memref<1x80xi32, #tpu.memory_space<vmem>> -> memref<80xi32, #tpu.memory_space<vmem>>
      %dma_start3A_339 = arith.constant 0 : i32
      %dma_start3A_340 = arith.constant 0 : i32
      %dma_start3A_341 = tpu.memref_slice %arg3[%dma_start3A_339, %dma_start3A_340] : memref<10000x128xf32, #tpu.memory_space<hbm>> -> memref<10000x128xf32, #tpu.memory_space<hbm>>
      tpu.enqueue_indirect_dma source(%dma_start3A_341 : memref<10000x128xf32, #tpu.memory_space<hbm>>) target(%arg8 : memref<80x128xf32, #tpu.memory_space<vmem>>) offsets(%dma_start3A_338 : memref<80xi32, #tpu.memory_space<vmem>>) semaphore(%arg12 : memref<!tpu.dma_semaphore, #tpu.memory_space<semaphore_mem>>)
      %dma_wait3A_342 = arith.constant 0 : i32
      %dma_wait3A_343 = arith.constant 0 : i32
      %dma_wait3A_344 = tpu.memref_slice %arg3[%dma_wait3A_342, %dma_wait3A_343] : memref<10000x128xf32, #tpu.memory_space<hbm>> -> memref<80x128xf32, #tpu.memory_space<hbm>>
      %dma_wait3A_345 = arith.constant 0 : i32
      %dma_wait3A_346 = arith.constant 0 : i32
      %dma_wait3A_347 = tpu.memref_slice %arg3[%dma_wait3A_345, %dma_wait3A_346] : memref<10000x128xf32, #tpu.memory_space<hbm>> -> memref<80x128xf32, #tpu.memory_space<hbm>>
      tpu.wait_dma2 semaphore(%arg13 : memref<!tpu.dma_semaphore, #tpu.memory_space<semaphore_mem>>) src(%dma_wait3A_347 : memref<80x128xf32, #tpu.memory_space<hbm>>) dst(%arg9 : memref<80x128xf32, #tpu.memory_space<vmem>>)
      %add3A_348 = arith.constant 1 : i32
      %add3A_349 = arith.addi %mul3A_323, %add3A_348 : i32
      "tpu.region"() ({
        %run_scoped3A_378 = tpu.sem_alloc : memref<!tpu.dma_semaphore, #tpu.memory_space<semaphore_mem>>
        %dma_start3A_379 = arith.constant 0 : i32
        %dma_start3A_380 = tpu.memref_slice %arg7[%add3A_349, %dma_start3A_379] : memref<32x80xi32, #tpu.memory_space<vmem>> -> memref<1x80xi32, #tpu.memory_space<vmem>>
        %dma_start3A_381 = tpu.memref_squeeze %dma_start3A_380 : memref<1x80xi32, #tpu.memory_space<vmem>> -> memref<80xi32, #tpu.memory_space<vmem>>
        %dma_start3A_382 = arith.constant 0 : i32
        %dma_start3A_383 = arith.constant 0 : i32
        %dma_start3A_384 = tpu.memref_slice %arg11[%dma_start3A_382, %dma_start3A_383] : memref<10000x128xf32, #tpu.memory_space<vmem_shared>> -> memref<10000x128xf32, #tpu.memory_space<vmem_shared>>
        tpu.enqueue_indirect_dma source(%arg9 : memref<80x128xf32, #tpu.memory_space<vmem>>) target(%dma_start3A_384 : memref<10000x128xf32, #tpu.memory_space<vmem_shared>>) offsets(%dma_start3A_381 : memref<80xi32, #tpu.memory_space<vmem>>) semaphore(%run_scoped3A_378 : memref<!tpu.dma_semaphore, #tpu.memory_space<semaphore_mem>>) {add = true}
        %dma_wait3A_385 = arith.constant 0 : i32
        %dma_wait3A_386 = tpu.memref_slice %arg7[%add3A_349, %dma_wait3A_385] : memref<32x80xi32, #tpu.memory_space<vmem>> -> memref<1x80xi32, #tpu.memory_space<vmem>>
        %dma_wait3A_387 = tpu.memref_squeeze %dma_wait3A_386 : memref<1x80xi32, #tpu.memory_space<vmem>> -> memref<80xi32, #tpu.memory_space<vmem>>
        %dma_wait3A_388 = arith.constant 0 : i32
        %dma_wait3A_389 = arith.constant 0 : i32
        %dma_wait3A_390 = tpu.memref_slice %arg11[%dma_wait3A_388, %dma_wait3A_389] : memref<10000x128xf32, #tpu.memory_space<vmem_shared>> -> memref<10000x128xf32, #tpu.memory_space<vmem_shared>>
        tpu.wait_indirect_dma semaphore(%run_scoped3A_378 : memref<!tpu.dma_semaphore, #tpu.memory_space<semaphore_mem>>) src(%arg9 : memref<80x128xf32, #tpu.memory_space<vmem>>) dst(%dma_wait3A_390 : memref<10000x128xf32, #tpu.memory_space<vmem_shared>>)
        tpu.yield
      }) : () -> ()
      %add3A_350 = arith.constant 1 : i32
      %add3A_351 = arith.addi %mul3A_323, %add3A_350 : i32
      %add3A_352 = arith.constant 3 : i32
      %add3A_353 = arith.addi %add3A_351, %add3A_352 : i32
      %dma_start3A_354 = arith.constant 0 : i32
      %dma_start3A_355 = tpu.memref_slice %arg6[%add3A_353, %dma_start3A_354] : memref<32x80xi32, #tpu.memory_space<vmem>> -> memref<1x80xi32, #tpu.memory_space<vmem>>
      %dma_start3A_356 = tpu.memref_squeeze %dma_start3A_355 : memref<1x80xi32, #tpu.memory_space<vmem>> -> memref<80xi32, #tpu.memory_space<vmem>>
      %dma_start3A_357 = arith.constant 0 : i32
      %dma_start3A_358 = arith.constant 0 : i32
      %dma_start3A_359 = tpu.memref_slice %arg3[%dma_start3A_357, %dma_start3A_358] : memref<10000x128xf32, #tpu.memory_space<hbm>> -> memref<10000x128xf32, #tpu.memory_space<hbm>>
      tpu.enqueue_indirect_dma source(%dma_start3A_359 : memref<10000x128xf32, #tpu.memory_space<hbm>>) target(%arg9 : memref<80x128xf32, #tpu.memory_space<vmem>>) offsets(%dma_start3A_356 : memref<80xi32, #tpu.memory_space<vmem>>) semaphore(%arg13 : memref<!tpu.dma_semaphore, #tpu.memory_space<semaphore_mem>>)
      %dma_wait3A_360 = arith.constant 0 : i32
      %dma_wait3A_361 = arith.constant 0 : i32
      %dma_wait3A_362 = tpu.memref_slice %arg3[%dma_wait3A_360, %dma_wait3A_361] : memref<10000x128xf32, #tpu.memory_space<hbm>> -> memref<80x128xf32, #tpu.memory_space<hbm>>
      %dma_wait3A_363 = arith.constant 0 : i32
      %dma_wait3A_364 = arith.constant 0 : i32
      %dma_wait3A_365 = tpu.memref_slice %arg3[%dma_wait3A_363, %dma_wait3A_364] : memref<10000x128xf32, #tpu.memory_space<hbm>> -> memref<80x128xf32, #tpu.memory_space<hbm>>
      tpu.wait_dma2 semaphore(%arg14 : memref<!tpu.dma_semaphore, #tpu.memory_space<semaphore_mem>>) src(%dma_wait3A_365 : memref<80x128xf32, #tpu.memory_space<hbm>>) dst(%arg10 : memref<80x128xf32, #tpu.memory_space<vmem>>)
      %add3A_366 = arith.constant 2 : i32
      %add3A_367 = arith.addi %mul3A_323, %add3A_366 : i32
      "tpu.region"() ({
        %run_scoped3A_378 = tpu.sem_alloc : memref<!tpu.dma_semaphore, #tpu.memory_space<semaphore_mem>>
        %dma_start3A_379 = arith.constant 0 : i32
        %dma_start3A_380 = tpu.memref_slice %arg7[%add3A_367, %dma_start3A_379] : memref<32x80xi32, #tpu.memory_space<vmem>> -> memref<1x80xi32, #tpu.memory_space<vmem>>
        %dma_start3A_381 = tpu.memref_squeeze %dma_start3A_380 : memref<1x80xi32, #tpu.memory_space<vmem>> -> memref<80xi32, #tpu.memory_space<vmem>>
        %dma_start3A_382 = arith.constant 0 : i32
        %dma_start3A_383 = arith.constant 0 : i32
        %dma_start3A_384 = tpu.memref_slice %arg11[%dma_start3A_382, %dma_start3A_383] : memref<10000x128xf32, #tpu.memory_space<vmem_shared>> -> memref<10000x128xf32, #tpu.memory_space<vmem_shared>>
        tpu.enqueue_indirect_dma source(%arg10 : memref<80x128xf32, #tpu.memory_space<vmem>>) target(%dma_start3A_384 : memref<10000x128xf32, #tpu.memory_space<vmem_shared>>) offsets(%dma_start3A_381 : memref<80xi32, #tpu.memory_space<vmem>>) semaphore(%run_scoped3A_378 : memref<!tpu.dma_semaphore, #tpu.memory_space<semaphore_mem>>) {add = true}
        %dma_wait3A_385 = arith.constant 0 : i32
        %dma_wait3A_386 = tpu.memref_slice %arg7[%add3A_367, %dma_wait3A_385] : memref<32x80xi32, #tpu.memory_space<vmem>> -> memref<1x80xi32, #tpu.memory_space<vmem>>
        %dma_wait3A_387 = tpu.memref_squeeze %dma_wait3A_386 : memref<1x80xi32, #tpu.memory_space<vmem>> -> memref<80xi32, #tpu.memory_space<vmem>>
        %dma_wait3A_388 = arith.constant 0 : i32
        %dma_wait3A_389 = arith.constant 0 : i32
        %dma_wait3A_390 = tpu.memref_slice %arg11[%dma_wait3A_388, %dma_wait3A_389] : memref<10000x128xf32, #tpu.memory_space<vmem_shared>> -> memref<10000x128xf32, #tpu.memory_space<vmem_shared>>
        tpu.wait_indirect_dma semaphore(%run_scoped3A_378 : memref<!tpu.dma_semaphore, #tpu.memory_space<semaphore_mem>>) src(%arg10 : memref<80x128xf32, #tpu.memory_space<vmem>>) dst(%dma_wait3A_390 : memref<10000x128xf32, #tpu.memory_space<vmem_shared>>)
        tpu.yield
      }) : () -> ()
      %add3A_368 = arith.constant 2 : i32
      %add3A_369 = arith.addi %mul3A_323, %add3A_368 : i32
      %add3A_370 = arith.constant 3 : i32
      %add3A_371 = arith.addi %add3A_369, %add3A_370 : i32
      %dma_start3A_372 = arith.constant 0 : i32
      %dma_start3A_373 = tpu.memref_slice %arg6[%add3A_371, %dma_start3A_372] : memref<32x80xi32, #tpu.memory_space<vmem>> -> memref<1x80xi32, #tpu.memory_space<vmem>>
      %dma_start3A_374 = tpu.memref_squeeze %dma_start3A_373 : memref<1x80xi32, #tpu.memory_space<vmem>> -> memref<80xi32, #tpu.memory_space<vmem>>
      %dma_start3A_375 = arith.constant 0 : i32
      %dma_start3A_376 = arith.constant 0 : i32
      %dma_start3A_377 = tpu.memref_slice %arg3[%dma_start3A_375, %dma_start3A_376] : memref<10000x128xf32, #tpu.memory_space<hbm>> -> memref<10000x128xf32, #tpu.memory_space<hbm>>
      tpu.enqueue_indirect_dma source(%dma_start3A_377 : memref<10000x128xf32, #tpu.memory_space<hbm>>) target(%arg10 : memref<80x128xf32, #tpu.memory_space<vmem>>) offsets(%dma_start3A_374 : memref<80xi32, #tpu.memory_space<vmem>>) semaphore(%arg14 : memref<!tpu.dma_semaphore, #tpu.memory_space<semaphore_mem>>)
    }
    %scan3A_111 = arith.constant 9 : i32
    %dma_wait3A_112 = arith.constant 0 : i32
    %dma_wait3A_113 = arith.constant 0 : i32
    %dma_wait3A_114 = tpu.memref_slice %arg3[%dma_wait3A_112, %dma_wait3A_113] : memref<10000x128xf32, #tpu.memory_space<hbm>> -> memref<80x128xf32, #tpu.memory_space<hbm>>
    %dma_wait3A_115 = arith.constant 0 : i32
    %dma_wait3A_116 = arith.constant 0 : i32
    %dma_wait3A_117 = tpu.memref_slice %arg3[%dma_wait3A_115, %dma_wait3A_116] : memref<10000x128xf32, #tpu.memory_space<hbm>> -> memref<80x128xf32, #tpu.memory_space<hbm>>
    tpu.wait_dma2 semaphore(%arg12 : memref<!tpu.dma_semaphore, #tpu.memory_space<semaphore_mem>>) src(%dma_wait3A_117 : memref<80x128xf32, #tpu.memory_space<hbm>>) dst(%arg8 : memref<80x128xf32, #tpu.memory_space<vmem>>)
    %run_scoped3A_118 = arith.constant 27 : i32
    "tpu.region"() ({
      %run_scoped3A_321 = tpu.sem_alloc : memref<!tpu.dma_semaphore, #tpu.memory_space<semaphore_mem>>
      %dma_start3A_322 = arith.constant 0 : i32
      %dma_start3A_323 = tpu.memref_slice %arg7[%run_scoped3A_118, %dma_start3A_322] : memref<32x80xi32, #tpu.memory_space<vmem>> -> memref<1x80xi32, #tpu.memory_space<vmem>>
      %dma_start3A_324 = tpu.memref_squeeze %dma_start3A_323 : memref<1x80xi32, #tpu.memory_space<vmem>> -> memref<80xi32, #tpu.memory_space<vmem>>
      %dma_start3A_325 = arith.constant 0 : i32
      %dma_start3A_326 = arith.constant 0 : i32
      %dma_start3A_327 = tpu.memref_slice %arg11[%dma_start3A_325, %dma_start3A_326] : memref<10000x128xf32, #tpu.memory_space<vmem_shared>> -> memref<10000x128xf32, #tpu.memory_space<vmem_shared>>
      tpu.enqueue_indirect_dma source(%arg8 : memref<80x128xf32, #tpu.memory_space<vmem>>) target(%dma_start3A_327 : memref<10000x128xf32, #tpu.memory_space<vmem_shared>>) offsets(%dma_start3A_324 : memref<80xi32, #tpu.memory_space<vmem>>) semaphore(%run_scoped3A_321 : memref<!tpu.dma_semaphore, #tpu.memory_space<semaphore_mem>>) {add = true}
      %dma_wait3A_328 = arith.constant 0 : i32
      %dma_wait3A_329 = tpu.memref_slice %arg7[%run_scoped3A_118, %dma_wait3A_328] : memref<32x80xi32, #tpu.memory_space<vmem>> -> memref<1x80xi32, #tpu.memory_space<vmem>>
      %dma_wait3A_330 = tpu.memref_squeeze %dma_wait3A_329 : memref<1x80xi32, #tpu.memory_space<vmem>> -> memref<80xi32, #tpu.memory_space<vmem>>
      %dma_wait3A_331 = arith.constant 0 : i32
      %dma_wait3A_332 = arith.constant 0 : i32
      %dma_wait3A_333 = tpu.memref_slice %arg11[%dma_wait3A_331, %dma_wait3A_332] : memref<10000x128xf32, #tpu.memory_space<vmem_shared>> -> memref<10000x128xf32, #tpu.memory_space<vmem_shared>>
      tpu.wait_indirect_dma semaphore(%run_scoped3A_321 : memref<!tpu.dma_semaphore, #tpu.memory_space<semaphore_mem>>) src(%arg8 : memref<80x128xf32, #tpu.memory_space<vmem>>) dst(%dma_wait3A_333 : memref<10000x128xf32, #tpu.memory_space<vmem_shared>>)
      tpu.yield
    }) : () -> ()
    %dma_start3A_119 = arith.constant 30 : i32
    %dma_start3A_120 = arith.constant 0 : i32
    %dma_start3A_121 = tpu.memref_slice %arg6[%dma_start3A_119, %dma_start3A_120] : memref<32x80xi32, #tpu.memory_space<vmem>> -> memref<1x80xi32, #tpu.memory_space<vmem>>
    %dma_start3A_122 = tpu.memref_squeeze %dma_start3A_121 : memref<1x80xi32, #tpu.memory_space<vmem>> -> memref<80xi32, #tpu.memory_space<vmem>>
    %dma_start3A_123 = arith.constant 0 : i32
    %dma_start3A_124 = arith.constant 0 : i32
    %dma_start3A_125 = tpu.memref_slice %arg3[%dma_start3A_123, %dma_start3A_124] : memref<10000x128xf32, #tpu.memory_space<hbm>> -> memref<10000x128xf32, #tpu.memory_space<hbm>>
    tpu.enqueue_indirect_dma source(%dma_start3A_125 : memref<10000x128xf32, #tpu.memory_space<hbm>>) target(%arg8 : memref<80x128xf32, #tpu.memory_space<vmem>>) offsets(%dma_start3A_122 : memref<80xi32, #tpu.memory_space<vmem>>) semaphore(%arg12 : memref<!tpu.dma_semaphore, #tpu.memory_space<semaphore_mem>>)
    %dma_wait3A_126 = arith.constant 0 : i32
    %dma_wait3A_127 = arith.constant 0 : i32
    %dma_wait3A_128 = tpu.memref_slice %arg3[%dma_wait3A_126, %dma_wait3A_127] : memref<10000x128xf32, #tpu.memory_space<hbm>> -> memref<80x128xf32, #tpu.memory_space<hbm>>
    %dma_wait3A_129 = arith.constant 0 : i32
    %dma_wait3A_130 = arith.constant 0 : i32
    %dma_wait3A_131 = tpu.memref_slice %arg3[%dma_wait3A_129, %dma_wait3A_130] : memref<10000x128xf32, #tpu.memory_space<hbm>> -> memref<80x128xf32, #tpu.memory_space<hbm>>
    tpu.wait_dma2 semaphore(%arg13 : memref<!tpu.dma_semaphore, #tpu.memory_space<semaphore_mem>>) src(%dma_wait3A_131 : memref<80x128xf32, #tpu.memory_space<hbm>>) dst(%arg9 : memref<80x128xf32, #tpu.memory_space<vmem>>)
    %run_scoped3A_132 = arith.constant 28 : i32
    "tpu.region"() ({
      %run_scoped3A_321 = tpu.sem_alloc : memref<!tpu.dma_semaphore, #tpu.memory_space<semaphore_mem>>
      %dma_start3A_322 = arith.constant 0 : i32
      %dma_start3A_323 = tpu.memref_slice %arg7[%run_scoped3A_132, %dma_start3A_322] : memref<32x80xi32, #tpu.memory_space<vmem>> -> memref<1x80xi32, #tpu.memory_space<vmem>>
      %dma_start3A_324 = tpu.memref_squeeze %dma_start3A_323 : memref<1x80xi32, #tpu.memory_space<vmem>> -> memref<80xi32, #tpu.memory_space<vmem>>
      %dma_start3A_325 = arith.constant 0 : i32
      %dma_start3A_326 = arith.constant 0 : i32
      %dma_start3A_327 = tpu.memref_slice %arg11[%dma_start3A_325, %dma_start3A_326] : memref<10000x128xf32, #tpu.memory_space<vmem_shared>> -> memref<10000x128xf32, #tpu.memory_space<vmem_shared>>
      tpu.enqueue_indirect_dma source(%arg9 : memref<80x128xf32, #tpu.memory_space<vmem>>) target(%dma_start3A_327 : memref<10000x128xf32, #tpu.memory_space<vmem_shared>>) offsets(%dma_start3A_324 : memref<80xi32, #tpu.memory_space<vmem>>) semaphore(%run_scoped3A_321 : memref<!tpu.dma_semaphore, #tpu.memory_space<semaphore_mem>>) {add = true}
      %dma_wait3A_328 = arith.constant 0 : i32
      %dma_wait3A_329 = tpu.memref_slice %arg7[%run_scoped3A_132, %dma_wait3A_328] : memref<32x80xi32, #tpu.memory_space<vmem>> -> memref<1x80xi32, #tpu.memory_space<vmem>>
      %dma_wait3A_330 = tpu.memref_squeeze %dma_wait3A_329 : memref<1x80xi32, #tpu.memory_space<vmem>> -> memref<80xi32, #tpu.memory_space<vmem>>
      %dma_wait3A_331 = arith.constant 0 : i32
      %dma_wait3A_332 = arith.constant 0 : i32
      %dma_wait3A_333 = tpu.memref_slice %arg11[%dma_wait3A_331, %dma_wait3A_332] : memref<10000x128xf32, #tpu.memory_space<vmem_shared>> -> memref<10000x128xf32, #tpu.memory_space<vmem_shared>>
      tpu.wait_indirect_dma semaphore(%run_scoped3A_321 : memref<!tpu.dma_semaphore, #tpu.memory_space<semaphore_mem>>) src(%arg9 : memref<80x128xf32, #tpu.memory_space<vmem>>) dst(%dma_wait3A_333 : memref<10000x128xf32, #tpu.memory_space<vmem_shared>>)
      tpu.yield
    }) : () -> ()
    %dma_start3A_133 = arith.constant 31 : i32
    %dma_start3A_134 = arith.constant 0 : i32
    %dma_start3A_135 = tpu.memref_slice %arg6[%dma_start3A_133, %dma_start3A_134] : memref<32x80xi32, #tpu.memory_space<vmem>> -> memref<1x80xi32, #tpu.memory_space<vmem>>
    %dma_start3A_136 = tpu.memref_squeeze %dma_start3A_135 : memref<1x80xi32, #tpu.memory_space<vmem>> -> memref<80xi32, #tpu.memory_space<vmem>>
    %dma_start3A_137 = arith.constant 0 : i32
    %dma_start3A_138 = arith.constant 0 : i32
    %dma_start3A_139 = tpu.memref_slice %arg3[%dma_start3A_137, %dma_start3A_138] : memref<10000x128xf32, #tpu.memory_space<hbm>> -> memref<10000x128xf32, #tpu.memory_space<hbm>>
    tpu.enqueue_indirect_dma source(%dma_start3A_139 : memref<10000x128xf32, #tpu.memory_space<hbm>>) target(%arg9 : memref<80x128xf32, #tpu.memory_space<vmem>>) offsets(%dma_start3A_136 : memref<80xi32, #tpu.memory_space<vmem>>) semaphore(%arg13 : memref<!tpu.dma_semaphore, #tpu.memory_space<semaphore_mem>>)
    %dma_wait3A_140 = arith.constant 0 : i32
    %dma_wait3A_141 = arith.constant 0 : i32
    %dma_wait3A_142 = tpu.memref_slice %arg3[%dma_wait3A_140, %dma_wait3A_141] : memref<10000x128xf32, #tpu.memory_space<hbm>> -> memref<80x128xf32, #tpu.memory_space<hbm>>
    %dma_wait3A_143 = arith.constant 0 : i32
    %dma_wait3A_144 = arith.constant 0 : i32
    %dma_wait3A_145 = tpu.memref_slice %arg3[%dma_wait3A_143, %dma_wait3A_144] : memref<10000x128xf32, #tpu.memory_space<hbm>> -> memref<80x128xf32, #tpu.memory_space<hbm>>
    tpu.wait_dma2 semaphore(%arg14 : memref<!tpu.dma_semaphore, #tpu.memory_space<semaphore_mem>>) src(%dma_wait3A_145 : memref<80x128xf32, #tpu.memory_space<hbm>>) dst(%arg10 : memref<80x128xf32, #tpu.memory_space<vmem>>)
    %run_scoped3A_146 = arith.constant 29 : i32
    "tpu.region"() ({
      %run_scoped3A_321 = tpu.sem_alloc : memref<!tpu.dma_semaphore, #tpu.memory_space<semaphore_mem>>
      %dma_start3A_322 = arith.constant 0 : i32
      %dma_start3A_323 = tpu.memref_slice %arg7[%run_scoped3A_146, %dma_start3A_322] : memref<32x80xi32, #tpu.memory_space<vmem>> -> memref<1x80xi32, #tpu.memory_space<vmem>>
      %dma_start3A_324 = tpu.memref_squeeze %dma_start3A_323 : memref<1x80xi32, #tpu.memory_space<vmem>> -> memref<80xi32, #tpu.memory_space<vmem>>
      %dma_start3A_325 = arith.constant 0 : i32
      %dma_start3A_326 = arith.constant 0 : i32
      %dma_start3A_327 = tpu.memref_slice %arg11[%dma_start3A_325, %dma_start3A_326] : memref<10000x128xf32, #tpu.memory_space<vmem_shared>> -> memref<10000x128xf32, #tpu.memory_space<vmem_shared>>
      tpu.enqueue_indirect_dma source(%arg10 : memref<80x128xf32, #tpu.memory_space<vmem>>) target(%dma_start3A_327 : memref<10000x128xf32, #tpu.memory_space<vmem_shared>>) offsets(%dma_start3A_324 : memref<80xi32, #tpu.memory_space<vmem>>) semaphore(%run_scoped3A_321 : memref<!tpu.dma_semaphore, #tpu.memory_space<semaphore_mem>>) {add = true}
      %dma_wait3A_328 = arith.constant 0 : i32
      %dma_wait3A_329 = tpu.memref_slice %arg7[%run_scoped3A_146, %dma_wait3A_328] : memref<32x80xi32, #tpu.memory_space<vmem>> -> memref<1x80xi32, #tpu.memory_space<vmem>>
      %dma_wait3A_330 = tpu.memref_squeeze %dma_wait3A_329 : memref<1x80xi32, #tpu.memory_space<vmem>> -> memref<80xi32, #tpu.memory_space<vmem>>
      %dma_wait3A_331 = arith.constant 0 : i32
      %dma_wait3A_332 = arith.constant 0 : i32
      %dma_wait3A_333 = tpu.memref_slice %arg11[%dma_wait3A_331, %dma_wait3A_332] : memref<10000x128xf32, #tpu.memory_space<vmem_shared>> -> memref<10000x128xf32, #tpu.memory_space<vmem_shared>>
      tpu.wait_indirect_dma semaphore(%run_scoped3A_321 : memref<!tpu.dma_semaphore, #tpu.memory_space<semaphore_mem>>) src(%arg10 : memref<80x128xf32, #tpu.memory_space<vmem>>) dst(%dma_wait3A_333 : memref<10000x128xf32, #tpu.memory_space<vmem_shared>>)
      tpu.yield
    }) : () -> ()
    %dma_wait3A_147 = arith.constant 0 : i32
    %dma_wait3A_148 = arith.constant 0 : i32
    %dma_wait3A_149 = tpu.memref_slice %arg3[%dma_wait3A_147, %dma_wait3A_148] : memref<10000x128xf32, #tpu.memory_space<hbm>> -> memref<80x128xf32, #tpu.memory_space<hbm>>
    %dma_wait3A_150 = arith.constant 0 : i32
    %dma_wait3A_151 = arith.constant 0 : i32
    %dma_wait3A_152 = tpu.memref_slice %arg3[%dma_wait3A_150, %dma_wait3A_151] : memref<10000x128xf32, #tpu.memory_space<hbm>> -> memref<80x128xf32, #tpu.memory_space<hbm>>
    tpu.wait_dma2 semaphore(%arg12 : memref<!tpu.dma_semaphore, #tpu.memory_space<semaphore_mem>>) src(%dma_wait3A_152 : memref<80x128xf32, #tpu.memory_space<hbm>>) dst(%arg8 : memref<80x128xf32, #tpu.memory_space<vmem>>)
    %run_scoped3A_153 = arith.constant 30 : i32
    "tpu.region"() ({
      %run_scoped3A_321 = tpu.sem_alloc : memref<!tpu.dma_semaphore, #tpu.memory_space<semaphore_mem>>
      %dma_start3A_322 = arith.constant 0 : i32
      %dma_start3A_323 = tpu.memref_slice %arg7[%run_scoped3A_153, %dma_start3A_322] : memref<32x80xi32, #tpu.memory_space<vmem>> -> memref<1x80xi32, #tpu.memory_space<vmem>>
      %dma_start3A_324 = tpu.memref_squeeze %dma_start3A_323 : memref<1x80xi32, #tpu.memory_space<vmem>> -> memref<80xi32, #tpu.memory_space<vmem>>
      %dma_start3A_325 = arith.constant 0 : i32
      %dma_start3A_326 = arith.constant 0 : i32
      %dma_start3A_327 = tpu.memref_slice %arg11[%dma_start3A_325, %dma_start3A_326] : memref<10000x128xf32, #tpu.memory_space<vmem_shared>> -> memref<10000x128xf32, #tpu.memory_space<vmem_shared>>
      tpu.enqueue_indirect_dma source(%arg8 : memref<80x128xf32, #tpu.memory_space<vmem>>) target(%dma_start3A_327 : memref<10000x128xf32, #tpu.memory_space<vmem_shared>>) offsets(%dma_start3A_324 : memref<80xi32, #tpu.memory_space<vmem>>) semaphore(%run_scoped3A_321 : memref<!tpu.dma_semaphore, #tpu.memory_space<semaphore_mem>>) {add = true}
      %dma_wait3A_328 = arith.constant 0 : i32
      %dma_wait3A_329 = tpu.memref_slice %arg7[%run_scoped3A_153, %dma_wait3A_328] : memref<32x80xi32, #tpu.memory_space<vmem>> -> memref<1x80xi32, #tpu.memory_space<vmem>>
      %dma_wait3A_330 = tpu.memref_squeeze %dma_wait3A_329 : memref<1x80xi32, #tpu.memory_space<vmem>> -> memref<80xi32, #tpu.memory_space<vmem>>
      %dma_wait3A_331 = arith.constant 0 : i32
      %dma_wait3A_332 = arith.constant 0 : i32
      %dma_wait3A_333 = tpu.memref_slice %arg11[%dma_wait3A_331, %dma_wait3A_332] : memref<10000x128xf32, #tpu.memory_space<vmem_shared>> -> memref<10000x128xf32, #tpu.memory_space<vmem_shared>>
      tpu.wait_indirect_dma semaphore(%run_scoped3A_321 : memref<!tpu.dma_semaphore, #tpu.memory_space<semaphore_mem>>) src(%arg8 : memref<80x128xf32, #tpu.memory_space<vmem>>) dst(%dma_wait3A_333 : memref<10000x128xf32, #tpu.memory_space<vmem_shared>>)
      tpu.yield
    }) : () -> ()
    %dma_wait3A_154 = arith.constant 0 : i32
    %dma_wait3A_155 = arith.constant 0 : i32
    %dma_wait3A_156 = tpu.memref_slice %arg3[%dma_wait3A_154, %dma_wait3A_155] : memref<10000x128xf32, #tpu.memory_space<hbm>> -> memref<80x128xf32, #tpu.memory_space<hbm>>
    %dma_wait3A_157 = arith.constant 0 : i32
    %dma_wait3A_158 = arith.constant 0 : i32
    %dma_wait3A_159 = tpu.memref_slice %arg3[%dma_wait3A_157, %dma_wait3A_158] : memref<10000x128xf32, #tpu.memory_space<hbm>> -> memref<80x128xf32, #tpu.memory_space<hbm>>
    tpu.wait_dma2 semaphore(%arg13 : memref<!tpu.dma_semaphore, #tpu.memory_space<semaphore_mem>>) src(%dma_wait3A_159 : memref<80x128xf32, #tpu.memory_space<hbm>>) dst(%arg9 : memref<80x128xf32, #tpu.memory_space<vmem>>)
    %run_scoped3A_160 = arith.constant 31 : i32
    "tpu.region"() ({
      %run_scoped3A_321 = tpu.sem_alloc : memref<!tpu.dma_semaphore, #tpu.memory_space<semaphore_mem>>
      %dma_start3A_322 = arith.constant 0 : i32
      %dma_start3A_323 = tpu.memref_slice %arg7[%run_scoped3A_160, %dma_start3A_322] : memref<32x80xi32, #tpu.memory_space<vmem>> -> memref<1x80xi32, #tpu.memory_space<vmem>>
      %dma_start3A_324 = tpu.memref_squeeze %dma_start3A_323 : memref<1x80xi32, #tpu.memory_space<vmem>> -> memref<80xi32, #tpu.memory_space<vmem>>
      %dma_start3A_325 = arith.constant 0 : i32
      %dma_start3A_326 = arith.constant 0 : i32
      %dma_start3A_327 = tpu.memref_slice %arg11[%dma_start3A_325, %dma_start3A_326] : memref<10000x128xf32, #tpu.memory_space<vmem_shared>> -> memref<10000x128xf32, #tpu.memory_space<vmem_shared>>
      tpu.enqueue_indirect_dma source(%arg9 : memref<80x128xf32, #tpu.memory_space<vmem>>) target(%dma_start3A_327 : memref<10000x128xf32, #tpu.memory_space<vmem_shared>>) offsets(%dma_start3A_324 : memref<80xi32, #tpu.memory_space<vmem>>) semaphore(%run_scoped3A_321 : memref<!tpu.dma_semaphore, #tpu.memory_space<semaphore_mem>>) {add = true}
      %dma_wait3A_328 = arith.constant 0 : i32
      %dma_wait3A_329 = tpu.memref_slice %arg7[%run_scoped3A_160, %dma_wait3A_328] : memref<32x80xi32, #tpu.memory_space<vmem>> -> memref<1x80xi32, #tpu.memory_space<vmem>>
      %dma_wait3A_330 = tpu.memref_squeeze %dma_wait3A_329 : memref<1x80xi32, #tpu.memory_space<vmem>> -> memref<80xi32, #tpu.memory_space<vmem>>
      %dma_wait3A_331 = arith.constant 0 : i32
      %dma_wait3A_332 = arith.constant 0 : i32
      %dma_wait3A_333 = tpu.memref_slice %arg11[%dma_wait3A_331, %dma_wait3A_332] : memref<10000x128xf32, #tpu.memory_space<vmem_shared>> -> memref<10000x128xf32, #tpu.memory_space<vmem_shared>>
      tpu.wait_indirect_dma semaphore(%run_scoped3A_321 : memref<!tpu.dma_semaphore, #tpu.memory_space<semaphore_mem>>) src(%arg9 : memref<80x128xf32, #tpu.memory_space<vmem>>) dst(%dma_wait3A_333 : memref<10000x128xf32, #tpu.memory_space<vmem_shared>>)
      tpu.yield
    }) : () -> ()
    "tpu.region"() ({
      %run_scoped3A_321 = tpu.sem_alloc : memref<!tpu.dma_semaphore, #tpu.memory_space<semaphore_mem>>
      %dma_start3A_322 = arith.constant 64 : i32
      %dma_start3A_323 = arith.constant 0 : i32
      %dma_start3A_324 = tpu.memref_slice %arg2[%add3A, %dma_start3A_322, %dma_start3A_323] : memref<64x125x80xi32, #tpu.memory_space<hbm>> -> memref<1x32x80xi32, #tpu.memory_space<hbm>>
      %dma_start3A_325 = tpu.memref_squeeze %dma_start3A_324 : memref<1x32x80xi32, #tpu.memory_space<hbm>> -> memref<32x80xi32, #tpu.memory_space<hbm>>
      %dma_start3A_326 = arith.constant 64 : i32
      %dma_start3A_327 = arith.constant 0 : i32
      %dma_start3A_328 = tpu.memref_slice %arg2[%add3A, %dma_start3A_326, %dma_start3A_327] : memref<64x125x80xi32, #tpu.memory_space<hbm>> -> memref<1x32x80xi32, #tpu.memory_space<hbm>>
      %dma_start3A_329 = tpu.memref_squeeze %dma_start3A_328 : memref<1x32x80xi32, #tpu.memory_space<hbm>> -> memref<32x80xi32, #tpu.memory_space<hbm>>
      tpu.enqueue_dma source(%dma_start3A_329 : memref<32x80xi32, #tpu.memory_space<hbm>>) target(%arg6 : memref<32x80xi32, #tpu.memory_space<vmem>>) target_semaphore(%run_scoped3A_321 : memref<!tpu.dma_semaphore, #tpu.memory_space<semaphore_mem>>)
      %dma_wait3A_330 = arith.constant 64 : i32
      %dma_wait3A_331 = arith.constant 0 : i32
      %dma_wait3A_332 = tpu.memref_slice %arg2[%add3A, %dma_wait3A_330, %dma_wait3A_331] : memref<64x125x80xi32, #tpu.memory_space<hbm>> -> memref<1x32x80xi32, #tpu.memory_space<hbm>>
      %dma_wait3A_333 = tpu.memref_squeeze %dma_wait3A_332 : memref<1x32x80xi32, #tpu.memory_space<hbm>> -> memref<32x80xi32, #tpu.memory_space<hbm>>
      %dma_wait3A_334 = arith.constant 64 : i32
      %dma_wait3A_335 = arith.constant 0 : i32
      %dma_wait3A_336 = tpu.memref_slice %arg2[%add3A, %dma_wait3A_334, %dma_wait3A_335] : memref<64x125x80xi32, #tpu.memory_space<hbm>> -> memref<1x32x80xi32, #tpu.memory_space<hbm>>
      %dma_wait3A_337 = tpu.memref_squeeze %dma_wait3A_336 : memref<1x32x80xi32, #tpu.memory_space<hbm>> -> memref<32x80xi32, #tpu.memory_space<hbm>>
      tpu.wait_dma2 semaphore(%run_scoped3A_321 : memref<!tpu.dma_semaphore, #tpu.memory_space<semaphore_mem>>) src(%dma_wait3A_337 : memref<32x80xi32, #tpu.memory_space<hbm>>) dst(%arg6 : memref<32x80xi32, #tpu.memory_space<vmem>>)
      tpu.yield
    }) : () -> ()
    %add3A_161 = arith.constant 32 : i32
    %add3A_162 = arith.addi %add3A_161, %add3A : i32
    "tpu.region"() ({
      %run_scoped3A_321 = tpu.sem_alloc : memref<!tpu.dma_semaphore, #tpu.memory_space<semaphore_mem>>
      %dma_start3A_322 = arith.constant 64 : i32
      %dma_start3A_323 = arith.constant 0 : i32
      %dma_start3A_324 = tpu.memref_slice %arg2[%add3A_162, %dma_start3A_322, %dma_start3A_323] : memref<64x125x80xi32, #tpu.memory_space<hbm>> -> memref<1x32x80xi32, #tpu.memory_space<hbm>>
      %dma_start3A_325 = tpu.memref_squeeze %dma_start3A_324 : memref<1x32x80xi32, #tpu.memory_space<hbm>> -> memref<32x80xi32, #tpu.memory_space<hbm>>
      %dma_start3A_326 = arith.constant 64 : i32
      %dma_start3A_327 = arith.constant 0 : i32
      %dma_start3A_328 = tpu.memref_slice %arg2[%add3A_162, %dma_start3A_326, %dma_start3A_327] : memref<64x125x80xi32, #tpu.memory_space<hbm>> -> memref<1x32x80xi32, #tpu.memory_space<hbm>>
      %dma_start3A_329 = tpu.memref_squeeze %dma_start3A_328 : memref<1x32x80xi32, #tpu.memory_space<hbm>> -> memref<32x80xi32, #tpu.memory_space<hbm>>
      tpu.enqueue_dma source(%dma_start3A_329 : memref<32x80xi32, #tpu.memory_space<hbm>>) target(%arg7 : memref<32x80xi32, #tpu.memory_space<vmem>>) target_semaphore(%run_scoped3A_321 : memref<!tpu.dma_semaphore, #tpu.memory_space<semaphore_mem>>)
      %dma_wait3A_330 = arith.constant 64 : i32
      %dma_wait3A_331 = arith.constant 0 : i32
      %dma_wait3A_332 = tpu.memref_slice %arg2[%add3A_162, %dma_wait3A_330, %dma_wait3A_331] : memref<64x125x80xi32, #tpu.memory_space<hbm>> -> memref<1x32x80xi32, #tpu.memory_space<hbm>>
      %dma_wait3A_333 = tpu.memref_squeeze %dma_wait3A_332 : memref<1x32x80xi32, #tpu.memory_space<hbm>> -> memref<32x80xi32, #tpu.memory_space<hbm>>
      %dma_wait3A_334 = arith.constant 64 : i32
      %dma_wait3A_335 = arith.constant 0 : i32
      %dma_wait3A_336 = tpu.memref_slice %arg2[%add3A_162, %dma_wait3A_334, %dma_wait3A_335] : memref<64x125x80xi32, #tpu.memory_space<hbm>> -> memref<1x32x80xi32, #tpu.memory_space<hbm>>
      %dma_wait3A_337 = tpu.memref_squeeze %dma_wait3A_336 : memref<1x32x80xi32, #tpu.memory_space<hbm>> -> memref<32x80xi32, #tpu.memory_space<hbm>>
      tpu.wait_dma2 semaphore(%run_scoped3A_321 : memref<!tpu.dma_semaphore, #tpu.memory_space<semaphore_mem>>) src(%dma_wait3A_337 : memref<32x80xi32, #tpu.memory_space<hbm>>) dst(%arg7 : memref<32x80xi32, #tpu.memory_space<vmem>>)
      tpu.yield
    }) : () -> ()
    %dma_start3A_163 = arith.constant 0 : i32
    %dma_start3A_164 = arith.constant 0 : i32
    %dma_start3A_165 = tpu.memref_slice %arg6[%dma_start3A_163, %dma_start3A_164] : memref<32x80xi32, #tpu.memory_space<vmem>> -> memref<1x80xi32, #tpu.memory_space<vmem>>
    %dma_start3A_166 = tpu.memref_squeeze %dma_start3A_165 : memref<1x80xi32, #tpu.memory_space<vmem>> -> memref<80xi32, #tpu.memory_space<vmem>>
    %dma_start3A_167 = arith.constant 0 : i32
    %dma_start3A_168 = arith.constant 0 : i32
    %dma_start3A_169 = tpu.memref_slice %arg3[%dma_start3A_167, %dma_start3A_168] : memref<10000x128xf32, #tpu.memory_space<hbm>> -> memref<10000x128xf32, #tpu.memory_space<hbm>>
    tpu.enqueue_indirect_dma source(%dma_start3A_169 : memref<10000x128xf32, #tpu.memory_space<hbm>>) target(%arg8 : memref<80x128xf32, #tpu.memory_space<vmem>>) offsets(%dma_start3A_166 : memref<80xi32, #tpu.memory_space<vmem>>) semaphore(%arg12 : memref<!tpu.dma_semaphore, #tpu.memory_space<semaphore_mem>>)
    %dma_start3A_170 = arith.constant 1 : i32
    %dma_start3A_171 = arith.constant 0 : i32
    %dma_start3A_172 = tpu.memref_slice %arg6[%dma_start3A_170, %dma_start3A_171] : memref<32x80xi32, #tpu.memory_space<vmem>> -> memref<1x80xi32, #tpu.memory_space<vmem>>
    %dma_start3A_173 = tpu.memref_squeeze %dma_start3A_172 : memref<1x80xi32, #tpu.memory_space<vmem>> -> memref<80xi32, #tpu.memory_space<vmem>>
    %dma_start3A_174 = arith.constant 0 : i32
    %dma_start3A_175 = arith.constant 0 : i32
    %dma_start3A_176 = tpu.memref_slice %arg3[%dma_start3A_174, %dma_start3A_175] : memref<10000x128xf32, #tpu.memory_space<hbm>> -> memref<10000x128xf32, #tpu.memory_space<hbm>>
    tpu.enqueue_indirect_dma source(%dma_start3A_176 : memref<10000x128xf32, #tpu.memory_space<hbm>>) target(%arg9 : memref<80x128xf32, #tpu.memory_space<vmem>>) offsets(%dma_start3A_173 : memref<80xi32, #tpu.memory_space<vmem>>) semaphore(%arg13 : memref<!tpu.dma_semaphore, #tpu.memory_space<semaphore_mem>>)
    %dma_start3A_177 = arith.constant 2 : i32
    %dma_start3A_178 = arith.constant 0 : i32
    %dma_start3A_179 = tpu.memref_slice %arg6[%dma_start3A_177, %dma_start3A_178] : memref<32x80xi32, #tpu.memory_space<vmem>> -> memref<1x80xi32, #tpu.memory_space<vmem>>
    %dma_start3A_180 = tpu.memref_squeeze %dma_start3A_179 : memref<1x80xi32, #tpu.memory_space<vmem>> -> memref<80xi32, #tpu.memory_space<vmem>>
    %dma_start3A_181 = arith.constant 0 : i32
    %dma_start3A_182 = arith.constant 0 : i32
    %dma_start3A_183 = tpu.memref_slice %arg3[%dma_start3A_181, %dma_start3A_182] : memref<10000x128xf32, #tpu.memory_space<hbm>> -> memref<10000x128xf32, #tpu.memory_space<hbm>>
    tpu.enqueue_indirect_dma source(%dma_start3A_183 : memref<10000x128xf32, #tpu.memory_space<hbm>>) target(%arg10 : memref<80x128xf32, #tpu.memory_space<vmem>>) offsets(%dma_start3A_180 : memref<80xi32, #tpu.memory_space<vmem>>) semaphore(%arg14 : memref<!tpu.dma_semaphore, #tpu.memory_space<semaphore_mem>>)
    %scan3A_184 = arith.constant 0 : i32
    %scan3A_185 = arith.constant 0 : i32
    %scan3A_186 = arith.constant 9 : i32
    %scan3A_187 = arith.addi %scan3A_185, %scan3A_186 : i32
    %scan3A_188 = arith.constant 1 : i32
    scf.for %scan3A_321 = %scan3A_185 to %scan3A_187 step %scan3A_188  : i32 {
      %mul3A_322 = arith.constant 3 : i32
      %mul3A_323 = arith.muli %mul3A_322, %scan3A_321 : i32
      %dma_wait3A_324 = arith.constant 0 : i32
      %dma_wait3A_325 = arith.constant 0 : i32
      %dma_wait3A_326 = tpu.memref_slice %arg3[%dma_wait3A_324, %dma_wait3A_325] : memref<10000x128xf32, #tpu.memory_space<hbm>> -> memref<80x128xf32, #tpu.memory_space<hbm>>
      %dma_wait3A_327 = arith.constant 0 : i32
      %dma_wait3A_328 = arith.constant 0 : i32
      %dma_wait3A_329 = tpu.memref_slice %arg3[%dma_wait3A_327, %dma_wait3A_328] : memref<10000x128xf32, #tpu.memory_space<hbm>> -> memref<80x128xf32, #tpu.memory_space<hbm>>
      tpu.wait_dma2 semaphore(%arg12 : memref<!tpu.dma_semaphore, #tpu.memory_space<semaphore_mem>>) src(%dma_wait3A_329 : memref<80x128xf32, #tpu.memory_space<hbm>>) dst(%arg8 : memref<80x128xf32, #tpu.memory_space<vmem>>)
      %add3A_330 = arith.constant 0 : i32
      %add3A_331 = arith.addi %mul3A_323, %add3A_330 : i32
      "tpu.region"() ({
        %run_scoped3A_378 = tpu.sem_alloc : memref<!tpu.dma_semaphore, #tpu.memory_space<semaphore_mem>>
        %dma_start3A_379 = arith.constant 0 : i32
        %dma_start3A_380 = tpu.memref_slice %arg7[%add3A_331, %dma_start3A_379] : memref<32x80xi32, #tpu.memory_space<vmem>> -> memref<1x80xi32, #tpu.memory_space<vmem>>
        %dma_start3A_381 = tpu.memref_squeeze %dma_start3A_380 : memref<1x80xi32, #tpu.memory_space<vmem>> -> memref<80xi32, #tpu.memory_space<vmem>>
        %dma_start3A_382 = arith.constant 0 : i32
        %dma_start3A_383 = arith.constant 0 : i32
        %dma_start3A_384 = tpu.memref_slice %arg11[%dma_start3A_382, %dma_start3A_383] : memref<10000x128xf32, #tpu.memory_space<vmem_shared>> -> memref<10000x128xf32, #tpu.memory_space<vmem_shared>>
        tpu.enqueue_indirect_dma source(%arg8 : memref<80x128xf32, #tpu.memory_space<vmem>>) target(%dma_start3A_384 : memref<10000x128xf32, #tpu.memory_space<vmem_shared>>) offsets(%dma_start3A_381 : memref<80xi32, #tpu.memory_space<vmem>>) semaphore(%run_scoped3A_378 : memref<!tpu.dma_semaphore, #tpu.memory_space<semaphore_mem>>) {add = true}
        %dma_wait3A_385 = arith.constant 0 : i32
        %dma_wait3A_386 = tpu.memref_slice %arg7[%add3A_331, %dma_wait3A_385] : memref<32x80xi32, #tpu.memory_space<vmem>> -> memref<1x80xi32, #tpu.memory_space<vmem>>
        %dma_wait3A_387 = tpu.memref_squeeze %dma_wait3A_386 : memref<1x80xi32, #tpu.memory_space<vmem>> -> memref<80xi32, #tpu.memory_space<vmem>>
        %dma_wait3A_388 = arith.constant 0 : i32
        %dma_wait3A_389 = arith.constant 0 : i32
        %dma_wait3A_390 = tpu.memref_slice %arg11[%dma_wait3A_388, %dma_wait3A_389] : memref<10000x128xf32, #tpu.memory_space<vmem_shared>> -> memref<10000x128xf32, #tpu.memory_space<vmem_shared>>
        tpu.wait_indirect_dma semaphore(%run_scoped3A_378 : memref<!tpu.dma_semaphore, #tpu.memory_space<semaphore_mem>>) src(%arg8 : memref<80x128xf32, #tpu.memory_space<vmem>>) dst(%dma_wait3A_390 : memref<10000x128xf32, #tpu.memory_space<vmem_shared>>)
        tpu.yield
      }) : () -> ()
      %add3A_332 = arith.constant 0 : i32
      %add3A_333 = arith.addi %mul3A_323, %add3A_332 : i32
      %add3A_334 = arith.constant 3 : i32
      %add3A_335 = arith.addi %add3A_333, %add3A_334 : i32
      %dma_start3A_336 = arith.constant 0 : i32
      %dma_start3A_337 = tpu.memref_slice %arg6[%add3A_335, %dma_start3A_336] : memref<32x80xi32, #tpu.memory_space<vmem>> -> memref<1x80xi32, #tpu.memory_space<vmem>>
      %dma_start3A_338 = tpu.memref_squeeze %dma_start3A_337 : memref<1x80xi32, #tpu.memory_space<vmem>> -> memref<80xi32, #tpu.memory_space<vmem>>
      %dma_start3A_339 = arith.constant 0 : i32
      %dma_start3A_340 = arith.constant 0 : i32
      %dma_start3A_341 = tpu.memref_slice %arg3[%dma_start3A_339, %dma_start3A_340] : memref<10000x128xf32, #tpu.memory_space<hbm>> -> memref<10000x128xf32, #tpu.memory_space<hbm>>
      tpu.enqueue_indirect_dma source(%dma_start3A_341 : memref<10000x128xf32, #tpu.memory_space<hbm>>) target(%arg8 : memref<80x128xf32, #tpu.memory_space<vmem>>) offsets(%dma_start3A_338 : memref<80xi32, #tpu.memory_space<vmem>>) semaphore(%arg12 : memref<!tpu.dma_semaphore, #tpu.memory_space<semaphore_mem>>)
      %dma_wait3A_342 = arith.constant 0 : i32
      %dma_wait3A_343 = arith.constant 0 : i32
      %dma_wait3A_344 = tpu.memref_slice %arg3[%dma_wait3A_342, %dma_wait3A_343] : memref<10000x128xf32, #tpu.memory_space<hbm>> -> memref<80x128xf32, #tpu.memory_space<hbm>>
      %dma_wait3A_345 = arith.constant 0 : i32
      %dma_wait3A_346 = arith.constant 0 : i32
      %dma_wait3A_347 = tpu.memref_slice %arg3[%dma_wait3A_345, %dma_wait3A_346] : memref<10000x128xf32, #tpu.memory_space<hbm>> -> memref<80x128xf32, #tpu.memory_space<hbm>>
      tpu.wait_dma2 semaphore(%arg13 : memref<!tpu.dma_semaphore, #tpu.memory_space<semaphore_mem>>) src(%dma_wait3A_347 : memref<80x128xf32, #tpu.memory_space<hbm>>) dst(%arg9 : memref<80x128xf32, #tpu.memory_space<vmem>>)
      %add3A_348 = arith.constant 1 : i32
      %add3A_349 = arith.addi %mul3A_323, %add3A_348 : i32
      "tpu.region"() ({
        %run_scoped3A_378 = tpu.sem_alloc : memref<!tpu.dma_semaphore, #tpu.memory_space<semaphore_mem>>
        %dma_start3A_379 = arith.constant 0 : i32
        %dma_start3A_380 = tpu.memref_slice %arg7[%add3A_349, %dma_start3A_379] : memref<32x80xi32, #tpu.memory_space<vmem>> -> memref<1x80xi32, #tpu.memory_space<vmem>>
        %dma_start3A_381 = tpu.memref_squeeze %dma_start3A_380 : memref<1x80xi32, #tpu.memory_space<vmem>> -> memref<80xi32, #tpu.memory_space<vmem>>
        %dma_start3A_382 = arith.constant 0 : i32
        %dma_start3A_383 = arith.constant 0 : i32
        %dma_start3A_384 = tpu.memref_slice %arg11[%dma_start3A_382, %dma_start3A_383] : memref<10000x128xf32, #tpu.memory_space<vmem_shared>> -> memref<10000x128xf32, #tpu.memory_space<vmem_shared>>
        tpu.enqueue_indirect_dma source(%arg9 : memref<80x128xf32, #tpu.memory_space<vmem>>) target(%dma_start3A_384 : memref<10000x128xf32, #tpu.memory_space<vmem_shared>>) offsets(%dma_start3A_381 : memref<80xi32, #tpu.memory_space<vmem>>) semaphore(%run_scoped3A_378 : memref<!tpu.dma_semaphore, #tpu.memory_space<semaphore_mem>>) {add = true}
        %dma_wait3A_385 = arith.constant 0 : i32
        %dma_wait3A_386 = tpu.memref_slice %arg7[%add3A_349, %dma_wait3A_385] : memref<32x80xi32, #tpu.memory_space<vmem>> -> memref<1x80xi32, #tpu.memory_space<vmem>>
        %dma_wait3A_387 = tpu.memref_squeeze %dma_wait3A_386 : memref<1x80xi32, #tpu.memory_space<vmem>> -> memref<80xi32, #tpu.memory_space<vmem>>
        %dma_wait3A_388 = arith.constant 0 : i32
        %dma_wait3A_389 = arith.constant 0 : i32
        %dma_wait3A_390 = tpu.memref_slice %arg11[%dma_wait3A_388, %dma_wait3A_389] : memref<10000x128xf32, #tpu.memory_space<vmem_shared>> -> memref<10000x128xf32, #tpu.memory_space<vmem_shared>>
        tpu.wait_indirect_dma semaphore(%run_scoped3A_378 : memref<!tpu.dma_semaphore, #tpu.memory_space<semaphore_mem>>) src(%arg9 : memref<80x128xf32, #tpu.memory_space<vmem>>) dst(%dma_wait3A_390 : memref<10000x128xf32, #tpu.memory_space<vmem_shared>>)
        tpu.yield
      }) : () -> ()
      %add3A_350 = arith.constant 1 : i32
      %add3A_351 = arith.addi %mul3A_323, %add3A_350 : i32
      %add3A_352 = arith.constant 3 : i32
      %add3A_353 = arith.addi %add3A_351, %add3A_352 : i32
      %dma_start3A_354 = arith.constant 0 : i32
      %dma_start3A_355 = tpu.memref_slice %arg6[%add3A_353, %dma_start3A_354] : memref<32x80xi32, #tpu.memory_space<vmem>> -> memref<1x80xi32, #tpu.memory_space<vmem>>
      %dma_start3A_356 = tpu.memref_squeeze %dma_start3A_355 : memref<1x80xi32, #tpu.memory_space<vmem>> -> memref<80xi32, #tpu.memory_space<vmem>>
      %dma_start3A_357 = arith.constant 0 : i32
      %dma_start3A_358 = arith.constant 0 : i32
      %dma_start3A_359 = tpu.memref_slice %arg3[%dma_start3A_357, %dma_start3A_358] : memref<10000x128xf32, #tpu.memory_space<hbm>> -> memref<10000x128xf32, #tpu.memory_space<hbm>>
      tpu.enqueue_indirect_dma source(%dma_start3A_359 : memref<10000x128xf32, #tpu.memory_space<hbm>>) target(%arg9 : memref<80x128xf32, #tpu.memory_space<vmem>>) offsets(%dma_start3A_356 : memref<80xi32, #tpu.memory_space<vmem>>) semaphore(%arg13 : memref<!tpu.dma_semaphore, #tpu.memory_space<semaphore_mem>>)
      %dma_wait3A_360 = arith.constant 0 : i32
      %dma_wait3A_361 = arith.constant 0 : i32
      %dma_wait3A_362 = tpu.memref_slice %arg3[%dma_wait3A_360, %dma_wait3A_361] : memref<10000x128xf32, #tpu.memory_space<hbm>> -> memref<80x128xf32, #tpu.memory_space<hbm>>
      %dma_wait3A_363 = arith.constant 0 : i32
      %dma_wait3A_364 = arith.constant 0 : i32
      %dma_wait3A_365 = tpu.memref_slice %arg3[%dma_wait3A_363, %dma_wait3A_364] : memref<10000x128xf32, #tpu.memory_space<hbm>> -> memref<80x128xf32, #tpu.memory_space<hbm>>
      tpu.wait_dma2 semaphore(%arg14 : memref<!tpu.dma_semaphore, #tpu.memory_space<semaphore_mem>>) src(%dma_wait3A_365 : memref<80x128xf32, #tpu.memory_space<hbm>>) dst(%arg10 : memref<80x128xf32, #tpu.memory_space<vmem>>)
      %add3A_366 = arith.constant 2 : i32
      %add3A_367 = arith.addi %mul3A_323, %add3A_366 : i32
      "tpu.region"() ({
        %run_scoped3A_378 = tpu.sem_alloc : memref<!tpu.dma_semaphore, #tpu.memory_space<semaphore_mem>>
        %dma_start3A_379 = arith.constant 0 : i32
        %dma_start3A_380 = tpu.memref_slice %arg7[%add3A_367, %dma_start3A_379] : memref<32x80xi32, #tpu.memory_space<vmem>> -> memref<1x80xi32, #tpu.memory_space<vmem>>
        %dma_start3A_381 = tpu.memref_squeeze %dma_start3A_380 : memref<1x80xi32, #tpu.memory_space<vmem>> -> memref<80xi32, #tpu.memory_space<vmem>>
        %dma_start3A_382 = arith.constant 0 : i32
        %dma_start3A_383 = arith.constant 0 : i32
        %dma_start3A_384 = tpu.memref_slice %arg11[%dma_start3A_382, %dma_start3A_383] : memref<10000x128xf32, #tpu.memory_space<vmem_shared>> -> memref<10000x128xf32, #tpu.memory_space<vmem_shared>>
        tpu.enqueue_indirect_dma source(%arg10 : memref<80x128xf32, #tpu.memory_space<vmem>>) target(%dma_start3A_384 : memref<10000x128xf32, #tpu.memory_space<vmem_shared>>) offsets(%dma_start3A_381 : memref<80xi32, #tpu.memory_space<vmem>>) semaphore(%run_scoped3A_378 : memref<!tpu.dma_semaphore, #tpu.memory_space<semaphore_mem>>) {add = true}
        %dma_wait3A_385 = arith.constant 0 : i32
        %dma_wait3A_386 = tpu.memref_slice %arg7[%add3A_367, %dma_wait3A_385] : memref<32x80xi32, #tpu.memory_space<vmem>> -> memref<1x80xi32, #tpu.memory_space<vmem>>
        %dma_wait3A_387 = tpu.memref_squeeze %dma_wait3A_386 : memref<1x80xi32, #tpu.memory_space<vmem>> -> memref<80xi32, #tpu.memory_space<vmem>>
        %dma_wait3A_388 = arith.constant 0 : i32
        %dma_wait3A_389 = arith.constant 0 : i32
        %dma_wait3A_390 = tpu.memref_slice %arg11[%dma_wait3A_388, %dma_wait3A_389] : memref<10000x128xf32, #tpu.memory_space<vmem_shared>> -> memref<10000x128xf32, #tpu.memory_space<vmem_shared>>
        tpu.wait_indirect_dma semaphore(%run_scoped3A_378 : memref<!tpu.dma_semaphore, #tpu.memory_space<semaphore_mem>>) src(%arg10 : memref<80x128xf32, #tpu.memory_space<vmem>>) dst(%dma_wait3A_390 : memref<10000x128xf32, #tpu.memory_space<vmem_shared>>)
        tpu.yield
      }) : () -> ()
      %add3A_368 = arith.constant 2 : i32
      %add3A_369 = arith.addi %mul3A_323, %add3A_368 : i32
      %add3A_370 = arith.constant 3 : i32
      %add3A_371 = arith.addi %add3A_369, %add3A_370 : i32
      %dma_start3A_372 = arith.constant 0 : i32
      %dma_start3A_373 = tpu.memref_slice %arg6[%add3A_371, %dma_start3A_372] : memref<32x80xi32, #tpu.memory_space<vmem>> -> memref<1x80xi32, #tpu.memory_space<vmem>>
      %dma_start3A_374 = tpu.memref_squeeze %dma_start3A_373 : memref<1x80xi32, #tpu.memory_space<vmem>> -> memref<80xi32, #tpu.memory_space<vmem>>
      %dma_start3A_375 = arith.constant 0 : i32
      %dma_start3A_376 = arith.constant 0 : i32
      %dma_start3A_377 = tpu.memref_slice %arg3[%dma_start3A_375, %dma_start3A_376] : memref<10000x128xf32, #tpu.memory_space<hbm>> -> memref<10000x128xf32, #tpu.memory_space<hbm>>
      tpu.enqueue_indirect_dma source(%dma_start3A_377 : memref<10000x128xf32, #tpu.memory_space<hbm>>) target(%arg10 : memref<80x128xf32, #tpu.memory_space<vmem>>) offsets(%dma_start3A_374 : memref<80xi32, #tpu.memory_space<vmem>>) semaphore(%arg14 : memref<!tpu.dma_semaphore, #tpu.memory_space<semaphore_mem>>)
    }
    %scan3A_189 = arith.constant 9 : i32
    %dma_wait3A_190 = arith.constant 0 : i32
    %dma_wait3A_191 = arith.constant 0 : i32
    %dma_wait3A_192 = tpu.memref_slice %arg3[%dma_wait3A_190, %dma_wait3A_191] : memref<10000x128xf32, #tpu.memory_space<hbm>> -> memref<80x128xf32, #tpu.memory_space<hbm>>
    %dma_wait3A_193 = arith.constant 0 : i32
    %dma_wait3A_194 = arith.constant 0 : i32
    %dma_wait3A_195 = tpu.memref_slice %arg3[%dma_wait3A_193, %dma_wait3A_194] : memref<10000x128xf32, #tpu.memory_space<hbm>> -> memref<80x128xf32, #tpu.memory_space<hbm>>
    tpu.wait_dma2 semaphore(%arg12 : memref<!tpu.dma_semaphore, #tpu.memory_space<semaphore_mem>>) src(%dma_wait3A_195 : memref<80x128xf32, #tpu.memory_space<hbm>>) dst(%arg8 : memref<80x128xf32, #tpu.memory_space<vmem>>)
    %run_scoped3A_196 = arith.constant 27 : i32
    "tpu.region"() ({
      %run_scoped3A_321 = tpu.sem_alloc : memref<!tpu.dma_semaphore, #tpu.memory_space<semaphore_mem>>
      %dma_start3A_322 = arith.constant 0 : i32
      %dma_start3A_323 = tpu.memref_slice %arg7[%run_scoped3A_196, %dma_start3A_322] : memref<32x80xi32, #tpu.memory_space<vmem>> -> memref<1x80xi32, #tpu.memory_space<vmem>>
      %dma_start3A_324 = tpu.memref_squeeze %dma_start3A_323 : memref<1x80xi32, #tpu.memory_space<vmem>> -> memref<80xi32, #tpu.memory_space<vmem>>
      %dma_start3A_325 = arith.constant 0 : i32
      %dma_start3A_326 = arith.constant 0 : i32
      %dma_start3A_327 = tpu.memref_slice %arg11[%dma_start3A_325, %dma_start3A_326] : memref<10000x128xf32, #tpu.memory_space<vmem_shared>> -> memref<10000x128xf32, #tpu.memory_space<vmem_shared>>
      tpu.enqueue_indirect_dma source(%arg8 : memref<80x128xf32, #tpu.memory_space<vmem>>) target(%dma_start3A_327 : memref<10000x128xf32, #tpu.memory_space<vmem_shared>>) offsets(%dma_start3A_324 : memref<80xi32, #tpu.memory_space<vmem>>) semaphore(%run_scoped3A_321 : memref<!tpu.dma_semaphore, #tpu.memory_space<semaphore_mem>>) {add = true}
      %dma_wait3A_328 = arith.constant 0 : i32
      %dma_wait3A_329 = tpu.memref_slice %arg7[%run_scoped3A_196, %dma_wait3A_328] : memref<32x80xi32, #tpu.memory_space<vmem>> -> memref<1x80xi32, #tpu.memory_space<vmem>>
      %dma_wait3A_330 = tpu.memref_squeeze %dma_wait3A_329 : memref<1x80xi32, #tpu.memory_space<vmem>> -> memref<80xi32, #tpu.memory_space<vmem>>
      %dma_wait3A_331 = arith.constant 0 : i32
      %dma_wait3A_332 = arith.constant 0 : i32
      %dma_wait3A_333 = tpu.memref_slice %arg11[%dma_wait3A_331, %dma_wait3A_332] : memref<10000x128xf32, #tpu.memory_space<vmem_shared>> -> memref<10000x128xf32, #tpu.memory_space<vmem_shared>>
      tpu.wait_indirect_dma semaphore(%run_scoped3A_321 : memref<!tpu.dma_semaphore, #tpu.memory_space<semaphore_mem>>) src(%arg8 : memref<80x128xf32, #tpu.memory_space<vmem>>) dst(%dma_wait3A_333 : memref<10000x128xf32, #tpu.memory_space<vmem_shared>>)
      tpu.yield
    }) : () -> ()
    %dma_start3A_197 = arith.constant 30 : i32
    %dma_start3A_198 = arith.constant 0 : i32
    %dma_start3A_199 = tpu.memref_slice %arg6[%dma_start3A_197, %dma_start3A_198] : memref<32x80xi32, #tpu.memory_space<vmem>> -> memref<1x80xi32, #tpu.memory_space<vmem>>
    %dma_start3A_200 = tpu.memref_squeeze %dma_start3A_199 : memref<1x80xi32, #tpu.memory_space<vmem>> -> memref<80xi32, #tpu.memory_space<vmem>>
    %dma_start3A_201 = arith.constant 0 : i32
    %dma_start3A_202 = arith.constant 0 : i32
    %dma_start3A_203 = tpu.memref_slice %arg3[%dma_start3A_201, %dma_start3A_202] : memref<10000x128xf32, #tpu.memory_space<hbm>> -> memref<10000x128xf32, #tpu.memory_space<hbm>>
    tpu.enqueue_indirect_dma source(%dma_start3A_203 : memref<10000x128xf32, #tpu.memory_space<hbm>>) target(%arg8 : memref<80x128xf32, #tpu.memory_space<vmem>>) offsets(%dma_start3A_200 : memref<80xi32, #tpu.memory_space<vmem>>) semaphore(%arg12 : memref<!tpu.dma_semaphore, #tpu.memory_space<semaphore_mem>>)
    %dma_wait3A_204 = arith.constant 0 : i32
    %dma_wait3A_205 = arith.constant 0 : i32
    %dma_wait3A_206 = tpu.memref_slice %arg3[%dma_wait3A_204, %dma_wait3A_205] : memref<10000x128xf32, #tpu.memory_space<hbm>> -> memref<80x128xf32, #tpu.memory_space<hbm>>
    %dma_wait3A_207 = arith.constant 0 : i32
    %dma_wait3A_208 = arith.constant 0 : i32
    %dma_wait3A_209 = tpu.memref_slice %arg3[%dma_wait3A_207, %dma_wait3A_208] : memref<10000x128xf32, #tpu.memory_space<hbm>> -> memref<80x128xf32, #tpu.memory_space<hbm>>
    tpu.wait_dma2 semaphore(%arg13 : memref<!tpu.dma_semaphore, #tpu.memory_space<semaphore_mem>>) src(%dma_wait3A_209 : memref<80x128xf32, #tpu.memory_space<hbm>>) dst(%arg9 : memref<80x128xf32, #tpu.memory_space<vmem>>)
    %run_scoped3A_210 = arith.constant 28 : i32
    "tpu.region"() ({
      %run_scoped3A_321 = tpu.sem_alloc : memref<!tpu.dma_semaphore, #tpu.memory_space<semaphore_mem>>
      %dma_start3A_322 = arith.constant 0 : i32
      %dma_start3A_323 = tpu.memref_slice %arg7[%run_scoped3A_210, %dma_start3A_322] : memref<32x80xi32, #tpu.memory_space<vmem>> -> memref<1x80xi32, #tpu.memory_space<vmem>>
      %dma_start3A_324 = tpu.memref_squeeze %dma_start3A_323 : memref<1x80xi32, #tpu.memory_space<vmem>> -> memref<80xi32, #tpu.memory_space<vmem>>
      %dma_start3A_325 = arith.constant 0 : i32
      %dma_start3A_326 = arith.constant 0 : i32
      %dma_start3A_327 = tpu.memref_slice %arg11[%dma_start3A_325, %dma_start3A_326] : memref<10000x128xf32, #tpu.memory_space<vmem_shared>> -> memref<10000x128xf32, #tpu.memory_space<vmem_shared>>
      tpu.enqueue_indirect_dma source(%arg9 : memref<80x128xf32, #tpu.memory_space<vmem>>) target(%dma_start3A_327 : memref<10000x128xf32, #tpu.memory_space<vmem_shared>>) offsets(%dma_start3A_324 : memref<80xi32, #tpu.memory_space<vmem>>) semaphore(%run_scoped3A_321 : memref<!tpu.dma_semaphore, #tpu.memory_space<semaphore_mem>>) {add = true}
      %dma_wait3A_328 = arith.constant 0 : i32
      %dma_wait3A_329 = tpu.memref_slice %arg7[%run_scoped3A_210, %dma_wait3A_328] : memref<32x80xi32, #tpu.memory_space<vmem>> -> memref<1x80xi32, #tpu.memory_space<vmem>>
      %dma_wait3A_330 = tpu.memref_squeeze %dma_wait3A_329 : memref<1x80xi32, #tpu.memory_space<vmem>> -> memref<80xi32, #tpu.memory_space<vmem>>
      %dma_wait3A_331 = arith.constant 0 : i32
      %dma_wait3A_332 = arith.constant 0 : i32
      %dma_wait3A_333 = tpu.memref_slice %arg11[%dma_wait3A_331, %dma_wait3A_332] : memref<10000x128xf32, #tpu.memory_space<vmem_shared>> -> memref<10000x128xf32, #tpu.memory_space<vmem_shared>>
      tpu.wait_indirect_dma semaphore(%run_scoped3A_321 : memref<!tpu.dma_semaphore, #tpu.memory_space<semaphore_mem>>) src(%arg9 : memref<80x128xf32, #tpu.memory_space<vmem>>) dst(%dma_wait3A_333 : memref<10000x128xf32, #tpu.memory_space<vmem_shared>>)
      tpu.yield
    }) : () -> ()
    %dma_start3A_211 = arith.constant 31 : i32
    %dma_start3A_212 = arith.constant 0 : i32
    %dma_start3A_213 = tpu.memref_slice %arg6[%dma_start3A_211, %dma_start3A_212] : memref<32x80xi32, #tpu.memory_space<vmem>> -> memref<1x80xi32, #tpu.memory_space<vmem>>
    %dma_start3A_214 = tpu.memref_squeeze %dma_start3A_213 : memref<1x80xi32, #tpu.memory_space<vmem>> -> memref<80xi32, #tpu.memory_space<vmem>>
    %dma_start3A_215 = arith.constant 0 : i32
    %dma_start3A_216 = arith.constant 0 : i32
    %dma_start3A_217 = tpu.memref_slice %arg3[%dma_start3A_215, %dma_start3A_216] : memref<10000x128xf32, #tpu.memory_space<hbm>> -> memref<10000x128xf32, #tpu.memory_space<hbm>>
    tpu.enqueue_indirect_dma source(%dma_start3A_217 : memref<10000x128xf32, #tpu.memory_space<hbm>>) target(%arg9 : memref<80x128xf32, #tpu.memory_space<vmem>>) offsets(%dma_start3A_214 : memref<80xi32, #tpu.memory_space<vmem>>) semaphore(%arg13 : memref<!tpu.dma_semaphore, #tpu.memory_space<semaphore_mem>>)
    %dma_wait3A_218 = arith.constant 0 : i32
    %dma_wait3A_219 = arith.constant 0 : i32
    %dma_wait3A_220 = tpu.memref_slice %arg3[%dma_wait3A_218, %dma_wait3A_219] : memref<10000x128xf32, #tpu.memory_space<hbm>> -> memref<80x128xf32, #tpu.memory_space<hbm>>
    %dma_wait3A_221 = arith.constant 0 : i32
    %dma_wait3A_222 = arith.constant 0 : i32
    %dma_wait3A_223 = tpu.memref_slice %arg3[%dma_wait3A_221, %dma_wait3A_222] : memref<10000x128xf32, #tpu.memory_space<hbm>> -> memref<80x128xf32, #tpu.memory_space<hbm>>
    tpu.wait_dma2 semaphore(%arg14 : memref<!tpu.dma_semaphore, #tpu.memory_space<semaphore_mem>>) src(%dma_wait3A_223 : memref<80x128xf32, #tpu.memory_space<hbm>>) dst(%arg10 : memref<80x128xf32, #tpu.memory_space<vmem>>)
    %run_scoped3A_224 = arith.constant 29 : i32
    "tpu.region"() ({
      %run_scoped3A_321 = tpu.sem_alloc : memref<!tpu.dma_semaphore, #tpu.memory_space<semaphore_mem>>
      %dma_start3A_322 = arith.constant 0 : i32
      %dma_start3A_323 = tpu.memref_slice %arg7[%run_scoped3A_224, %dma_start3A_322] : memref<32x80xi32, #tpu.memory_space<vmem>> -> memref<1x80xi32, #tpu.memory_space<vmem>>
      %dma_start3A_324 = tpu.memref_squeeze %dma_start3A_323 : memref<1x80xi32, #tpu.memory_space<vmem>> -> memref<80xi32, #tpu.memory_space<vmem>>
      %dma_start3A_325 = arith.constant 0 : i32
      %dma_start3A_326 = arith.constant 0 : i32
      %dma_start3A_327 = tpu.memref_slice %arg11[%dma_start3A_325, %dma_start3A_326] : memref<10000x128xf32, #tpu.memory_space<vmem_shared>> -> memref<10000x128xf32, #tpu.memory_space<vmem_shared>>
      tpu.enqueue_indirect_dma source(%arg10 : memref<80x128xf32, #tpu.memory_space<vmem>>) target(%dma_start3A_327 : memref<10000x128xf32, #tpu.memory_space<vmem_shared>>) offsets(%dma_start3A_324 : memref<80xi32, #tpu.memory_space<vmem>>) semaphore(%run_scoped3A_321 : memref<!tpu.dma_semaphore, #tpu.memory_space<semaphore_mem>>) {add = true}
      %dma_wait3A_328 = arith.constant 0 : i32
      %dma_wait3A_329 = tpu.memref_slice %arg7[%run_scoped3A_224, %dma_wait3A_328] : memref<32x80xi32, #tpu.memory_space<vmem>> -> memref<1x80xi32, #tpu.memory_space<vmem>>
      %dma_wait3A_330 = tpu.memref_squeeze %dma_wait3A_329 : memref<1x80xi32, #tpu.memory_space<vmem>> -> memref<80xi32, #tpu.memory_space<vmem>>
      %dma_wait3A_331 = arith.constant 0 : i32
      %dma_wait3A_332 = arith.constant 0 : i32
      %dma_wait3A_333 = tpu.memref_slice %arg11[%dma_wait3A_331, %dma_wait3A_332] : memref<10000x128xf32, #tpu.memory_space<vmem_shared>> -> memref<10000x128xf32, #tpu.memory_space<vmem_shared>>
      tpu.wait_indirect_dma semaphore(%run_scoped3A_321 : memref<!tpu.dma_semaphore, #tpu.memory_space<semaphore_mem>>) src(%arg10 : memref<80x128xf32, #tpu.memory_space<vmem>>) dst(%dma_wait3A_333 : memref<10000x128xf32, #tpu.memory_space<vmem_shared>>)
      tpu.yield
    }) : () -> ()
    %dma_wait3A_225 = arith.constant 0 : i32
    %dma_wait3A_226 = arith.constant 0 : i32
    %dma_wait3A_227 = tpu.memref_slice %arg3[%dma_wait3A_225, %dma_wait3A_226] : memref<10000x128xf32, #tpu.memory_space<hbm>> -> memref<80x128xf32, #tpu.memory_space<hbm>>
    %dma_wait3A_228 = arith.constant 0 : i32
    %dma_wait3A_229 = arith.constant 0 : i32
    %dma_wait3A_230 = tpu.memref_slice %arg3[%dma_wait3A_228, %dma_wait3A_229] : memref<10000x128xf32, #tpu.memory_space<hbm>> -> memref<80x128xf32, #tpu.memory_space<hbm>>
    tpu.wait_dma2 semaphore(%arg12 : memref<!tpu.dma_semaphore, #tpu.memory_space<semaphore_mem>>) src(%dma_wait3A_230 : memref<80x128xf32, #tpu.memory_space<hbm>>) dst(%arg8 : memref<80x128xf32, #tpu.memory_space<vmem>>)
    %run_scoped3A_231 = arith.constant 30 : i32
    "tpu.region"() ({
      %run_scoped3A_321 = tpu.sem_alloc : memref<!tpu.dma_semaphore, #tpu.memory_space<semaphore_mem>>
      %dma_start3A_322 = arith.constant 0 : i32
      %dma_start3A_323 = tpu.memref_slice %arg7[%run_scoped3A_231, %dma_start3A_322] : memref<32x80xi32, #tpu.memory_space<vmem>> -> memref<1x80xi32, #tpu.memory_space<vmem>>
      %dma_start3A_324 = tpu.memref_squeeze %dma_start3A_323 : memref<1x80xi32, #tpu.memory_space<vmem>> -> memref<80xi32, #tpu.memory_space<vmem>>
      %dma_start3A_325 = arith.constant 0 : i32
      %dma_start3A_326 = arith.constant 0 : i32
      %dma_start3A_327 = tpu.memref_slice %arg11[%dma_start3A_325, %dma_start3A_326] : memref<10000x128xf32, #tpu.memory_space<vmem_shared>> -> memref<10000x128xf32, #tpu.memory_space<vmem_shared>>
      tpu.enqueue_indirect_dma source(%arg8 : memref<80x128xf32, #tpu.memory_space<vmem>>) target(%dma_start3A_327 : memref<10000x128xf32, #tpu.memory_space<vmem_shared>>) offsets(%dma_start3A_324 : memref<80xi32, #tpu.memory_space<vmem>>) semaphore(%run_scoped3A_321 : memref<!tpu.dma_semaphore, #tpu.memory_space<semaphore_mem>>) {add = true}
      %dma_wait3A_328 = arith.constant 0 : i32
      %dma_wait3A_329 = tpu.memref_slice %arg7[%run_scoped3A_231, %dma_wait3A_328] : memref<32x80xi32, #tpu.memory_space<vmem>> -> memref<1x80xi32, #tpu.memory_space<vmem>>
      %dma_wait3A_330 = tpu.memref_squeeze %dma_wait3A_329 : memref<1x80xi32, #tpu.memory_space<vmem>> -> memref<80xi32, #tpu.memory_space<vmem>>
      %dma_wait3A_331 = arith.constant 0 : i32
      %dma_wait3A_332 = arith.constant 0 : i32
      %dma_wait3A_333 = tpu.memref_slice %arg11[%dma_wait3A_331, %dma_wait3A_332] : memref<10000x128xf32, #tpu.memory_space<vmem_shared>> -> memref<10000x128xf32, #tpu.memory_space<vmem_shared>>
      tpu.wait_indirect_dma semaphore(%run_scoped3A_321 : memref<!tpu.dma_semaphore, #tpu.memory_space<semaphore_mem>>) src(%arg8 : memref<80x128xf32, #tpu.memory_space<vmem>>) dst(%dma_wait3A_333 : memref<10000x128xf32, #tpu.memory_space<vmem_shared>>)
      tpu.yield
    }) : () -> ()
    %dma_wait3A_232 = arith.constant 0 : i32
    %dma_wait3A_233 = arith.constant 0 : i32
    %dma_wait3A_234 = tpu.memref_slice %arg3[%dma_wait3A_232, %dma_wait3A_233] : memref<10000x128xf32, #tpu.memory_space<hbm>> -> memref<80x128xf32, #tpu.memory_space<hbm>>
    %dma_wait3A_235 = arith.constant 0 : i32
    %dma_wait3A_236 = arith.constant 0 : i32
    %dma_wait3A_237 = tpu.memref_slice %arg3[%dma_wait3A_235, %dma_wait3A_236] : memref<10000x128xf32, #tpu.memory_space<hbm>> -> memref<80x128xf32, #tpu.memory_space<hbm>>
    tpu.wait_dma2 semaphore(%arg13 : memref<!tpu.dma_semaphore, #tpu.memory_space<semaphore_mem>>) src(%dma_wait3A_237 : memref<80x128xf32, #tpu.memory_space<hbm>>) dst(%arg9 : memref<80x128xf32, #tpu.memory_space<vmem>>)
    %run_scoped3A_238 = arith.constant 31 : i32
    "tpu.region"() ({
      %run_scoped3A_321 = tpu.sem_alloc : memref<!tpu.dma_semaphore, #tpu.memory_space<semaphore_mem>>
      %dma_start3A_322 = arith.constant 0 : i32
      %dma_start3A_323 = tpu.memref_slice %arg7[%run_scoped3A_238, %dma_start3A_322] : memref<32x80xi32, #tpu.memory_space<vmem>> -> memref<1x80xi32, #tpu.memory_space<vmem>>
      %dma_start3A_324 = tpu.memref_squeeze %dma_start3A_323 : memref<1x80xi32, #tpu.memory_space<vmem>> -> memref<80xi32, #tpu.memory_space<vmem>>
      %dma_start3A_325 = arith.constant 0 : i32
      %dma_start3A_326 = arith.constant 0 : i32
      %dma_start3A_327 = tpu.memref_slice %arg11[%dma_start3A_325, %dma_start3A_326] : memref<10000x128xf32, #tpu.memory_space<vmem_shared>> -> memref<10000x128xf32, #tpu.memory_space<vmem_shared>>
      tpu.enqueue_indirect_dma source(%arg9 : memref<80x128xf32, #tpu.memory_space<vmem>>) target(%dma_start3A_327 : memref<10000x128xf32, #tpu.memory_space<vmem_shared>>) offsets(%dma_start3A_324 : memref<80xi32, #tpu.memory_space<vmem>>) semaphore(%run_scoped3A_321 : memref<!tpu.dma_semaphore, #tpu.memory_space<semaphore_mem>>) {add = true}
      %dma_wait3A_328 = arith.constant 0 : i32
      %dma_wait3A_329 = tpu.memref_slice %arg7[%run_scoped3A_238, %dma_wait3A_328] : memref<32x80xi32, #tpu.memory_space<vmem>> -> memref<1x80xi32, #tpu.memory_space<vmem>>
      %dma_wait3A_330 = tpu.memref_squeeze %dma_wait3A_329 : memref<1x80xi32, #tpu.memory_space<vmem>> -> memref<80xi32, #tpu.memory_space<vmem>>
      %dma_wait3A_331 = arith.constant 0 : i32
      %dma_wait3A_332 = arith.constant 0 : i32
      %dma_wait3A_333 = tpu.memref_slice %arg11[%dma_wait3A_331, %dma_wait3A_332] : memref<10000x128xf32, #tpu.memory_space<vmem_shared>> -> memref<10000x128xf32, #tpu.memory_space<vmem_shared>>
      tpu.wait_indirect_dma semaphore(%run_scoped3A_321 : memref<!tpu.dma_semaphore, #tpu.memory_space<semaphore_mem>>) src(%arg9 : memref<80x128xf32, #tpu.memory_space<vmem>>) dst(%dma_wait3A_333 : memref<10000x128xf32, #tpu.memory_space<vmem_shared>>)
      tpu.yield
    }) : () -> ()
    "tpu.region"() ({
      %run_scoped3A_321 = tpu.sem_alloc : memref<!tpu.dma_semaphore, #tpu.memory_space<semaphore_mem>>
      %dma_start3A_322 = arith.constant 0 : i32
      %dma_start3A_323 = arith.constant 0 : i32
      %dma_start3A_324 = tpu.memref_slice %arg6[%dma_start3A_322, %dma_start3A_323] : memref<32x80xi32, #tpu.memory_space<vmem>> -> memref<29x80xi32, #tpu.memory_space<vmem>>
      %dma_start3A_325 = arith.constant 96 : i32
      %dma_start3A_326 = arith.constant 0 : i32
      %dma_start3A_327 = tpu.memref_slice %arg2[%add3A, %dma_start3A_325, %dma_start3A_326] : memref<64x125x80xi32, #tpu.memory_space<hbm>> -> memref<1x29x80xi32, #tpu.memory_space<hbm>>
      %dma_start3A_328 = tpu.memref_squeeze %dma_start3A_327 : memref<1x29x80xi32, #tpu.memory_space<hbm>> -> memref<29x80xi32, #tpu.memory_space<hbm>>
      %dma_start3A_329 = arith.constant 0 : i32
      %dma_start3A_330 = arith.constant 0 : i32
      %dma_start3A_331 = tpu.memref_slice %arg6[%dma_start3A_329, %dma_start3A_330] : memref<32x80xi32, #tpu.memory_space<vmem>> -> memref<29x80xi32, #tpu.memory_space<vmem>>
      %dma_start3A_332 = arith.constant 96 : i32
      %dma_start3A_333 = arith.constant 0 : i32
      %dma_start3A_334 = tpu.memref_slice %arg2[%add3A, %dma_start3A_332, %dma_start3A_333] : memref<64x125x80xi32, #tpu.memory_space<hbm>> -> memref<1x29x80xi32, #tpu.memory_space<hbm>>
      %dma_start3A_335 = tpu.memref_squeeze %dma_start3A_334 : memref<1x29x80xi32, #tpu.memory_space<hbm>> -> memref<29x80xi32, #tpu.memory_space<hbm>>
      tpu.enqueue_dma source(%dma_start3A_335 : memref<29x80xi32, #tpu.memory_space<hbm>>) target(%dma_start3A_331 : memref<29x80xi32, #tpu.memory_space<vmem>>) target_semaphore(%run_scoped3A_321 : memref<!tpu.dma_semaphore, #tpu.memory_space<semaphore_mem>>)
      %dma_wait3A_336 = arith.constant 0 : i32
      %dma_wait3A_337 = arith.constant 0 : i32
      %dma_wait3A_338 = tpu.memref_slice %arg6[%dma_wait3A_336, %dma_wait3A_337] : memref<32x80xi32, #tpu.memory_space<vmem>> -> memref<29x80xi32, #tpu.memory_space<vmem>>
      %dma_wait3A_339 = arith.constant 96 : i32
      %dma_wait3A_340 = arith.constant 0 : i32
      %dma_wait3A_341 = tpu.memref_slice %arg2[%add3A, %dma_wait3A_339, %dma_wait3A_340] : memref<64x125x80xi32, #tpu.memory_space<hbm>> -> memref<1x29x80xi32, #tpu.memory_space<hbm>>
      %dma_wait3A_342 = tpu.memref_squeeze %dma_wait3A_341 : memref<1x29x80xi32, #tpu.memory_space<hbm>> -> memref<29x80xi32, #tpu.memory_space<hbm>>
      %dma_wait3A_343 = arith.constant 0 : i32
      %dma_wait3A_344 = arith.constant 0 : i32
      %dma_wait3A_345 = tpu.memref_slice %arg6[%dma_wait3A_343, %dma_wait3A_344] : memref<32x80xi32, #tpu.memory_space<vmem>> -> memref<29x80xi32, #tpu.memory_space<vmem>>
      %dma_wait3A_346 = arith.constant 96 : i32
      %dma_wait3A_347 = arith.constant 0 : i32
      %dma_wait3A_348 = tpu.memref_slice %arg2[%add3A, %dma_wait3A_346, %dma_wait3A_347] : memref<64x125x80xi32, #tpu.memory_space<hbm>> -> memref<1x29x80xi32, #tpu.memory_space<hbm>>
      %dma_wait3A_349 = tpu.memref_squeeze %dma_wait3A_348 : memref<1x29x80xi32, #tpu.memory_space<hbm>> -> memref<29x80xi32, #tpu.memory_space<hbm>>
      tpu.wait_dma2 semaphore(%run_scoped3A_321 : memref<!tpu.dma_semaphore, #tpu.memory_space<semaphore_mem>>) src(%dma_wait3A_349 : memref<29x80xi32, #tpu.memory_space<hbm>>) dst(%dma_wait3A_345 : memref<29x80xi32, #tpu.memory_space<vmem>>)
      tpu.yield
    }) : () -> ()
    %add3A_239 = arith.constant 32 : i32
    %add3A_240 = arith.addi %add3A_239, %add3A : i32
    "tpu.region"() ({
      %run_scoped3A_321 = tpu.sem_alloc : memref<!tpu.dma_semaphore, #tpu.memory_space<semaphore_mem>>
      %dma_start3A_322 = arith.constant 0 : i32
      %dma_start3A_323 = arith.constant 0 : i32
      %dma_start3A_324 = tpu.memref_slice %arg7[%dma_start3A_322, %dma_start3A_323] : memref<32x80xi32, #tpu.memory_space<vmem>> -> memref<29x80xi32, #tpu.memory_space<vmem>>
      %dma_start3A_325 = arith.constant 96 : i32
      %dma_start3A_326 = arith.constant 0 : i32
      %dma_start3A_327 = tpu.memref_slice %arg2[%add3A_240, %dma_start3A_325, %dma_start3A_326] : memref<64x125x80xi32, #tpu.memory_space<hbm>> -> memref<1x29x80xi32, #tpu.memory_space<hbm>>
      %dma_start3A_328 = tpu.memref_squeeze %dma_start3A_327 : memref<1x29x80xi32, #tpu.memory_space<hbm>> -> memref<29x80xi32, #tpu.memory_space<hbm>>
      %dma_start3A_329 = arith.constant 0 : i32
      %dma_start3A_330 = arith.constant 0 : i32
      %dma_start3A_331 = tpu.memref_slice %arg7[%dma_start3A_329, %dma_start3A_330] : memref<32x80xi32, #tpu.memory_space<vmem>> -> memref<29x80xi32, #tpu.memory_space<vmem>>
      %dma_start3A_332 = arith.constant 96 : i32
      %dma_start3A_333 = arith.constant 0 : i32
      %dma_start3A_334 = tpu.memref_slice %arg2[%add3A_240, %dma_start3A_332, %dma_start3A_333] : memref<64x125x80xi32, #tpu.memory_space<hbm>> -> memref<1x29x80xi32, #tpu.memory_space<hbm>>
      %dma_start3A_335 = tpu.memref_squeeze %dma_start3A_334 : memref<1x29x80xi32, #tpu.memory_space<hbm>> -> memref<29x80xi32, #tpu.memory_space<hbm>>
      tpu.enqueue_dma source(%dma_start3A_335 : memref<29x80xi32, #tpu.memory_space<hbm>>) target(%dma_start3A_331 : memref<29x80xi32, #tpu.memory_space<vmem>>) target_semaphore(%run_scoped3A_321 : memref<!tpu.dma_semaphore, #tpu.memory_space<semaphore_mem>>)
      %dma_wait3A_336 = arith.constant 0 : i32
      %dma_wait3A_337 = arith.constant 0 : i32
      %dma_wait3A_338 = tpu.memref_slice %arg7[%dma_wait3A_336, %dma_wait3A_337] : memref<32x80xi32, #tpu.memory_space<vmem>> -> memref<29x80xi32, #tpu.memory_space<vmem>>
      %dma_wait3A_339 = arith.constant 96 : i32
      %dma_wait3A_340 = arith.constant 0 : i32
      %dma_wait3A_341 = tpu.memref_slice %arg2[%add3A_240, %dma_wait3A_339, %dma_wait3A_340] : memref<64x125x80xi32, #tpu.memory_space<hbm>> -> memref<1x29x80xi32, #tpu.memory_space<hbm>>
      %dma_wait3A_342 = tpu.memref_squeeze %dma_wait3A_341 : memref<1x29x80xi32, #tpu.memory_space<hbm>> -> memref<29x80xi32, #tpu.memory_space<hbm>>
      %dma_wait3A_343 = arith.constant 0 : i32
      %dma_wait3A_344 = arith.constant 0 : i32
      %dma_wait3A_345 = tpu.memref_slice %arg7[%dma_wait3A_343, %dma_wait3A_344] : memref<32x80xi32, #tpu.memory_space<vmem>> -> memref<29x80xi32, #tpu.memory_space<vmem>>
      %dma_wait3A_346 = arith.constant 96 : i32
      %dma_wait3A_347 = arith.constant 0 : i32
      %dma_wait3A_348 = tpu.memref_slice %arg2[%add3A_240, %dma_wait3A_346, %dma_wait3A_347] : memref<64x125x80xi32, #tpu.memory_space<hbm>> -> memref<1x29x80xi32, #tpu.memory_space<hbm>>
      %dma_wait3A_349 = tpu.memref_squeeze %dma_wait3A_348 : memref<1x29x80xi32, #tpu.memory_space<hbm>> -> memref<29x80xi32, #tpu.memory_space<hbm>>
      tpu.wait_dma2 semaphore(%run_scoped3A_321 : memref<!tpu.dma_semaphore, #tpu.memory_space<semaphore_mem>>) src(%dma_wait3A_349 : memref<29x80xi32, #tpu.memory_space<hbm>>) dst(%dma_wait3A_345 : memref<29x80xi32, #tpu.memory_space<vmem>>)
      tpu.yield
    }) : () -> ()
    %dma_start3A_241 = arith.constant 0 : i32
    %dma_start3A_242 = arith.constant 0 : i32
    %dma_start3A_243 = tpu.memref_slice %arg6[%dma_start3A_241, %dma_start3A_242] : memref<32x80xi32, #tpu.memory_space<vmem>> -> memref<1x80xi32, #tpu.memory_space<vmem>>
    %dma_start3A_244 = tpu.memref_squeeze %dma_start3A_243 : memref<1x80xi32, #tpu.memory_space<vmem>> -> memref<80xi32, #tpu.memory_space<vmem>>
    %dma_start3A_245 = arith.constant 0 : i32
    %dma_start3A_246 = arith.constant 0 : i32
    %dma_start3A_247 = tpu.memref_slice %arg3[%dma_start3A_245, %dma_start3A_246] : memref<10000x128xf32, #tpu.memory_space<hbm>> -> memref<10000x128xf32, #tpu.memory_space<hbm>>
    tpu.enqueue_indirect_dma source(%dma_start3A_247 : memref<10000x128xf32, #tpu.memory_space<hbm>>) target(%arg8 : memref<80x128xf32, #tpu.memory_space<vmem>>) offsets(%dma_start3A_244 : memref<80xi32, #tpu.memory_space<vmem>>) semaphore(%arg12 : memref<!tpu.dma_semaphore, #tpu.memory_space<semaphore_mem>>)
    %dma_start3A_248 = arith.constant 1 : i32
    %dma_start3A_249 = arith.constant 0 : i32
    %dma_start3A_250 = tpu.memref_slice %arg6[%dma_start3A_248, %dma_start3A_249] : memref<32x80xi32, #tpu.memory_space<vmem>> -> memref<1x80xi32, #tpu.memory_space<vmem>>
    %dma_start3A_251 = tpu.memref_squeeze %dma_start3A_250 : memref<1x80xi32, #tpu.memory_space<vmem>> -> memref<80xi32, #tpu.memory_space<vmem>>
    %dma_start3A_252 = arith.constant 0 : i32
    %dma_start3A_253 = arith.constant 0 : i32
    %dma_start3A_254 = tpu.memref_slice %arg3[%dma_start3A_252, %dma_start3A_253] : memref<10000x128xf32, #tpu.memory_space<hbm>> -> memref<10000x128xf32, #tpu.memory_space<hbm>>
    tpu.enqueue_indirect_dma source(%dma_start3A_254 : memref<10000x128xf32, #tpu.memory_space<hbm>>) target(%arg9 : memref<80x128xf32, #tpu.memory_space<vmem>>) offsets(%dma_start3A_251 : memref<80xi32, #tpu.memory_space<vmem>>) semaphore(%arg13 : memref<!tpu.dma_semaphore, #tpu.memory_space<semaphore_mem>>)
    %dma_start3A_255 = arith.constant 2 : i32
    %dma_start3A_256 = arith.constant 0 : i32
    %dma_start3A_257 = tpu.memref_slice %arg6[%dma_start3A_255, %dma_start3A_256] : memref<32x80xi32, #tpu.memory_space<vmem>> -> memref<1x80xi32, #tpu.memory_space<vmem>>
    %dma_start3A_258 = tpu.memref_squeeze %dma_start3A_257 : memref<1x80xi32, #tpu.memory_space<vmem>> -> memref<80xi32, #tpu.memory_space<vmem>>
    %dma_start3A_259 = arith.constant 0 : i32
    %dma_start3A_260 = arith.constant 0 : i32
    %dma_start3A_261 = tpu.memref_slice %arg3[%dma_start3A_259, %dma_start3A_260] : memref<10000x128xf32, #tpu.memory_space<hbm>> -> memref<10000x128xf32, #tpu.memory_space<hbm>>
    tpu.enqueue_indirect_dma source(%dma_start3A_261 : memref<10000x128xf32, #tpu.memory_space<hbm>>) target(%arg10 : memref<80x128xf32, #tpu.memory_space<vmem>>) offsets(%dma_start3A_258 : memref<80xi32, #tpu.memory_space<vmem>>) semaphore(%arg14 : memref<!tpu.dma_semaphore, #tpu.memory_space<semaphore_mem>>)
    %scan3A_262 = arith.constant 0 : i32
    %scan3A_263 = arith.constant 0 : i32
    %scan3A_264 = arith.constant 8 : i32
    %scan3A_265 = arith.addi %scan3A_263, %scan3A_264 : i32
    %scan3A_266 = arith.constant 1 : i32
    scf.for %scan3A_321 = %scan3A_263 to %scan3A_265 step %scan3A_266  : i32 {
      %mul3A_322 = arith.constant 3 : i32
      %mul3A_323 = arith.muli %mul3A_322, %scan3A_321 : i32
      %dma_wait3A_324 = arith.constant 0 : i32
      %dma_wait3A_325 = arith.constant 0 : i32
      %dma_wait3A_326 = tpu.memref_slice %arg3[%dma_wait3A_324, %dma_wait3A_325] : memref<10000x128xf32, #tpu.memory_space<hbm>> -> memref<80x128xf32, #tpu.memory_space<hbm>>
      %dma_wait3A_327 = arith.constant 0 : i32
      %dma_wait3A_328 = arith.constant 0 : i32
      %dma_wait3A_329 = tpu.memref_slice %arg3[%dma_wait3A_327, %dma_wait3A_328] : memref<10000x128xf32, #tpu.memory_space<hbm>> -> memref<80x128xf32, #tpu.memory_space<hbm>>
      tpu.wait_dma2 semaphore(%arg12 : memref<!tpu.dma_semaphore, #tpu.memory_space<semaphore_mem>>) src(%dma_wait3A_329 : memref<80x128xf32, #tpu.memory_space<hbm>>) dst(%arg8 : memref<80x128xf32, #tpu.memory_space<vmem>>)
      %add3A_330 = arith.constant 0 : i32
      %add3A_331 = arith.addi %mul3A_323, %add3A_330 : i32
      "tpu.region"() ({
        %run_scoped3A_378 = tpu.sem_alloc : memref<!tpu.dma_semaphore, #tpu.memory_space<semaphore_mem>>
        %dma_start3A_379 = arith.constant 0 : i32
        %dma_start3A_380 = tpu.memref_slice %arg7[%add3A_331, %dma_start3A_379] : memref<32x80xi32, #tpu.memory_space<vmem>> -> memref<1x80xi32, #tpu.memory_space<vmem>>
        %dma_start3A_381 = tpu.memref_squeeze %dma_start3A_380 : memref<1x80xi32, #tpu.memory_space<vmem>> -> memref<80xi32, #tpu.memory_space<vmem>>
        %dma_start3A_382 = arith.constant 0 : i32
        %dma_start3A_383 = arith.constant 0 : i32
        %dma_start3A_384 = tpu.memref_slice %arg11[%dma_start3A_382, %dma_start3A_383] : memref<10000x128xf32, #tpu.memory_space<vmem_shared>> -> memref<10000x128xf32, #tpu.memory_space<vmem_shared>>
        tpu.enqueue_indirect_dma source(%arg8 : memref<80x128xf32, #tpu.memory_space<vmem>>) target(%dma_start3A_384 : memref<10000x128xf32, #tpu.memory_space<vmem_shared>>) offsets(%dma_start3A_381 : memref<80xi32, #tpu.memory_space<vmem>>) semaphore(%run_scoped3A_378 : memref<!tpu.dma_semaphore, #tpu.memory_space<semaphore_mem>>) {add = true}
        %dma_wait3A_385 = arith.constant 0 : i32
        %dma_wait3A_386 = tpu.memref_slice %arg7[%add3A_331, %dma_wait3A_385] : memref<32x80xi32, #tpu.memory_space<vmem>> -> memref<1x80xi32, #tpu.memory_space<vmem>>
        %dma_wait3A_387 = tpu.memref_squeeze %dma_wait3A_386 : memref<1x80xi32, #tpu.memory_space<vmem>> -> memref<80xi32, #tpu.memory_space<vmem>>
        %dma_wait3A_388 = arith.constant 0 : i32
        %dma_wait3A_389 = arith.constant 0 : i32
        %dma_wait3A_390 = tpu.memref_slice %arg11[%dma_wait3A_388, %dma_wait3A_389] : memref<10000x128xf32, #tpu.memory_space<vmem_shared>> -> memref<10000x128xf32, #tpu.memory_space<vmem_shared>>
        tpu.wait_indirect_dma semaphore(%run_scoped3A_378 : memref<!tpu.dma_semaphore, #tpu.memory_space<semaphore_mem>>) src(%arg8 : memref<80x128xf32, #tpu.memory_space<vmem>>) dst(%dma_wait3A_390 : memref<10000x128xf32, #tpu.memory_space<vmem_shared>>)
        tpu.yield
      }) : () -> ()
      %add3A_332 = arith.constant 0 : i32
      %add3A_333 = arith.addi %mul3A_323, %add3A_332 : i32
      %add3A_334 = arith.constant 3 : i32
      %add3A_335 = arith.addi %add3A_333, %add3A_334 : i32
      %dma_start3A_336 = arith.constant 0 : i32
      %dma_start3A_337 = tpu.memref_slice %arg6[%add3A_335, %dma_start3A_336] : memref<32x80xi32, #tpu.memory_space<vmem>> -> memref<1x80xi32, #tpu.memory_space<vmem>>
      %dma_start3A_338 = tpu.memref_squeeze %dma_start3A_337 : memref<1x80xi32, #tpu.memory_space<vmem>> -> memref<80xi32, #tpu.memory_space<vmem>>
      %dma_start3A_339 = arith.constant 0 : i32
      %dma_start3A_340 = arith.constant 0 : i32
      %dma_start3A_341 = tpu.memref_slice %arg3[%dma_start3A_339, %dma_start3A_340] : memref<10000x128xf32, #tpu.memory_space<hbm>> -> memref<10000x128xf32, #tpu.memory_space<hbm>>
      tpu.enqueue_indirect_dma source(%dma_start3A_341 : memref<10000x128xf32, #tpu.memory_space<hbm>>) target(%arg8 : memref<80x128xf32, #tpu.memory_space<vmem>>) offsets(%dma_start3A_338 : memref<80xi32, #tpu.memory_space<vmem>>) semaphore(%arg12 : memref<!tpu.dma_semaphore, #tpu.memory_space<semaphore_mem>>)
      %dma_wait3A_342 = arith.constant 0 : i32
      %dma_wait3A_343 = arith.constant 0 : i32
      %dma_wait3A_344 = tpu.memref_slice %arg3[%dma_wait3A_342, %dma_wait3A_343] : memref<10000x128xf32, #tpu.memory_space<hbm>> -> memref<80x128xf32, #tpu.memory_space<hbm>>
      %dma_wait3A_345 = arith.constant 0 : i32
      %dma_wait3A_346 = arith.constant 0 : i32
      %dma_wait3A_347 = tpu.memref_slice %arg3[%dma_wait3A_345, %dma_wait3A_346] : memref<10000x128xf32, #tpu.memory_space<hbm>> -> memref<80x128xf32, #tpu.memory_space<hbm>>
      tpu.wait_dma2 semaphore(%arg13 : memref<!tpu.dma_semaphore, #tpu.memory_space<semaphore_mem>>) src(%dma_wait3A_347 : memref<80x128xf32, #tpu.memory_space<hbm>>) dst(%arg9 : memref<80x128xf32, #tpu.memory_space<vmem>>)
      %add3A_348 = arith.constant 1 : i32
      %add3A_349 = arith.addi %mul3A_323, %add3A_348 : i32
      "tpu.region"() ({
        %run_scoped3A_378 = tpu.sem_alloc : memref<!tpu.dma_semaphore, #tpu.memory_space<semaphore_mem>>
        %dma_start3A_379 = arith.constant 0 : i32
        %dma_start3A_380 = tpu.memref_slice %arg7[%add3A_349, %dma_start3A_379] : memref<32x80xi32, #tpu.memory_space<vmem>> -> memref<1x80xi32, #tpu.memory_space<vmem>>
        %dma_start3A_381 = tpu.memref_squeeze %dma_start3A_380 : memref<1x80xi32, #tpu.memory_space<vmem>> -> memref<80xi32, #tpu.memory_space<vmem>>
        %dma_start3A_382 = arith.constant 0 : i32
        %dma_start3A_383 = arith.constant 0 : i32
        %dma_start3A_384 = tpu.memref_slice %arg11[%dma_start3A_382, %dma_start3A_383] : memref<10000x128xf32, #tpu.memory_space<vmem_shared>> -> memref<10000x128xf32, #tpu.memory_space<vmem_shared>>
        tpu.enqueue_indirect_dma source(%arg9 : memref<80x128xf32, #tpu.memory_space<vmem>>) target(%dma_start3A_384 : memref<10000x128xf32, #tpu.memory_space<vmem_shared>>) offsets(%dma_start3A_381 : memref<80xi32, #tpu.memory_space<vmem>>) semaphore(%run_scoped3A_378 : memref<!tpu.dma_semaphore, #tpu.memory_space<semaphore_mem>>) {add = true}
        %dma_wait3A_385 = arith.constant 0 : i32
        %dma_wait3A_386 = tpu.memref_slice %arg7[%add3A_349, %dma_wait3A_385] : memref<32x80xi32, #tpu.memory_space<vmem>> -> memref<1x80xi32, #tpu.memory_space<vmem>>
        %dma_wait3A_387 = tpu.memref_squeeze %dma_wait3A_386 : memref<1x80xi32, #tpu.memory_space<vmem>> -> memref<80xi32, #tpu.memory_space<vmem>>
        %dma_wait3A_388 = arith.constant 0 : i32
        %dma_wait3A_389 = arith.constant 0 : i32
        %dma_wait3A_390 = tpu.memref_slice %arg11[%dma_wait3A_388, %dma_wait3A_389] : memref<10000x128xf32, #tpu.memory_space<vmem_shared>> -> memref<10000x128xf32, #tpu.memory_space<vmem_shared>>
        tpu.wait_indirect_dma semaphore(%run_scoped3A_378 : memref<!tpu.dma_semaphore, #tpu.memory_space<semaphore_mem>>) src(%arg9 : memref<80x128xf32, #tpu.memory_space<vmem>>) dst(%dma_wait3A_390 : memref<10000x128xf32, #tpu.memory_space<vmem_shared>>)
        tpu.yield
      }) : () -> ()
      %add3A_350 = arith.constant 1 : i32
      %add3A_351 = arith.addi %mul3A_323, %add3A_350 : i32
      %add3A_352 = arith.constant 3 : i32
      %add3A_353 = arith.addi %add3A_351, %add3A_352 : i32
      %dma_start3A_354 = arith.constant 0 : i32
      %dma_start3A_355 = tpu.memref_slice %arg6[%add3A_353, %dma_start3A_354] : memref<32x80xi32, #tpu.memory_space<vmem>> -> memref<1x80xi32, #tpu.memory_space<vmem>>
      %dma_start3A_356 = tpu.memref_squeeze %dma_start3A_355 : memref<1x80xi32, #tpu.memory_space<vmem>> -> memref<80xi32, #tpu.memory_space<vmem>>
      %dma_start3A_357 = arith.constant 0 : i32
      %dma_start3A_358 = arith.constant 0 : i32
      %dma_start3A_359 = tpu.memref_slice %arg3[%dma_start3A_357, %dma_start3A_358] : memref<10000x128xf32, #tpu.memory_space<hbm>> -> memref<10000x128xf32, #tpu.memory_space<hbm>>
      tpu.enqueue_indirect_dma source(%dma_start3A_359 : memref<10000x128xf32, #tpu.memory_space<hbm>>) target(%arg9 : memref<80x128xf32, #tpu.memory_space<vmem>>) offsets(%dma_start3A_356 : memref<80xi32, #tpu.memory_space<vmem>>) semaphore(%arg13 : memref<!tpu.dma_semaphore, #tpu.memory_space<semaphore_mem>>)
      %dma_wait3A_360 = arith.constant 0 : i32
      %dma_wait3A_361 = arith.constant 0 : i32
      %dma_wait3A_362 = tpu.memref_slice %arg3[%dma_wait3A_360, %dma_wait3A_361] : memref<10000x128xf32, #tpu.memory_space<hbm>> -> memref<80x128xf32, #tpu.memory_space<hbm>>
      %dma_wait3A_363 = arith.constant 0 : i32
      %dma_wait3A_364 = arith.constant 0 : i32
      %dma_wait3A_365 = tpu.memref_slice %arg3[%dma_wait3A_363, %dma_wait3A_364] : memref<10000x128xf32, #tpu.memory_space<hbm>> -> memref<80x128xf32, #tpu.memory_space<hbm>>
      tpu.wait_dma2 semaphore(%arg14 : memref<!tpu.dma_semaphore, #tpu.memory_space<semaphore_mem>>) src(%dma_wait3A_365 : memref<80x128xf32, #tpu.memory_space<hbm>>) dst(%arg10 : memref<80x128xf32, #tpu.memory_space<vmem>>)
      %add3A_366 = arith.constant 2 : i32
      %add3A_367 = arith.addi %mul3A_323, %add3A_366 : i32
      "tpu.region"() ({
        %run_scoped3A_378 = tpu.sem_alloc : memref<!tpu.dma_semaphore, #tpu.memory_space<semaphore_mem>>
        %dma_start3A_379 = arith.constant 0 : i32
        %dma_start3A_380 = tpu.memref_slice %arg7[%add3A_367, %dma_start3A_379] : memref<32x80xi32, #tpu.memory_space<vmem>> -> memref<1x80xi32, #tpu.memory_space<vmem>>
        %dma_start3A_381 = tpu.memref_squeeze %dma_start3A_380 : memref<1x80xi32, #tpu.memory_space<vmem>> -> memref<80xi32, #tpu.memory_space<vmem>>
        %dma_start3A_382 = arith.constant 0 : i32
        %dma_start3A_383 = arith.constant 0 : i32
        %dma_start3A_384 = tpu.memref_slice %arg11[%dma_start3A_382, %dma_start3A_383] : memref<10000x128xf32, #tpu.memory_space<vmem_shared>> -> memref<10000x128xf32, #tpu.memory_space<vmem_shared>>
        tpu.enqueue_indirect_dma source(%arg10 : memref<80x128xf32, #tpu.memory_space<vmem>>) target(%dma_start3A_384 : memref<10000x128xf32, #tpu.memory_space<vmem_shared>>) offsets(%dma_start3A_381 : memref<80xi32, #tpu.memory_space<vmem>>) semaphore(%run_scoped3A_378 : memref<!tpu.dma_semaphore, #tpu.memory_space<semaphore_mem>>) {add = true}
        %dma_wait3A_385 = arith.constant 0 : i32
        %dma_wait3A_386 = tpu.memref_slice %arg7[%add3A_367, %dma_wait3A_385] : memref<32x80xi32, #tpu.memory_space<vmem>> -> memref<1x80xi32, #tpu.memory_space<vmem>>
        %dma_wait3A_387 = tpu.memref_squeeze %dma_wait3A_386 : memref<1x80xi32, #tpu.memory_space<vmem>> -> memref<80xi32, #tpu.memory_space<vmem>>
        %dma_wait3A_388 = arith.constant 0 : i32
        %dma_wait3A_389 = arith.constant 0 : i32
        %dma_wait3A_390 = tpu.memref_slice %arg11[%dma_wait3A_388, %dma_wait3A_389] : memref<10000x128xf32, #tpu.memory_space<vmem_shared>> -> memref<10000x128xf32, #tpu.memory_space<vmem_shared>>
        tpu.wait_indirect_dma semaphore(%run_scoped3A_378 : memref<!tpu.dma_semaphore, #tpu.memory_space<semaphore_mem>>) src(%arg10 : memref<80x128xf32, #tpu.memory_space<vmem>>) dst(%dma_wait3A_390 : memref<10000x128xf32, #tpu.memory_space<vmem_shared>>)
        tpu.yield
      }) : () -> ()
      %add3A_368 = arith.constant 2 : i32
      %add3A_369 = arith.addi %mul3A_323, %add3A_368 : i32
      %add3A_370 = arith.constant 3 : i32
      %add3A_371 = arith.addi %add3A_369, %add3A_370 : i32
      %dma_start3A_372 = arith.constant 0 : i32
      %dma_start3A_373 = tpu.memref_slice %arg6[%add3A_371, %dma_start3A_372] : memref<32x80xi32, #tpu.memory_space<vmem>> -> memref<1x80xi32, #tpu.memory_space<vmem>>
      %dma_start3A_374 = tpu.memref_squeeze %dma_start3A_373 : memref<1x80xi32, #tpu.memory_space<vmem>> -> memref<80xi32, #tpu.memory_space<vmem>>
      %dma_start3A_375 = arith.constant 0 : i32
      %dma_start3A_376 = arith.constant 0 : i32
      %dma_start3A_377 = tpu.memref_slice %arg3[%dma_start3A_375, %dma_start3A_376] : memref<10000x128xf32, #tpu.memory_space<hbm>> -> memref<10000x128xf32, #tpu.memory_space<hbm>>
      tpu.enqueue_indirect_dma source(%dma_start3A_377 : memref<10000x128xf32, #tpu.memory_space<hbm>>) target(%arg10 : memref<80x128xf32, #tpu.memory_space<vmem>>) offsets(%dma_start3A_374 : memref<80xi32, #tpu.memory_space<vmem>>) semaphore(%arg14 : memref<!tpu.dma_semaphore, #tpu.memory_space<semaphore_mem>>)
    }
    %scan3A_267 = arith.constant 8 : i32
    %dma_wait3A_268 = arith.constant 0 : i32
    %dma_wait3A_269 = arith.constant 0 : i32
    %dma_wait3A_270 = tpu.memref_slice %arg3[%dma_wait3A_268, %dma_wait3A_269] : memref<10000x128xf32, #tpu.memory_space<hbm>> -> memref<80x128xf32, #tpu.memory_space<hbm>>
    %dma_wait3A_271 = arith.constant 0 : i32
    %dma_wait3A_272 = arith.constant 0 : i32
    %dma_wait3A_273 = tpu.memref_slice %arg3[%dma_wait3A_271, %dma_wait3A_272] : memref<10000x128xf32, #tpu.memory_space<hbm>> -> memref<80x128xf32, #tpu.memory_space<hbm>>
    tpu.wait_dma2 semaphore(%arg12 : memref<!tpu.dma_semaphore, #tpu.memory_space<semaphore_mem>>) src(%dma_wait3A_273 : memref<80x128xf32, #tpu.memory_space<hbm>>) dst(%arg8 : memref<80x128xf32, #tpu.memory_space<vmem>>)
    %run_scoped3A_274 = arith.constant 24 : i32
    "tpu.region"() ({
      %run_scoped3A_321 = tpu.sem_alloc : memref<!tpu.dma_semaphore, #tpu.memory_space<semaphore_mem>>
      %dma_start3A_322 = arith.constant 0 : i32
      %dma_start3A_323 = tpu.memref_slice %arg7[%run_scoped3A_274, %dma_start3A_322] : memref<32x80xi32, #tpu.memory_space<vmem>> -> memref<1x80xi32, #tpu.memory_space<vmem>>
      %dma_start3A_324 = tpu.memref_squeeze %dma_start3A_323 : memref<1x80xi32, #tpu.memory_space<vmem>> -> memref<80xi32, #tpu.memory_space<vmem>>
      %dma_start3A_325 = arith.constant 0 : i32
      %dma_start3A_326 = arith.constant 0 : i32
      %dma_start3A_327 = tpu.memref_slice %arg11[%dma_start3A_325, %dma_start3A_326] : memref<10000x128xf32, #tpu.memory_space<vmem_shared>> -> memref<10000x128xf32, #tpu.memory_space<vmem_shared>>
      tpu.enqueue_indirect_dma source(%arg8 : memref<80x128xf32, #tpu.memory_space<vmem>>) target(%dma_start3A_327 : memref<10000x128xf32, #tpu.memory_space<vmem_shared>>) offsets(%dma_start3A_324 : memref<80xi32, #tpu.memory_space<vmem>>) semaphore(%run_scoped3A_321 : memref<!tpu.dma_semaphore, #tpu.memory_space<semaphore_mem>>) {add = true}
      %dma_wait3A_328 = arith.constant 0 : i32
      %dma_wait3A_329 = tpu.memref_slice %arg7[%run_scoped3A_274, %dma_wait3A_328] : memref<32x80xi32, #tpu.memory_space<vmem>> -> memref<1x80xi32, #tpu.memory_space<vmem>>
      %dma_wait3A_330 = tpu.memref_squeeze %dma_wait3A_329 : memref<1x80xi32, #tpu.memory_space<vmem>> -> memref<80xi32, #tpu.memory_space<vmem>>
      %dma_wait3A_331 = arith.constant 0 : i32
      %dma_wait3A_332 = arith.constant 0 : i32
      %dma_wait3A_333 = tpu.memref_slice %arg11[%dma_wait3A_331, %dma_wait3A_332] : memref<10000x128xf32, #tpu.memory_space<vmem_shared>> -> memref<10000x128xf32, #tpu.memory_space<vmem_shared>>
      tpu.wait_indirect_dma semaphore(%run_scoped3A_321 : memref<!tpu.dma_semaphore, #tpu.memory_space<semaphore_mem>>) src(%arg8 : memref<80x128xf32, #tpu.memory_space<vmem>>) dst(%dma_wait3A_333 : memref<10000x128xf32, #tpu.memory_space<vmem_shared>>)
      tpu.yield
    }) : () -> ()
    %dma_start3A_275 = arith.constant 27 : i32
    %dma_start3A_276 = arith.constant 0 : i32
    %dma_start3A_277 = tpu.memref_slice %arg6[%dma_start3A_275, %dma_start3A_276] : memref<32x80xi32, #tpu.memory_space<vmem>> -> memref<1x80xi32, #tpu.memory_space<vmem>>
    %dma_start3A_278 = tpu.memref_squeeze %dma_start3A_277 : memref<1x80xi32, #tpu.memory_space<vmem>> -> memref<80xi32, #tpu.memory_space<vmem>>
    %dma_start3A_279 = arith.constant 0 : i32
    %dma_start3A_280 = arith.constant 0 : i32
    %dma_start3A_281 = tpu.memref_slice %arg3[%dma_start3A_279, %dma_start3A_280] : memref<10000x128xf32, #tpu.memory_space<hbm>> -> memref<10000x128xf32, #tpu.memory_space<hbm>>
    tpu.enqueue_indirect_dma source(%dma_start3A_281 : memref<10000x128xf32, #tpu.memory_space<hbm>>) target(%arg8 : memref<80x128xf32, #tpu.memory_space<vmem>>) offsets(%dma_start3A_278 : memref<80xi32, #tpu.memory_space<vmem>>) semaphore(%arg12 : memref<!tpu.dma_semaphore, #tpu.memory_space<semaphore_mem>>)
    %dma_wait3A_282 = arith.constant 0 : i32
    %dma_wait3A_283 = arith.constant 0 : i32
    %dma_wait3A_284 = tpu.memref_slice %arg3[%dma_wait3A_282, %dma_wait3A_283] : memref<10000x128xf32, #tpu.memory_space<hbm>> -> memref<80x128xf32, #tpu.memory_space<hbm>>
    %dma_wait3A_285 = arith.constant 0 : i32
    %dma_wait3A_286 = arith.constant 0 : i32
    %dma_wait3A_287 = tpu.memref_slice %arg3[%dma_wait3A_285, %dma_wait3A_286] : memref<10000x128xf32, #tpu.memory_space<hbm>> -> memref<80x128xf32, #tpu.memory_space<hbm>>
    tpu.wait_dma2 semaphore(%arg13 : memref<!tpu.dma_semaphore, #tpu.memory_space<semaphore_mem>>) src(%dma_wait3A_287 : memref<80x128xf32, #tpu.memory_space<hbm>>) dst(%arg9 : memref<80x128xf32, #tpu.memory_space<vmem>>)
    %run_scoped3A_288 = arith.constant 25 : i32
    "tpu.region"() ({
      %run_scoped3A_321 = tpu.sem_alloc : memref<!tpu.dma_semaphore, #tpu.memory_space<semaphore_mem>>
      %dma_start3A_322 = arith.constant 0 : i32
      %dma_start3A_323 = tpu.memref_slice %arg7[%run_scoped3A_288, %dma_start3A_322] : memref<32x80xi32, #tpu.memory_space<vmem>> -> memref<1x80xi32, #tpu.memory_space<vmem>>
      %dma_start3A_324 = tpu.memref_squeeze %dma_start3A_323 : memref<1x80xi32, #tpu.memory_space<vmem>> -> memref<80xi32, #tpu.memory_space<vmem>>
      %dma_start3A_325 = arith.constant 0 : i32
      %dma_start3A_326 = arith.constant 0 : i32
      %dma_start3A_327 = tpu.memref_slice %arg11[%dma_start3A_325, %dma_start3A_326] : memref<10000x128xf32, #tpu.memory_space<vmem_shared>> -> memref<10000x128xf32, #tpu.memory_space<vmem_shared>>
      tpu.enqueue_indirect_dma source(%arg9 : memref<80x128xf32, #tpu.memory_space<vmem>>) target(%dma_start3A_327 : memref<10000x128xf32, #tpu.memory_space<vmem_shared>>) offsets(%dma_start3A_324 : memref<80xi32, #tpu.memory_space<vmem>>) semaphore(%run_scoped3A_321 : memref<!tpu.dma_semaphore, #tpu.memory_space<semaphore_mem>>) {add = true}
      %dma_wait3A_328 = arith.constant 0 : i32
      %dma_wait3A_329 = tpu.memref_slice %arg7[%run_scoped3A_288, %dma_wait3A_328] : memref<32x80xi32, #tpu.memory_space<vmem>> -> memref<1x80xi32, #tpu.memory_space<vmem>>
      %dma_wait3A_330 = tpu.memref_squeeze %dma_wait3A_329 : memref<1x80xi32, #tpu.memory_space<vmem>> -> memref<80xi32, #tpu.memory_space<vmem>>
      %dma_wait3A_331 = arith.constant 0 : i32
      %dma_wait3A_332 = arith.constant 0 : i32
      %dma_wait3A_333 = tpu.memref_slice %arg11[%dma_wait3A_331, %dma_wait3A_332] : memref<10000x128xf32, #tpu.memory_space<vmem_shared>> -> memref<10000x128xf32, #tpu.memory_space<vmem_shared>>
      tpu.wait_indirect_dma semaphore(%run_scoped3A_321 : memref<!tpu.dma_semaphore, #tpu.memory_space<semaphore_mem>>) src(%arg9 : memref<80x128xf32, #tpu.memory_space<vmem>>) dst(%dma_wait3A_333 : memref<10000x128xf32, #tpu.memory_space<vmem_shared>>)
      tpu.yield
    }) : () -> ()
    %dma_start3A_289 = arith.constant 28 : i32
    %dma_start3A_290 = arith.constant 0 : i32
    %dma_start3A_291 = tpu.memref_slice %arg6[%dma_start3A_289, %dma_start3A_290] : memref<32x80xi32, #tpu.memory_space<vmem>> -> memref<1x80xi32, #tpu.memory_space<vmem>>
    %dma_start3A_292 = tpu.memref_squeeze %dma_start3A_291 : memref<1x80xi32, #tpu.memory_space<vmem>> -> memref<80xi32, #tpu.memory_space<vmem>>
    %dma_start3A_293 = arith.constant 0 : i32
    %dma_start3A_294 = arith.constant 0 : i32
    %dma_start3A_295 = tpu.memref_slice %arg3[%dma_start3A_293, %dma_start3A_294] : memref<10000x128xf32, #tpu.memory_space<hbm>> -> memref<10000x128xf32, #tpu.memory_space<hbm>>
    tpu.enqueue_indirect_dma source(%dma_start3A_295 : memref<10000x128xf32, #tpu.memory_space<hbm>>) target(%arg9 : memref<80x128xf32, #tpu.memory_space<vmem>>) offsets(%dma_start3A_292 : memref<80xi32, #tpu.memory_space<vmem>>) semaphore(%arg13 : memref<!tpu.dma_semaphore, #tpu.memory_space<semaphore_mem>>)
    %dma_wait3A_296 = arith.constant 0 : i32
    %dma_wait3A_297 = arith.constant 0 : i32
    %dma_wait3A_298 = tpu.memref_slice %arg3[%dma_wait3A_296, %dma_wait3A_297] : memref<10000x128xf32, #tpu.memory_space<hbm>> -> memref<80x128xf32, #tpu.memory_space<hbm>>
    %dma_wait3A_299 = arith.constant 0 : i32
    %dma_wait3A_300 = arith.constant 0 : i32
    %dma_wait3A_301 = tpu.memref_slice %arg3[%dma_wait3A_299, %dma_wait3A_300] : memref<10000x128xf32, #tpu.memory_space<hbm>> -> memref<80x128xf32, #tpu.memory_space<hbm>>
    tpu.wait_dma2 semaphore(%arg14 : memref<!tpu.dma_semaphore, #tpu.memory_space<semaphore_mem>>) src(%dma_wait3A_301 : memref<80x128xf32, #tpu.memory_space<hbm>>) dst(%arg10 : memref<80x128xf32, #tpu.memory_space<vmem>>)
    %run_scoped3A_302 = arith.constant 26 : i32
    "tpu.region"() ({
      %run_scoped3A_321 = tpu.sem_alloc : memref<!tpu.dma_semaphore, #tpu.memory_space<semaphore_mem>>
      %dma_start3A_322 = arith.constant 0 : i32
      %dma_start3A_323 = tpu.memref_slice %arg7[%run_scoped3A_302, %dma_start3A_322] : memref<32x80xi32, #tpu.memory_space<vmem>> -> memref<1x80xi32, #tpu.memory_space<vmem>>
      %dma_start3A_324 = tpu.memref_squeeze %dma_start3A_323 : memref<1x80xi32, #tpu.memory_space<vmem>> -> memref<80xi32, #tpu.memory_space<vmem>>
      %dma_start3A_325 = arith.constant 0 : i32
      %dma_start3A_326 = arith.constant 0 : i32
      %dma_start3A_327 = tpu.memref_slice %arg11[%dma_start3A_325, %dma_start3A_326] : memref<10000x128xf32, #tpu.memory_space<vmem_shared>> -> memref<10000x128xf32, #tpu.memory_space<vmem_shared>>
      tpu.enqueue_indirect_dma source(%arg10 : memref<80x128xf32, #tpu.memory_space<vmem>>) target(%dma_start3A_327 : memref<10000x128xf32, #tpu.memory_space<vmem_shared>>) offsets(%dma_start3A_324 : memref<80xi32, #tpu.memory_space<vmem>>) semaphore(%run_scoped3A_321 : memref<!tpu.dma_semaphore, #tpu.memory_space<semaphore_mem>>) {add = true}
      %dma_wait3A_328 = arith.constant 0 : i32
      %dma_wait3A_329 = tpu.memref_slice %arg7[%run_scoped3A_302, %dma_wait3A_328] : memref<32x80xi32, #tpu.memory_space<vmem>> -> memref<1x80xi32, #tpu.memory_space<vmem>>
      %dma_wait3A_330 = tpu.memref_squeeze %dma_wait3A_329 : memref<1x80xi32, #tpu.memory_space<vmem>> -> memref<80xi32, #tpu.memory_space<vmem>>
      %dma_wait3A_331 = arith.constant 0 : i32
      %dma_wait3A_332 = arith.constant 0 : i32
      %dma_wait3A_333 = tpu.memref_slice %arg11[%dma_wait3A_331, %dma_wait3A_332] : memref<10000x128xf32, #tpu.memory_space<vmem_shared>> -> memref<10000x128xf32, #tpu.memory_space<vmem_shared>>
      tpu.wait_indirect_dma semaphore(%run_scoped3A_321 : memref<!tpu.dma_semaphore, #tpu.memory_space<semaphore_mem>>) src(%arg10 : memref<80x128xf32, #tpu.memory_space<vmem>>) dst(%dma_wait3A_333 : memref<10000x128xf32, #tpu.memory_space<vmem_shared>>)
      tpu.yield
    }) : () -> ()
    %dma_wait3A_303 = arith.constant 0 : i32
    %dma_wait3A_304 = arith.constant 0 : i32
    %dma_wait3A_305 = tpu.memref_slice %arg3[%dma_wait3A_303, %dma_wait3A_304] : memref<10000x128xf32, #tpu.memory_space<hbm>> -> memref<80x128xf32, #tpu.memory_space<hbm>>
    %dma_wait3A_306 = arith.constant 0 : i32
    %dma_wait3A_307 = arith.constant 0 : i32
    %dma_wait3A_308 = tpu.memref_slice %arg3[%dma_wait3A_306, %dma_wait3A_307] : memref<10000x128xf32, #tpu.memory_space<hbm>> -> memref<80x128xf32, #tpu.memory_space<hbm>>
    tpu.wait_dma2 semaphore(%arg12 : memref<!tpu.dma_semaphore, #tpu.memory_space<semaphore_mem>>) src(%dma_wait3A_308 : memref<80x128xf32, #tpu.memory_space<hbm>>) dst(%arg8 : memref<80x128xf32, #tpu.memory_space<vmem>>)
    %run_scoped3A_309 = arith.constant 27 : i32
    "tpu.region"() ({
      %run_scoped3A_321 = tpu.sem_alloc : memref<!tpu.dma_semaphore, #tpu.memory_space<semaphore_mem>>
      %dma_start3A_322 = arith.constant 0 : i32
      %dma_start3A_323 = tpu.memref_slice %arg7[%run_scoped3A_309, %dma_start3A_322] : memref<32x80xi32, #tpu.memory_space<vmem>> -> memref<1x80xi32, #tpu.memory_space<vmem>>
      %dma_start3A_324 = tpu.memref_squeeze %dma_start3A_323 : memref<1x80xi32, #tpu.memory_space<vmem>> -> memref<80xi32, #tpu.memory_space<vmem>>
      %dma_start3A_325 = arith.constant 0 : i32
      %dma_start3A_326 = arith.constant 0 : i32
      %dma_start3A_327 = tpu.memref_slice %arg11[%dma_start3A_325, %dma_start3A_326] : memref<10000x128xf32, #tpu.memory_space<vmem_shared>> -> memref<10000x128xf32, #tpu.memory_space<vmem_shared>>
      tpu.enqueue_indirect_dma source(%arg8 : memref<80x128xf32, #tpu.memory_space<vmem>>) target(%dma_start3A_327 : memref<10000x128xf32, #tpu.memory_space<vmem_shared>>) offsets(%dma_start3A_324 : memref<80xi32, #tpu.memory_space<vmem>>) semaphore(%run_scoped3A_321 : memref<!tpu.dma_semaphore, #tpu.memory_space<semaphore_mem>>) {add = true}
      %dma_wait3A_328 = arith.constant 0 : i32
      %dma_wait3A_329 = tpu.memref_slice %arg7[%run_scoped3A_309, %dma_wait3A_328] : memref<32x80xi32, #tpu.memory_space<vmem>> -> memref<1x80xi32, #tpu.memory_space<vmem>>
      %dma_wait3A_330 = tpu.memref_squeeze %dma_wait3A_329 : memref<1x80xi32, #tpu.memory_space<vmem>> -> memref<80xi32, #tpu.memory_space<vmem>>
      %dma_wait3A_331 = arith.constant 0 : i32
      %dma_wait3A_332 = arith.constant 0 : i32
      %dma_wait3A_333 = tpu.memref_slice %arg11[%dma_wait3A_331, %dma_wait3A_332] : memref<10000x128xf32, #tpu.memory_space<vmem_shared>> -> memref<10000x128xf32, #tpu.memory_space<vmem_shared>>
      tpu.wait_indirect_dma semaphore(%run_scoped3A_321 : memref<!tpu.dma_semaphore, #tpu.memory_space<semaphore_mem>>) src(%arg8 : memref<80x128xf32, #tpu.memory_space<vmem>>) dst(%dma_wait3A_333 : memref<10000x128xf32, #tpu.memory_space<vmem_shared>>)
      tpu.yield
    }) : () -> ()
    %dma_wait3A_310 = arith.constant 0 : i32
    %dma_wait3A_311 = arith.constant 0 : i32
    %dma_wait3A_312 = tpu.memref_slice %arg3[%dma_wait3A_310, %dma_wait3A_311] : memref<10000x128xf32, #tpu.memory_space<hbm>> -> memref<80x128xf32, #tpu.memory_space<hbm>>
    %dma_wait3A_313 = arith.constant 0 : i32
    %dma_wait3A_314 = arith.constant 0 : i32
    %dma_wait3A_315 = tpu.memref_slice %arg3[%dma_wait3A_313, %dma_wait3A_314] : memref<10000x128xf32, #tpu.memory_space<hbm>> -> memref<80x128xf32, #tpu.memory_space<hbm>>
    tpu.wait_dma2 semaphore(%arg13 : memref<!tpu.dma_semaphore, #tpu.memory_space<semaphore_mem>>) src(%dma_wait3A_315 : memref<80x128xf32, #tpu.memory_space<hbm>>) dst(%arg9 : memref<80x128xf32, #tpu.memory_space<vmem>>)
    %run_scoped3A_316 = arith.constant 28 : i32
    "tpu.region"() ({
      %run_scoped3A_321 = tpu.sem_alloc : memref<!tpu.dma_semaphore, #tpu.memory_space<semaphore_mem>>
      %dma_start3A_322 = arith.constant 0 : i32
      %dma_start3A_323 = tpu.memref_slice %arg7[%run_scoped3A_316, %dma_start3A_322] : memref<32x80xi32, #tpu.memory_space<vmem>> -> memref<1x80xi32, #tpu.memory_space<vmem>>
      %dma_start3A_324 = tpu.memref_squeeze %dma_start3A_323 : memref<1x80xi32, #tpu.memory_space<vmem>> -> memref<80xi32, #tpu.memory_space<vmem>>
      %dma_start3A_325 = arith.constant 0 : i32
      %dma_start3A_326 = arith.constant 0 : i32
      %dma_start3A_327 = tpu.memref_slice %arg11[%dma_start3A_325, %dma_start3A_326] : memref<10000x128xf32, #tpu.memory_space<vmem_shared>> -> memref<10000x128xf32, #tpu.memory_space<vmem_shared>>
      tpu.enqueue_indirect_dma source(%arg9 : memref<80x128xf32, #tpu.memory_space<vmem>>) target(%dma_start3A_327 : memref<10000x128xf32, #tpu.memory_space<vmem_shared>>) offsets(%dma_start3A_324 : memref<80xi32, #tpu.memory_space<vmem>>) semaphore(%run_scoped3A_321 : memref<!tpu.dma_semaphore, #tpu.memory_space<semaphore_mem>>) {add = true}
      %dma_wait3A_328 = arith.constant 0 : i32
      %dma_wait3A_329 = tpu.memref_slice %arg7[%run_scoped3A_316, %dma_wait3A_328] : memref<32x80xi32, #tpu.memory_space<vmem>> -> memref<1x80xi32, #tpu.memory_space<vmem>>
      %dma_wait3A_330 = tpu.memref_squeeze %dma_wait3A_329 : memref<1x80xi32, #tpu.memory_space<vmem>> -> memref<80xi32, #tpu.memory_space<vmem>>
      %dma_wait3A_331 = arith.constant 0 : i32
      %dma_wait3A_332 = arith.constant 0 : i32
      %dma_wait3A_333 = tpu.memref_slice %arg11[%dma_wait3A_331, %dma_wait3A_332] : memref<10000x128xf32, #tpu.memory_space<vmem_shared>> -> memref<10000x128xf32, #tpu.memory_space<vmem_shared>>
      tpu.wait_indirect_dma semaphore(%run_scoped3A_321 : memref<!tpu.dma_semaphore, #tpu.memory_space<semaphore_mem>>) src(%arg9 : memref<80x128xf32, #tpu.memory_space<vmem>>) dst(%dma_wait3A_333 : memref<10000x128xf32, #tpu.memory_space<vmem_shared>>)
      tpu.yield
    }) : () -> ()
    %barrier3A_317 = arith.constant 0 : index
    tpu.barrier barrier_id(%barrier3A_317)
    %mul3A_318 = arith.constant 10000 : i32
    %mul3A_319 = arith.muli %arg0, %mul3A_318 : i32
    %add3A_320 = arith.addi %mul3A_319, %mul3A_2 : i32
    "tpu.region"() ({
      %run_scoped3A_321 = tpu.sem_alloc : memref<!tpu.dma_semaphore, #tpu.memory_space<semaphore_mem>>
      %dma_start3A_322 = arith.constant 0 : i32
      %dma_start3A_323 = tpu.memref_slice %arg5[%add3A_320, %dma_start3A_322] : memref<20000x128xf32, #tpu.memory_space<hbm>> -> memref<640x128xf32, #tpu.memory_space<hbm>>
      %dma_start3A_324 = arith.constant 0 : i32
      %dma_start3A_325 = tpu.memref_slice %arg11[%mul3A_2, %dma_start3A_324] : memref<10000x128xf32, #tpu.memory_space<vmem_shared>> -> memref<640x128xf32, #tpu.memory_space<vmem_shared>>
      tpu.enqueue_dma source(%dma_start3A_325 : memref<640x128xf32, #tpu.memory_space<vmem_shared>>) target(%dma_start3A_323 : memref<640x128xf32, #tpu.memory_space<hbm>>) target_semaphore(%run_scoped3A_321 : memref<!tpu.dma_semaphore, #tpu.memory_space<semaphore_mem>>)
      %dma_wait3A_326 = arith.constant 0 : i32
      %dma_wait3A_327 = tpu.memref_slice %arg5[%add3A_320, %dma_wait3A_326] : memref<20000x128xf32, #tpu.memory_space<hbm>> -> memref<640x128xf32, #tpu.memory_space<hbm>>
      %dma_wait3A_328 = arith.constant 0 : i32
      %dma_wait3A_329 = tpu.memref_slice %arg11[%mul3A_2, %dma_wait3A_328] : memref<10000x128xf32, #tpu.memory_space<vmem_shared>> -> memref<640x128xf32, #tpu.memory_space<vmem_shared>>
      tpu.wait_dma2 semaphore(%run_scoped3A_321 : memref<!tpu.dma_semaphore, #tpu.memory_space<semaphore_mem>>) src(%dma_wait3A_329 : memref<640x128xf32, #tpu.memory_space<vmem_shared>>) dst(%dma_wait3A_327 : memref<640x128xf32, #tpu.memory_space<hbm>>)
      tpu.yield
    }) : () -> ()
    return
  }
}

module attributes {stable_mosaic.version = 14 : i64} {
  func.func @_scale_body(%arg0: i32, %arg1: memref<1000x1xf32, #tpu.memory_space<vmem>>, %arg2: memref<1000x1xf32, #tpu.memory_space<vmem>>, %arg3: memref<1000x128xf32, #tpu.memory_space<vmem>>, %arg4: memref<1000x128xf32, #tpu.memory_space<vmem>>, %arg5: memref<1000x1xf32, #tpu.memory_space<vmem>>) attributes {dimension_semantics = [#tpu.dimension_semantics<arbitrary>], iteration_bounds = array<i64: 10>, scalar_prefetch = 0 : i64, scratch_operands = 0 : i64, tpu.core_type = #tpu.core_type<tc>, window_params = [{transform_indices = @transform_0, window_bounds = array<i64: 1000, 1>}, {transform_indices = @transform_1, window_bounds = array<i64: 1000, 1>}, {transform_indices = @transform_2, window_bounds = array<i64: 1000, 128>}, {transform_indices = @transform_3, window_bounds = array<i64: 1000, 128>}, {transform_indices = @transform_4, window_bounds = array<i64: 1000, 1>}]} {
    %get3A = arith.constant 0 : index
    %get3A_0 = arith.constant 0 : index
    %get3A_1 = vector.load %arg1[%get3A, %get3A_0] : memref<1000x1xf32, #tpu.memory_space<vmem>>, vector<1000x1xf32>
    %get3A_2 = arith.constant 0 : index
    %get3A_3 = arith.constant 0 : index
    %get3A_4 = vector.load %arg2[%get3A_2, %get3A_3] : memref<1000x1xf32, #tpu.memory_space<vmem>>, vector<1000x1xf32>
    %add3A = arith.addf %get3A_1, %get3A_4 : vector<1000x1xf32>
    %add3A_5 = arith.constant 1.000000e+00 : f32
    %add3A_6 = vector.broadcast %add3A_5 : f32 to vector<1000x1xf32>
    %add3A_7 = arith.addf %add3A, %add3A_6 : vector<1000x1xf32>
    %rsqrt3A = math.rsqrt %add3A_7 : vector<1000x1xf32>
    %swap3A = arith.constant 0 : index
    %swap3A_8 = arith.constant 0 : index
    %swap3A_9 = vector.load %arg5[%swap3A, %swap3A_8] : memref<1000x1xf32, #tpu.memory_space<vmem>>, vector<1000x1xf32>
    tpu.vector_store %arg5[%swap3A, %swap3A_8], %rsqrt3A {strides = array<i32>} : memref<1000x1xf32, #tpu.memory_space<vmem>>, vector<1000x1xf32>,
    %get3A_10 = arith.constant 0 : index
    %get3A_11 = arith.constant 0 : index
    %get3A_12 = vector.load %arg3[%get3A_10, %get3A_11] : memref<1000x128xf32, #tpu.memory_space<vmem>>, vector<1000x128xf32>
    %mul3A = vector.broadcast %rsqrt3A : vector<1000x1xf32> to vector<1000x128xf32>
    %mul3A_13 = arith.mulf %mul3A, %get3A_12 : vector<1000x128xf32>
    %swap3A_14 = arith.constant 0 : index
    %swap3A_15 = arith.constant 0 : index
    %swap3A_16 = vector.load %arg4[%swap3A_14, %swap3A_15] : memref<1000x128xf32, #tpu.memory_space<vmem>>, vector<1000x128xf32>
    tpu.vector_store %arg4[%swap3A_14, %swap3A_15], %mul3A_13 {strides = array<i32>} : memref<1000x128xf32, #tpu.memory_space<vmem>>, vector<1000x128xf32>,
    return
  }
  func.func @transform_0(%arg0: i32) -> (i32, i32) {
    %c0_i32 = arith.constant 0 : i32
    %c0_i32_0 = arith.constant 0 : i32
    return %arg0, %c0_i32 : i32, i32
  }
  func.func @transform_1(%arg0: i32) -> (i32, i32) {
    %c0_i32 = arith.constant 0 : i32
    %c0_i32_0 = arith.constant 0 : i32
    return %arg0, %c0_i32 : i32, i32
  }
  func.func @transform_2(%arg0: i32) -> (i32, i32) {
    %c0_i32 = arith.constant 0 : i32
    %c0_i32_0 = arith.constant 0 : i32
    return %arg0, %c0_i32 : i32, i32
  }
  func.func @transform_3(%arg0: i32) -> (i32, i32) {
    %c0_i32 = arith.constant 0 : i32
    %c0_i32_0 = arith.constant 0 : i32
    return %arg0, %c0_i32 : i32, i32
  }
  func.func @transform_4(%arg0: i32) -> (i32, i32) {
    %c0_i32 = arith.constant 0 : i32
    %c0_i32_0 = arith.constant 0 : i32
    return %arg0, %c0_i32 : i32, i32
  }
}

module attributes {stable_mosaic.version = 14 : i64} {
  func.func @_mm_body(%arg0: i32, %arg1: memref<2000x128xf32, #tpu.memory_space<vmem>>, %arg2: memref<2000x128xf32, #tpu.memory_space<vmem>>, %arg3: memref<2000x1xf32, #tpu.memory_space<vmem>>, %arg4: memref<128x200xf32, #tpu.memory_space<vmem>>, %arg5: memref<1x200xf32, #tpu.memory_space<vmem>>, %arg6: memref<128x200xf32, #tpu.memory_space<vmem>>, %arg7: memref<1x200xf32, #tpu.memory_space<vmem>>, %arg8: memref<2000x200xf32, #tpu.memory_space<vmem>>, %arg9: memref<2000x200xf32, #tpu.memory_space<vmem>>) attributes {dimension_semantics = [#tpu.dimension_semantics<arbitrary>], iteration_bounds = array<i64: 5>, scalar_prefetch = 0 : i64, scratch_operands = 0 : i64, tpu.core_type = #tpu.core_type<tc>, window_params = [{transform_indices = @transform_0, window_bounds = array<i64: 2000, 128>}, {transform_indices = @transform_1, window_bounds = array<i64: 2000, 128>}, {transform_indices = @transform_2, window_bounds = array<i64: 2000, 1>}, {pipeline_mode = #tpu.pipeline_mode<synchronous>, transform_indices = @transform_3, window_bounds = array<i64: 128, 200>}, {pipeline_mode = #tpu.pipeline_mode<synchronous>, transform_indices = @transform_4, window_bounds = array<i64: 1, 200>}, {pipeline_mode = #tpu.pipeline_mode<synchronous>, transform_indices = @transform_5, window_bounds = array<i64: 128, 200>}, {pipeline_mode = #tpu.pipeline_mode<synchronous>, transform_indices = @transform_6, window_bounds = array<i64: 1, 200>}, {transform_indices = @transform_7, window_bounds = array<i64: 2000, 200>}, {transform_indices = @transform_8, window_bounds = array<i64: 2000, 200>}]} {
    %get3A = arith.constant 0 : index
    %get3A_0 = arith.constant 0 : index
    %get3A_1 = vector.load %arg1[%get3A, %get3A_0] : memref<2000x128xf32, #tpu.memory_space<vmem>>, vector<2000x128xf32>
    %get3A_2 = arith.constant 0 : index
    %get3A_3 = arith.constant 0 : index
    %get3A_4 = vector.load %arg2[%get3A_2, %get3A_3] : memref<2000x128xf32, #tpu.memory_space<vmem>>, vector<2000x128xf32>
    %add3A = arith.addf %get3A_1, %get3A_4 : vector<2000x128xf32>
    %get3A_5 = arith.constant 0 : index
    %get3A_6 = arith.constant 0 : index
    %get3A_7 = vector.load %arg3[%get3A_5, %get3A_6] : memref<2000x1xf32, #tpu.memory_space<vmem>>, vector<2000x1xf32>
    %mul3A = vector.broadcast %get3A_7 : vector<2000x1xf32> to vector<2000x128xf32>
    %mul3A_8 = arith.mulf %add3A, %mul3A : vector<2000x128xf32>
    %get3A_9 = arith.constant 0 : index
    %get3A_10 = arith.constant 0 : index
    %get3A_11 = vector.load %arg4[%get3A_9, %get3A_10] : memref<128x200xf32, #tpu.memory_space<vmem>>, vector<128x200xf32>
    %dot_general3A = arith.constant dense<0.000000e+00> : vector<2000x200xf32>
    %dot_general3A_12 = tpu.matmul %mul3A_8, %get3A_11, %dot_general3A {dimension_numbers = #tpu.dot_dimension_numbers<[1], [0], [0], [1], [0, 0, 1, 1], [], []>, transpose_lhs_hint = false} : vector<2000x128xf32>, vector<128x200xf32>, vector<2000x200xf32> -> vector<2000x200xf32>
    %get3A_13 = arith.constant 0 : index
    %get3A_14 = arith.constant 0 : index
    %get3A_15 = vector.load %arg5[%get3A_13, %get3A_14] : memref<1x200xf32, #tpu.memory_space<vmem>>, vector<1x200xf32>
    %add3A_16 = vector.broadcast %get3A_15 : vector<1x200xf32> to vector<2000x200xf32>
    %add3A_17 = arith.addf %dot_general3A_12, %add3A_16 : vector<2000x200xf32>
    %swap3A = arith.constant 0 : index
    %swap3A_18 = arith.constant 0 : index
    %swap3A_19 = vector.load %arg8[%swap3A, %swap3A_18] : memref<2000x200xf32, #tpu.memory_space<vmem>>, vector<2000x200xf32>
    tpu.vector_store %arg8[%swap3A, %swap3A_18], %add3A_17 {strides = array<i32>} : memref<2000x200xf32, #tpu.memory_space<vmem>>, vector<2000x200xf32>,
    %get3A_20 = arith.constant 0 : index
    %get3A_21 = arith.constant 0 : index
    %get3A_22 = vector.load %arg6[%get3A_20, %get3A_21] : memref<128x200xf32, #tpu.memory_space<vmem>>, vector<128x200xf32>
    %dot_general3A_23 = arith.constant dense<0.000000e+00> : vector<2000x200xf32>
    %dot_general3A_24 = tpu.matmul %mul3A_8, %get3A_22, %dot_general3A_23 {dimension_numbers = #tpu.dot_dimension_numbers<[1], [0], [0], [1], [0, 0, 1, 1], [], []>, transpose_lhs_hint = false} : vector<2000x128xf32>, vector<128x200xf32>, vector<2000x200xf32> -> vector<2000x200xf32>
    %get3A_25 = arith.constant 0 : index
    %get3A_26 = arith.constant 0 : index
    %get3A_27 = vector.load %arg7[%get3A_25, %get3A_26] : memref<1x200xf32, #tpu.memory_space<vmem>>, vector<1x200xf32>
    %add3A_28 = vector.broadcast %get3A_27 : vector<1x200xf32> to vector<2000x200xf32>
    %add3A_29 = arith.addf %dot_general3A_24, %add3A_28 : vector<2000x200xf32>
    %swap3A_30 = arith.constant 0 : index
    %swap3A_31 = arith.constant 0 : index
    %swap3A_32 = vector.load %arg9[%swap3A_30, %swap3A_31] : memref<2000x200xf32, #tpu.memory_space<vmem>>, vector<2000x200xf32>
    tpu.vector_store %arg9[%swap3A_30, %swap3A_31], %add3A_29 {strides = array<i32>} : memref<2000x200xf32, #tpu.memory_space<vmem>>, vector<2000x200xf32>,
    return
  }
  func.func @transform_0(%arg0: i32) -> (i32, i32) {
    %c0_i32 = arith.constant 0 : i32
    %c0_i32_0 = arith.constant 0 : i32
    return %arg0, %c0_i32 : i32, i32
  }
  func.func @transform_1(%arg0: i32) -> (i32, i32) {
    %add3A = arith.constant 5 : i32
    %add3A_0 = arith.addi %arg0, %add3A : i32
    %c0_i32 = arith.constant 0 : i32
    %c0_i32_1 = arith.constant 0 : i32
    return %add3A_0, %c0_i32 : i32, i32
  }
  func.func @transform_2(%arg0: i32) -> (i32, i32) {
    %c0_i32 = arith.constant 0 : i32
    %c0_i32_0 = arith.constant 0 : i32
    return %arg0, %c0_i32 : i32, i32
  }
  func.func @transform_3(%arg0: i32) -> (i32, i32) {
    %c0_i32 = arith.constant 0 : i32
    %c0_i32_0 = arith.constant 0 : i32
    %c0_i32_1 = arith.constant 0 : i32
    return %c0_i32, %c0_i32_0 : i32, i32
  }
  func.func @transform_4(%arg0: i32) -> (i32, i32) {
    %c0_i32 = arith.constant 0 : i32
    %c0_i32_0 = arith.constant 0 : i32
    %c0_i32_1 = arith.constant 0 : i32
    return %c0_i32, %c0_i32_0 : i32, i32
  }
  func.func @transform_5(%arg0: i32) -> (i32, i32) {
    %c0_i32 = arith.constant 0 : i32
    %c0_i32_0 = arith.constant 0 : i32
    %c0_i32_1 = arith.constant 0 : i32
    return %c0_i32, %c0_i32_0 : i32, i32
  }
  func.func @transform_6(%arg0: i32) -> (i32, i32) {
    %c0_i32 = arith.constant 0 : i32
    %c0_i32_0 = arith.constant 0 : i32
    %c0_i32_1 = arith.constant 0 : i32
    return %c0_i32, %c0_i32_0 : i32, i32
  }
  func.func @transform_7(%arg0: i32) -> (i32, i32) {
    %c0_i32 = arith.constant 0 : i32
    %c0_i32_0 = arith.constant 0 : i32
    return %arg0, %c0_i32 : i32, i32
  }
  func.func @transform_8(%arg0: i32) -> (i32, i32) {
    %c0_i32 = arith.constant 0 : i32
    %c0_i32_0 = arith.constant 0 : i32
    return %arg0, %c0_i32 : i32, i32
  }
}

</mosaic_0001>

<sc_bundles>
// kernel: kernel.6.cloned.1.call-start
scs
__scs_entry_jumppad:
0x0: {  	(pc) =	sbr.rel $0x88, $3  }
0x1: {  	(tag) =	ssettag $0x0;
	lr =	simm.s32 $0x1  }
0x2: {  	[smem:$0x3F9B] =	sst lr;
	_ =	strace $0xD0000000  }
0x3: {  	_ = 	snop  }
0x4: {  	_ = 	snop  }
0x5: {  	_ = 	snop  }
0x6: {  	_ = 	snop  }
0x7: {  	_ = 	snop  }
__scs_overlays_trampoline_lowered:
0x8: {  	[smem:$0x3FAA] =	sst s0  }
0x9: {  	[smem:$0x3FAB] =	sst s1  }
0xa: {  	[smem:$0x3FAC] =	sst s2  }
0xb: {  	[smem:$0x3FAD] =	sst s3  }
0xc: {  	[smem:$0x3FAE] =	sst s4  }
0xd: {  	[smem:$0x3FAF] =	sst s5  }
0xe: {  	[smem:$0x3FB0] =	sst s6  }
0xf: {  	[smem:$0x3FB1] =	sst s7  }
0x10: {  	[smem:$0x3FB2] =	sst s8  }
0x11: {  	[smem:$0x3FB3] =	sst s9;
	s0 =	simm.s32 @!p0 $0x0  }
0x12: {  	s1 =	sld [smem:$0x3F99];
	s0 =	simm.s32 @p0 $0x1  }
0x13: {  	[smem:$0x3FB4] =	sst s0;
	s0 =	simm.s32 @!p1 $0x0  }
0x14: {  	s2 =	sld [smem:$0x3F98];
	s0 =	simm.s32 @p1 $0x1  }
0x15: {  	[smem:$0x3FB5] =	sst s0;
	s0 =	simm.s32 @!p2 $0x0  }
0x16: {  	s3 =	sld [smem:$0x3FDB];
	s0 =	simm.s32 @p2 $0x1  }
0x17: {  	s4 =	simm.s32 $0x1BF5;
	[smem:$0x3FB7] =	sst s0  }
0x18: {  	s0 =	sld [smem:$0x3F9A];
	_ =	swait.ge [sflag:s4], $0x0  }
0x19: {  	s7 =	sld [smem:$0x3F9B]  }
0x1a: {  	s8 =	sadd.s32 $0xFFFFE003, lr  }
0x1b: {  	s9 =	sadd.s32 $0xFFFFFEF7, lr;
	s5 =	simm.s32 $0xFFFFFFFF;
	p2 =	slt.u32 s8, $0xFFFFF086  }
0x1c: {  	p1 =	slt.u32 s9, $0xF7A;
	s5 =	simm.s32 @!p2 $0x0  }
0x1d: {  	s5 =	simm.s32 @p1 $0x1;
	p0 =	seq.s32 s7, s2  }
0x1e: {  	s7 =	smul.u32 @!p0 $0xF7A, s2;
	p2 =	seq.s32 @!p0 s5, $0x0  }
0x1f: {  	s9 =	smul.u32 $0xF7A, s1;
	s8 =	simm.s32 @!p0 $0x1BF5;
	p2 =	por !p2, p0  }
0x20: {  	[sflag:s8] =	ssyncset.s32 @!p0 $0xFFFFF086;
	s6 =	sadd.s32 @!p0 s3, s7;
	s7 =	simm.s32 @!p0 $0x108  }
0x21: {  	s3 =	sadd.s32 s3, s9;
	s6 =	sadd.s32 @!p0 $0x88, s6;
	s7 =	simm.s32 @p2 $0x1082  }
0x22: {  	[simem:s7], [sflag:s8] =	dma.local @!p0 [hbm:s6], $0xF7A  }
0x23: {  	s9 =	sor.u32 $0xD0000000, s2;
	s6 =	simm.s32 $0x108;
	_ =	swait.ge @!p0 [sflag:s8], $0x0  }
0x24: {  	s3 =	sadd.s32 $0x88, s3;
	s6 =	simm.s32 @!p1 $0x1082;
	[sflag:s4] =	ssyncset.s32 $0xFFFFF086  }
0x25: {  	[simem:s6], [sflag:s4] =	dma.local [hbm:s3], $0xF7A  }
0x26: {  	[smem:$0x3F9B] =	sst s1;
	(tag) =	ssettag s2;
	_ =	strace s9  }
0x27: {  	s1 =	sld [smem:$0x3FAB]  }
0x28: {  	s2 =	sld [smem:$0x3FAC]  }
0x29: {  	s4 =	sld [smem:$0x3FAE]  }
0x2a: {  	p0 =	seq.s32 s5, $0x0;
	s5 =	sld [smem:$0x3FAF]  }
0x2b: {  	s6 =	sld [smem:$0x3FB0]  }
0x2c: {  	s7 =	sld [smem:$0x3FB1]  }
0x2d: {  	s3 =	simm.s32 $0x108;
	s8 =	sld [smem:$0x3FB2]  }
0x2e: {  	s3 =	simm.s32 @!p0 $0x1082;
	s9 =	sld [smem:$0x3FB3]  }
0x2f: {  	lr =	sadd.s32 s0, s3;
	s0 =	sld [smem:$0x3FAA]  }
0x30: {  	s3 =	sld [smem:$0x3FAD]  }
0x31: {  	[smem:$0x3FB6] =	sst s10  }
0x32: {  	s10 =	sld [smem:$0x3FB4];
	_ =	sdelay $0x3  }
0x33: {  	p0 =	seq.s32 s10, $0x1;
	s10 =	sld [smem:$0x3FB6];
	_ =	sdelay $0x3  }
0x34: {  	[smem:$0x3FB6] =	sst s10  }
0x35: {  	s10 =	sld [smem:$0x3FB5];
	_ =	sdelay $0x3  }
0x36: {  	p1 =	seq.s32 s10, $0x1;
	s10 =	sld [smem:$0x3FB6];
	_ =	sdelay $0x3  }
0x37: {  	[smem:$0x3FB6] =	sst s10  }
0x38: {  	s10 =	sld [smem:$0x3FB7]  }
0x39: {  	_ = 	snop;
	(pc) =	sbr.ind lr, $3  }
0x3a: {  	_ = 	snop  }
0x3b: {  	_ = 	snop  }
0x3c: {  	p2 =	seq.s32 s10, $0x1;
	s10 =	sld [smem:$0x3FB6]  }
0x3d: {  	_ =	shalt  }
0x3e: {  	_ =	shalt  }
0x3f: {  	_ =	shalt  }
0x40: {  	_ =	shalt  }
0x41: {  	_ =	shalt  }
0x42: {  	_ =	shalt  }
0x43: {  	_ =	shalt  }
0x44: {  	_ =	shalt  }
0x45: {  	_ =	shalt  }
0x46: {  	_ =	shalt  }
0x47: {  	_ =	shalt  }
0x48: {  	_ =	shalt  }
0x49: {  	_ =	shalt  }
0x4a: {  	_ =	shalt  }
0x4b: {  	_ =	shalt  }
0x4c: {  	_ =	shalt  }
0x4d: {  	_ =	shalt  }
0x4e: {  	_ =	shalt  }
0x4f: {  	_ =	shalt  }
0x50: {  	_ =	shalt  }
0x51: {  	_ =	shalt  }
0x52: {  	_ =	shalt  }
0x53: {  	_ =	shalt  }
0x54: {  	_ =	shalt  }
0x55: {  	_ =	shalt  }
0x56: {  	_ =	shalt  }
0x57: {  	_ =	shalt  }
0x58: {  	_ =	shalt  }
0x59: {  	_ =	shalt  }
0x5a: {  	_ =	shalt  }
0x5b: {  	_ =	shalt  }
0x5c: {  	_ =	shalt  }
0x5d: {  	_ =	shalt  }
0x5e: {  	_ =	shalt  }
0x5f: {  	_ =	shalt  }
0x60: {  	_ =	shalt  }
0x61: {  	_ =	shalt  }
0x62: {  	_ =	shalt  }
0x63: {  	_ =	shalt  }
0x64: {  	_ =	shalt  }
0x65: {  	_ =	shalt  }
0x66: {  	_ =	shalt  }
0x67: {  	_ =	shalt  }
0x68: {  	_ =	shalt  }
0x69: {  	_ =	shalt  }
0x6a: {  	_ =	shalt  }
0x6b: {  	_ =	shalt  }
0x6c: {  	_ =	shalt  }
0x6d: {  	_ =	shalt  }
0x6e: {  	_ =	shalt  }
0x6f: {  	_ =	shalt  }
0x70: {  	_ =	shalt  }
0x71: {  	_ =	shalt  }
0x72: {  	_ =	shalt  }
0x73: {  	_ =	shalt  }
0x74: {  	_ =	shalt  }
0x75: {  	_ =	shalt  }
0x76: {  	_ =	shalt  }
0x77: {  	_ =	shalt  }
0x78: {  	_ =	shalt  }
0x79: {  	_ =	shalt  }
0x7a: {  	_ =	shalt  }
0x7b: {  	_ =	shalt  }
0x7c: {  	_ =	shalt  }
0x7d: {  	_ =	shalt  }
0x7e: {  	_ =	shalt  }
0x7f: {  	_ =	shalt  }
0x80: {  	_ =	shalt  }
0x81: {  	_ =	shalt  }
0x82: {  	_ =	shalt  }
0x83: {  	_ =	shalt  }
0x84: {  	_ =	shalt  }
0x85: {  	_ =	shalt  }
0x86: {  	_ =	shalt  }
0x87: {  	_ =	shalt  }
.Lfunc_end0:
.L_simem_size_0:
called_computation_lowered:
.L_overlay_start_0:
0x88: {  	s2 =	sld [smem:$0x3FD9]  }
0x89: {  	s3 =	sld [smem:$0x3FFE];
	_ =	sdelay $0x1  }
0x8a: {  	s1 =	srdreg.scid  }
0x8b: {  	s0 =	sand.u32 $0x1, s1  }
0x8c: {  	s14 =	sshll.u32 s0, $0xA;
	s2 =	sadd.s32 s3, s2  }
0x8d: {  	s2 =	sadd.s32 s2, s14  }
0x8e: {  	[smem:$0x3FC2] =	sst s2  }
0x8f: {  	_ = 	snop  }
0x90: {  	s2 =	sld [smem:$0x3FD0];
	_ =	sdelay $0x2  }
0x91: {  	s15 =	simm.s32 $0xA;
	s4 =	simm.s32 $0x10  }
0x92: {  	[smem:s4], [sflag:s15] =	dma.local [hbm:s2], $0x1  }
0x93: {  	_ =	swait.eq [sflag:s15], $0x1  }
0x94: {  	[sflag:s15] =	ssyncset.done $0x0  }
0x95: {  	s16 =	sld [smem:$0x10];
	[sflag:s15] =	ssyncadd.s32 $0xFFFFFFFF  }
0x96: {  	s17 =	sld [smem:$0x11];
	(tm) =	ssettm $0x1  }
0x97: {  	s18 =	sld [smem:$0x3FFB];
	_ =	sdelay $0x3  }
0x98: {  	_ =	strace s18  }
0x99: {  	s4 =	sld [smem:$0x3FFC];
	_ =	sdelay $0x3  }
0x9a: {  	_ =	strace s4  }
0x9b: {  	s4 =	sld [smem:$0x3FFD];
	_ =	sdelay $0x3  }
0x9c: {  	_ =	strace s4  }
0x9d: {  	_ =	strace $0x8FFFFFFF  }
0x9e: {  	s19 =	sld [smem:$0x3FDB];
	_ =	sdelay $0x1  }
0x9f: {  	s5 =	simm.s32 $_scs_section_size  }
0xa0: {  	s6 =	simm.s32 $_size__tile_overlayer_lowered;
	s7 =	simm.s32 $_tile_overlayer_lowered  }
0xa1: {  	s22 =	simm.s32 $0x1BFF;
	s21 =	sshll.u32 s7, $0x1;
	s4 =	sadd.s32 s5, s19  }
0xa2: {  	s8 =	simm.s32 $0x0;
	s20 =	sshll.u32 s6, $0x1;
	s6 =	sadd.s32 s21, s4  }
0xa3: {  	[timem:s8], [sflag:s22] =	dma.local [hbm:s6], s20  }
0xa4: {  	_ =	swait.ge [sflag:s22], s20  }
0xa5: {  	s5 =	ssub.s32 $0x0, s20;
	[sflag:s22] =	ssyncset.done $0x0  }
0xa6: {  	[sflag:s22] =	ssyncadd.s32 s5;
	_ =	sdelay $0x1  }
0xa7: {  	s23 =	simm.s32 $0x1B8B  }
0xa8: {  	_ =	swait.ge [sflag:s23], $0x1  }
0xa9: {  	[sflag:s23] =	ssyncset.done $0x0  }
0xaa: {  	s25 =	simm.s32 $0x1B8E;
	s24 =	sld [smem:$0x3FFE];
	[sflag:s23] =	ssyncadd.s32 $0xFFFFFFFF  }
0xab: {  	s26 =	simm.s32 $execute0_lowered;
	[smem:$0x3FD2] =	sst s25  }
0xac: {  	s6 =	sshll.u32 s26, $0x1;
	_ =	strace $0x80000046;
	[dreg:$0x1] =	wrdreg $0xFFFFFFFF  }
0xad: {  	s28 =	simm.s32 $_size_execute0_lowered;
	s4 =	sadd.s32 s4, s6;
	[dreg:$0x0] =	wrdreg $0x0  }
0xae: {  	s6 =	sshll.u32 s28, $0x1;
	[dreg:$0x2] =	wrdreg s4  }
0xaf: {  	[dreg:$0x3] =	wrdreg s6  }
0xb0: {  	[dreg:$0x4] =	wrdreg $0xC0  }
0xb1: {  	_ =	task [dreg:s8], $0x5FFFF  }
0xb2: {  	[dreg:$0x1] =	wrdreg $0xFFFFFFFF  }
0xb3: {  	[dreg:$0x0] =	wrdreg $0x60  }
0xb4: {  	[dreg:$0x2] =	wrdreg s24  }
0xb5: {  	[dreg:$0x3] =	wrdreg s16  }
0xb6: {  	[dreg:$0x4] =	wrdreg s17  }
0xb7: {  	[dreg:$0x5] =	wrdreg $0x40800  }
0xb8: {  	[dreg:$0x6] =	wrdreg $0x9  }
0xb9: {  	_ =	task.clear_ibuf [dreg:s8], $0x7FFFF;
	_ =	strace $0x90000046  }
0xba: {  	s29 =	simm.s32 $0x9;
	_ =	strace $0x80000048  }
0xbb: {  	_ =	swait.ge [sflag:s29], $0x1  }
0xbc: {  	[sflag:s29] =	ssyncadd.s32 $0xFFFFFFFF  }
0xbd: {  	_ =	strace $0x90000048  }
0xbe: {  	_ =	sfence  }
0xbf: {  	s30 =	sld [smem:$0x0];
	_ =	sdelay $0x2  }
0xc0: {  	s31 =	sshll.u32 s1, $0xD;
	s1 =	sshrl.u32 s1, $0x2  }
0xc1: {  	s3 =	sand.u32 $0x4000, s31;
	s1 =	sadd.s32 s1, s30  }
0xc2: {  	s0 =	sor.u32 s3, s0;
	s1 =	sshll.u32 s1, $0x11  }
0xc3: {  	s0 =	sor.u32 s1, s0  }
0xc4: {  	s0 =	sadd.s32 $0x8F2B, s0  }
0xc5: {  	[sflag:s0] =	ssyncadd.remote.s32 $0x1  }
0xc6: {  	_ =	sfence.sel $0xFFFF  }
0xc7: {  	[dreg:$0x0] =	wrdreg $0xFFFFFFFF;
	(pc) =	sbr.abs _section_cstart, $3  }
0xc8: {  	[dreg:$0x1] =	wrdreg $0xFFFFFFFF  }
0xc9: {  	_ =	task.clear_ibuf [dreg:s8], $0x2FFFF;
	_ =	strace $0x9FFFFFFF  }
0xca: {  	(tm) =	ssettm $0x7FFFFFFF  }
0xcb: {  	_ =	shalt  }
tec
execute0_lowered:
.L_overlay_start_1:
0x0: {  	(tag) =	ssettag $0x1  }
0x1: {  	s4 =	rddreg [dreg:$0x0]  }
0x2: {  	s5 =	rddreg [dreg:$0x1]  }
0x3: {  	s8 =	rddreg [dreg:$0x2]  }
0x4: {  	s1 =	rddreg [dreg:$0x3]  }
0x5: {  	s0 =	rddreg [dreg:$0x4];
	s2 =	simm.s32 $0x0  }
0x6: {  	s3 =	srdreg.scid;
	s13 =	simm.s32 $0x50;
	s14 =	simm.s32 $0x0  }
0x7: {  	[smem:$0x7FF] =	sst s2;
	s6 =	sand.u32 $0x1, s3;
	s3 =	stileid.u32  }
0x8: {  	_ =	strace $0x80000047;
	s7 =	sshll.u32 s6, $0xB;
	s10 =	smul.u32 $0x280, s3  }
0x9: {  	s9 =	ssub.s32 $0x2, s6;
	s6 =	smul.u32 $0x2800, s6;
	s29 =	sshll.u32 s3, $0xC  }
0xa: {  	s30 =	sshll.u32 s3, $0x6;
	s7 =	sadd.s32 s7, s4;
	s11 =	sshrl.u32 s9, $0x1  }
0xb: {  	s4 =	sadd.s32 $0x21A00, s4;
	s9 =	ssub.s32 s9, s11;
	s28 =	sadd.s32 s10, s1  }
0xc: {  	s12 =	sshrl.u32 s10, $0x3;
	s6 =	sadd.s32 s10, s6;
	s7 =	sadd.s32 s29, s7  }
0xd: {  	s11 =	simm.s32 $0x1;
	s5 =	sadd.s32 s5, s12;
	s31 =	sshrl.u32 s6, $0x3  }
0xe: {  	s6 =	sor.u32 $0x1C01, s30;
	s7 =	sadd.s32 $0x11A00, s7;
	s9 =	smax.u32 s9, $0x1  }
0xf: {  	s10 =	sshrl.u32 s28, $0x3;
	s12 =	simm.s32 $0x4000;
	s8 =	sadd.s32 s8, s31  }
.LBB2_1:
0x10: {  	[spmem:s10], [sflag:s6] =	dma.local [hbm:s5], $0x50  }
0x11: {  	_ =	swait.ge [sflag:s11], $0x50  }
0x12: {  	[sflag:s11] =	ssyncset.done $0x0  }
0x13: {  	[sflag:s11] =	ssyncadd.s32 $0xFFFFFFB0  }
0x14: {  	[tilespmem:s2], [sflag:$0x1] =	stream.linear.gather [hbm4b:s7+s2], $0x3E80, $0x38;
	[tilespmem:$0x4300] =	vst v63  }
0x15: {  	_ =	swait.ge [sflag:s11], $0x3E80  }
0x16: {  	[sflag:s11] =	ssyncset.done $0x0  }
0x17: {  	[sflag:s11] =	ssyncadd.s32 $0xFFFFC180  }
0x18: {  	[tilespmem:s12], [sflag:$0x1] =	stream.linear.gather [hbm4b:s4+s2], $0x80, $0x38;
	[tilespmem:$0x4300] =	vst v63  }
0x19: {  	_ =	swait.ge [sflag:s11], $0x80  }
0x1a: {  	[sflag:s11] =	ssyncset.done $0x0  }
0x1b: {  	[sflag:s11] =	ssyncadd.s32 $0xFFFFFF80  }
0x1c: {  	s15 =	simm.s32 $0x0;
	[bflag:$0x0] =	sbarrier.arrive $0xFFFF  }
0x1d: {  	[spmem:s1] =	stream.indirect.scatter.add.f32 [tilespmem:s12], [sflag:$0x1], $0x1, s15, s13, $0xb8;
	[tilespmem:$0x4300] =	vst v63  }
0x1e: {  	_ =	swait.ge [sflag:s11], $0x50  }
0x1f: {  	s15 =	simm.s32 $0x200;
	[sflag:s11] =	ssyncset.done $0x0  }
.LBB2_2:
0x20: {  	s16 =	sshra.s32 s15, $0x2;
	[sflag:s11] =	ssyncadd.s32 $0xFFFFFFB0;
	p0 =	sne.s32 s15, $0xF800  }
0x21: {  	[spmem:s1] =	stream.indirect.scatter.add.f32 [tilespmem:s12], [sflag:$0x1], $0x1, s16, s13, $0xb8;
	[tilespmem:$0x4300] =	vst v63  }
.Ltmp0:
0x22: {  	_ = 	snop;
	(pc) =	sbr.rel @p0 .LBB2_2-.Ltmp0, $4  }
0x23: {  	_ = 	snop  }
0x24: {  	s15 =	sadd.s32 $0x200, s15  }
0x25: {  	_ =	swait.ge [sflag:s11], $0x50  }
0x26: {  	[sflag:s11] =	ssyncset.done $0x0  }
0x27: {  	s14 =	sadd.s32 $0x1, s14  }
0x28: {  	[sflag:s11] =	ssyncadd.s32 $0xFFFFFFB0;
	p0 =	sne.s32 s14, s9  }
.Ltmp1:
0x29: {  	[bflag:$0x0] =	sbarrier.arrive $0xFFFF;
	(pc) =	sbr.rel @p0 .LBB2_1-.Ltmp1, $4  }
0x2a: {  	[hbm:s8], [sflag:s6] =	dma.local [spmem:s10], $0x50  }
0x2b: {  	_ =	swait.ge [sflag:s11], $0x50  }
0x2c: {  	[sflag:s11] =	ssyncset.done $0x0  }
0x2d: {  	[sflag:s11] =	ssyncadd.s32 $0xFFFFFFB0  }
0x2e: {  	_ =	sfence.sel $0x180000  }
0x2f: {  	[bflag:$0x0] =	sbarrier.arrive $0xFFFF  }
0x30: {  	p0 =	sne.s32 s3, $0x0;
	_ =	strace $0x90000047  }
0x31: {  	s0 =	sadd.s32 @!p0 $0x100000, s0;
	[bflag:$0x2] =	sbarrier.arrive $0xFFFF  }
0x32: {  	[sflag:s0] =	ssyncadd.tile.s32 @!p0 $0x1;
	_ =	shalt  }
.Lfunc_end2:
_tile_overlayer_lowered:
.L_overlay_start_2:
0x33: {  	(tag) =	ssettag $0x2  }
0x34: {  	s0 =	rddreg [dreg:$0x0];
	s2 =	stileid.u32  }
0x35: {  	s1 =	rddreg [dreg:$0x1];
	p0 =	sne.s32 s2, $0x0  }
0x36: {  	s3 =	rddreg [dreg:$0x2];
	[bflag:$0x3] =	sbarrier.arrive $0xFFFF;
	s2 =	simm.s32 @!p0 $0x1C01  }
0x37: {  	[timem:s3], [sflag:s2] =	dma.local @!p0 [hbm:s0], s1  }
0x38: {  	s0 =	simm.s32 @!p0 $0x1  }
0x39: {  	_ =	swait.ge @!p0 [sflag:s0], s1  }
0x3a: {  	s1 =	ssub.s32 @!p0 $0x0, s1;
	[sflag:s0] =	ssyncset.done @!p0 $0x0  }
0x3b: {  	[sflag:s0] =	ssyncadd.s32 @!p0 s1  }
0x3c: {  	[bflag:$0x3] =	sbarrier.arrive $0xFFFF  }
0x3d: {  	_ =	shalt  }

// kernel: kernel.9.cloned.1.call-start
scs
__scs_entry_jumppad:
0x0: {  	(pc) =	sbr.rel $0x88, $3  }
0x1: {  	(tag) =	ssettag $0x0;
	lr =	simm.s32 $0x1  }
0x2: {  	[smem:$0x3F9B] =	sst lr;
	_ =	strace $0xD0000000  }
0x3: {  	_ = 	snop  }
0x4: {  	_ = 	snop  }
0x5: {  	_ = 	snop  }
0x6: {  	_ = 	snop  }
0x7: {  	_ = 	snop  }
__scs_overlays_trampoline_lowered:
0x8: {  	[smem:$0x3FAA] =	sst s0  }
0x9: {  	[smem:$0x3FAB] =	sst s1  }
0xa: {  	[smem:$0x3FAC] =	sst s2  }
0xb: {  	[smem:$0x3FAD] =	sst s3  }
0xc: {  	[smem:$0x3FAE] =	sst s4  }
0xd: {  	[smem:$0x3FAF] =	sst s5  }
0xe: {  	[smem:$0x3FB0] =	sst s6  }
0xf: {  	[smem:$0x3FB1] =	sst s7  }
0x10: {  	[smem:$0x3FB2] =	sst s8  }
0x11: {  	[smem:$0x3FB3] =	sst s9;
	s0 =	simm.s32 @!p0 $0x0  }
0x12: {  	s1 =	sld [smem:$0x3F99];
	s0 =	simm.s32 @p0 $0x1  }
0x13: {  	[smem:$0x3FB4] =	sst s0;
	s0 =	simm.s32 @!p1 $0x0  }
0x14: {  	s2 =	sld [smem:$0x3F98];
	s0 =	simm.s32 @p1 $0x1  }
0x15: {  	[smem:$0x3FB5] =	sst s0;
	s0 =	simm.s32 @!p2 $0x0  }
0x16: {  	s3 =	sld [smem:$0x3FDB];
	s0 =	simm.s32 @p2 $0x1  }
0x17: {  	s4 =	simm.s32 $0x1BF5;
	[smem:$0x3FB7] =	sst s0  }
0x18: {  	s0 =	sld [smem:$0x3F9A];
	_ =	swait.ge [sflag:s4], $0x0  }
0x19: {  	s7 =	sld [smem:$0x3F9B]  }
0x1a: {  	s8 =	sadd.s32 $0xFFFFE003, lr  }
0x1b: {  	s9 =	sadd.s32 $0xFFFFFEF7, lr;
	s5 =	simm.s32 $0xFFFFFFFF;
	p2 =	slt.u32 s8, $0xFFFFF086  }
0x1c: {  	p1 =	slt.u32 s9, $0xF7A;
	s5 =	simm.s32 @!p2 $0x0  }
0x1d: {  	s5 =	simm.s32 @p1 $0x1;
	p0 =	seq.s32 s7, s2  }
0x1e: {  	s7 =	smul.u32 @!p0 $0xF7A, s2;
	p2 =	seq.s32 @!p0 s5, $0x0  }
0x1f: {  	s9 =	smul.u32 $0xF7A, s1;
	s8 =	simm.s32 @!p0 $0x1BF5;
	p2 =	por !p2, p0  }
0x20: {  	[sflag:s8] =	ssyncset.s32 @!p0 $0xFFFFF086;
	s6 =	sadd.s32 @!p0 s3, s7;
	s7 =	simm.s32 @!p0 $0x108  }
0x21: {  	s3 =	sadd.s32 s3, s9;
	s6 =	sadd.s32 @!p0 $0x88, s6;
	s7 =	simm.s32 @p2 $0x1082  }
0x22: {  	[simem:s7], [sflag:s8] =	dma.local @!p0 [hbm:s6], $0xF7A  }
0x23: {  	s9 =	sor.u32 $0xD0000000, s2;
	s6 =	simm.s32 $0x108;
	_ =	swait.ge @!p0 [sflag:s8], $0x0  }
0x24: {  	s3 =	sadd.s32 $0x88, s3;
	s6 =	simm.s32 @!p1 $0x1082;
	[sflag:s4] =	ssyncset.s32 $0xFFFFF086  }
0x25: {  	[simem:s6], [sflag:s4] =	dma.local [hbm:s3], $0xF7A  }
0x26: {  	[smem:$0x3F9B] =	sst s1;
	(tag) =	ssettag s2;
	_ =	strace s9  }
0x27: {  	s1 =	sld [smem:$0x3FAB]  }
0x28: {  	s2 =	sld [smem:$0x3FAC]  }
0x29: {  	s4 =	sld [smem:$0x3FAE]  }
0x2a: {  	p0 =	seq.s32 s5, $0x0;
	s5 =	sld [smem:$0x3FAF]  }
0x2b: {  	s6 =	sld [smem:$0x3FB0]  }
0x2c: {  	s7 =	sld [smem:$0x3FB1]  }
0x2d: {  	s3 =	simm.s32 $0x108;
	s8 =	sld [smem:$0x3FB2]  }
0x2e: {  	s3 =	simm.s32 @!p0 $0x1082;
	s9 =	sld [smem:$0x3FB3]  }
0x2f: {  	lr =	sadd.s32 s0, s3;
	s0 =	sld [smem:$0x3FAA]  }
0x30: {  	s3 =	sld [smem:$0x3FAD]  }
0x31: {  	[smem:$0x3FB6] =	sst s10  }
0x32: {  	s10 =	sld [smem:$0x3FB4];
	_ =	sdelay $0x3  }
0x33: {  	p0 =	seq.s32 s10, $0x1;
	s10 =	sld [smem:$0x3FB6];
	_ =	sdelay $0x3  }
0x34: {  	[smem:$0x3FB6] =	sst s10  }
0x35: {  	s10 =	sld [smem:$0x3FB5];
	_ =	sdelay $0x3  }
0x36: {  	p1 =	seq.s32 s10, $0x1;
	s10 =	sld [smem:$0x3FB6];
	_ =	sdelay $0x3  }
0x37: {  	[smem:$0x3FB6] =	sst s10  }
0x38: {  	s10 =	sld [smem:$0x3FB7]  }
0x39: {  	_ = 	snop;
	(pc) =	sbr.ind lr, $3  }
0x3a: {  	_ = 	snop  }
0x3b: {  	_ = 	snop  }
0x3c: {  	p2 =	seq.s32 s10, $0x1;
	s10 =	sld [smem:$0x3FB6]  }
0x3d: {  	_ =	shalt  }
0x3e: {  	_ =	shalt  }
0x3f: {  	_ =	shalt  }
0x40: {  	_ =	shalt  }
0x41: {  	_ =	shalt  }
0x42: {  	_ =	shalt  }
0x43: {  	_ =	shalt  }
0x44: {  	_ =	shalt  }
0x45: {  	_ =	shalt  }
0x46: {  	_ =	shalt  }
0x47: {  	_ =	shalt  }
0x48: {  	_ =	shalt  }
0x49: {  	_ =	shalt  }
0x4a: {  	_ =	shalt  }
0x4b: {  	_ =	shalt  }
0x4c: {  	_ =	shalt  }
0x4d: {  	_ =	shalt  }
0x4e: {  	_ =	shalt  }
0x4f: {  	_ =	shalt  }
0x50: {  	_ =	shalt  }
0x51: {  	_ =	shalt  }
0x52: {  	_ =	shalt  }
0x53: {  	_ =	shalt  }
0x54: {  	_ =	shalt  }
0x55: {  	_ =	shalt  }
0x56: {  	_ =	shalt  }
0x57: {  	_ =	shalt  }
0x58: {  	_ =	shalt  }
0x59: {  	_ =	shalt  }
0x5a: {  	_ =	shalt  }
0x5b: {  	_ =	shalt  }
0x5c: {  	_ =	shalt  }
0x5d: {  	_ =	shalt  }
0x5e: {  	_ =	shalt  }
0x5f: {  	_ =	shalt  }
0x60: {  	_ =	shalt  }
0x61: {  	_ =	shalt  }
0x62: {  	_ =	shalt  }
0x63: {  	_ =	shalt  }
0x64: {  	_ =	shalt  }
0x65: {  	_ =	shalt  }
0x66: {  	_ =	shalt  }
0x67: {  	_ =	shalt  }
0x68: {  	_ =	shalt  }
0x69: {  	_ =	shalt  }
0x6a: {  	_ =	shalt  }
0x6b: {  	_ =	shalt  }
0x6c: {  	_ =	shalt  }
0x6d: {  	_ =	shalt  }
0x6e: {  	_ =	shalt  }
0x6f: {  	_ =	shalt  }
0x70: {  	_ =	shalt  }
0x71: {  	_ =	shalt  }
0x72: {  	_ =	shalt  }
0x73: {  	_ =	shalt  }
0x74: {  	_ =	shalt  }
0x75: {  	_ =	shalt  }
0x76: {  	_ =	shalt  }
0x77: {  	_ =	shalt  }
0x78: {  	_ =	shalt  }
0x79: {  	_ =	shalt  }
0x7a: {  	_ =	shalt  }
0x7b: {  	_ =	shalt  }
0x7c: {  	_ =	shalt  }
0x7d: {  	_ =	shalt  }
0x7e: {  	_ =	shalt  }
0x7f: {  	_ =	shalt  }
0x80: {  	_ =	shalt  }
0x81: {  	_ =	shalt  }
0x82: {  	_ =	shalt  }
0x83: {  	_ =	shalt  }
0x84: {  	_ =	shalt  }
0x85: {  	_ =	shalt  }
0x86: {  	_ =	shalt  }
0x87: {  	_ =	shalt  }
.Lfunc_end0:
.L_simem_size_0:
called_computation.1_lowered:
.L_overlay_start_0:
0x88: {  	s2 =	sld [smem:$0x3FD9]  }
0x89: {  	s3 =	sld [smem:$0x3FFE];
	_ =	sdelay $0x1  }
0x8a: {  	s1 =	srdreg.scid  }
0x8b: {  	s0 =	sand.u32 $0x1, s1  }
0x8c: {  	s14 =	sshll.u32 s0, $0xA;
	s2 =	sadd.s32 s3, s2  }
0x8d: {  	s2 =	sadd.s32 s2, s14  }
0x8e: {  	[smem:$0x3FC2] =	sst s2  }
0x8f: {  	_ = 	snop  }
0x90: {  	s2 =	sld [smem:$0x3FD0];
	_ =	sdelay $0x2  }
0x91: {  	s15 =	simm.s32 $0xA;
	s4 =	simm.s32 $0x10  }
0x92: {  	[smem:s4], [sflag:s15] =	dma.local [hbm:s2], $0x1  }
0x93: {  	_ =	swait.eq [sflag:s15], $0x1  }
0x94: {  	[sflag:s15] =	ssyncset.done $0x0  }
0x95: {  	s16 =	sld [smem:$0x10];
	[sflag:s15] =	ssyncadd.s32 $0xFFFFFFFF  }
0x96: {  	s17 =	sld [smem:$0x11];
	(tm) =	ssettm $0x1  }
0x97: {  	s18 =	sld [smem:$0x3FFB];
	_ =	sdelay $0x3  }
0x98: {  	_ =	strace s18  }
0x99: {  	s4 =	sld [smem:$0x3FFC];
	_ =	sdelay $0x3  }
0x9a: {  	_ =	strace s4  }
0x9b: {  	s4 =	sld [smem:$0x3FFD];
	_ =	sdelay $0x3  }
0x9c: {  	_ =	strace s4  }
0x9d: {  	_ =	strace $0x8FFFFFFF  }
0x9e: {  	s19 =	sld [smem:$0x3FDB];
	_ =	sdelay $0x1  }
0x9f: {  	s5 =	simm.s32 $_scs_section_size  }
0xa0: {  	s6 =	simm.s32 $_size__tile_overlayer_lowered;
	s7 =	simm.s32 $_tile_overlayer_lowered  }
0xa1: {  	s22 =	simm.s32 $0x1BFF;
	s21 =	sshll.u32 s7, $0x1;
	s4 =	sadd.s32 s5, s19  }
0xa2: {  	s8 =	simm.s32 $0x0;
	s20 =	sshll.u32 s6, $0x1;
	s6 =	sadd.s32 s21, s4  }
0xa3: {  	[timem:s8], [sflag:s22] =	dma.local [hbm:s6], s20  }
0xa4: {  	_ =	swait.ge [sflag:s22], s20  }
0xa5: {  	s5 =	ssub.s32 $0x0, s20;
	[sflag:s22] =	ssyncset.done $0x0  }
0xa6: {  	[sflag:s22] =	ssyncadd.s32 s5;
	_ =	sdelay $0x1  }
0xa7: {  	s23 =	simm.s32 $0x1B8B  }
0xa8: {  	_ =	swait.ge [sflag:s23], $0x1  }
0xa9: {  	[sflag:s23] =	ssyncset.done $0x0  }
0xaa: {  	s25 =	simm.s32 $0x1B8E;
	s24 =	sld [smem:$0x3FFE];
	[sflag:s23] =	ssyncadd.s32 $0xFFFFFFFF  }
0xab: {  	s26 =	simm.s32 $execute0_lowered;
	[smem:$0x3FD2] =	sst s25  }
0xac: {  	s6 =	sshll.u32 s26, $0x1;
	_ =	strace $0x80000049;
	[dreg:$0x1] =	wrdreg $0xFFFFFFFF  }
0xad: {  	s28 =	simm.s32 $_size_execute0_lowered;
	s4 =	sadd.s32 s4, s6;
	[dreg:$0x0] =	wrdreg $0x0  }
0xae: {  	s6 =	sshll.u32 s28, $0x1;
	[dreg:$0x2] =	wrdreg s4  }
0xaf: {  	[dreg:$0x3] =	wrdreg s6  }
0xb0: {  	[dreg:$0x4] =	wrdreg $0xC0  }
0xb1: {  	_ =	task [dreg:s8], $0x5FFFF  }
0xb2: {  	[dreg:$0x1] =	wrdreg $0xFFFFFFFF  }
0xb3: {  	[dreg:$0x0] =	wrdreg $0x60  }
0xb4: {  	[dreg:$0x2] =	wrdreg s24  }
0xb5: {  	[dreg:$0x3] =	wrdreg s17  }
0xb6: {  	[dreg:$0x4] =	wrdreg s16  }
0xb7: {  	[dreg:$0x5] =	wrdreg $0x98000  }
0xb8: {  	[dreg:$0x6] =	wrdreg $0x9  }
0xb9: {  	_ =	task.clear_ibuf [dreg:s8], $0x7FFFF;
	_ =	strace $0x90000049  }
0xba: {  	s29 =	simm.s32 $0x9;
	_ =	strace $0x8000004B  }
0xbb: {  	_ =	swait.ge [sflag:s29], $0x1  }
0xbc: {  	[sflag:s29] =	ssyncadd.s32 $0xFFFFFFFF  }
0xbd: {  	_ =	strace $0x9000004B  }
0xbe: {  	_ =	sfence  }
0xbf: {  	s30 =	sld [smem:$0x0];
	_ =	sdelay $0x2  }
0xc0: {  	s31 =	sshll.u32 s1, $0xD;
	s1 =	sshrl.u32 s1, $0x2  }
0xc1: {  	s3 =	sand.u32 $0x4000, s31;
	s1 =	sadd.s32 s1, s30  }
0xc2: {  	s0 =	sor.u32 s3, s0;
	s1 =	sshll.u32 s1, $0x11  }
0xc3: {  	s0 =	sor.u32 s1, s0  }
0xc4: {  	s0 =	sadd.s32 $0x8F2B, s0  }
0xc5: {  	[sflag:s0] =	ssyncadd.remote.s32 $0x1  }
0xc6: {  	_ =	sfence.sel $0xFFFF  }
0xc7: {  	[dreg:$0x0] =	wrdreg $0xFFFFFFFF;
	(pc) =	sbr.abs _section_cstart, $3  }
0xc8: {  	[dreg:$0x1] =	wrdreg $0xFFFFFFFF  }
0xc9: {  	_ =	task.clear_ibuf [dreg:s8], $0x2FFFF;
	_ =	strace $0x9FFFFFFF  }
0xca: {  	(tm) =	ssettm $0x7FFFFFFF  }
0xcb: {  	_ =	shalt  }
tec
execute0_lowered:
.L_overlay_start_1:
0x0: {  	(tag) =	ssettag $0x1  }
0x1: {  	s0 =	rddreg [dreg:$0x0]  }
0x2: {  	s1 =	rddreg [dreg:$0x1]  }
0x3: {  	s2 =	rddreg [dreg:$0x2]  }
0x4: {  	s3 =	rddreg [dreg:$0x3];
	s4 =	simm.s32 $0x0;
	s5 =	srdreg.scid  }
0x5: {  	s11 =	stileid.u32;
	s28 =	simm.s32 $0x2;
	s29 =	simm.s32 $0x3  }
0x6: {  	s30 =	simm.s32 $0x1D80;
	s31 =	simm.s32 $0xF00;
	[smem:$0x7FF] =	sst s4  }
0x7: {  	s5 =	sand.u32 $0x1, s5;
	s6 =	smul.u32 $0x2700, s11;
	s7 =	sshll.u32 s11, $0xC  }
0x8: {  	s16 =	smul.u32 $0x4E000, s11;
	s26 =	sshll.u32 s11, $0x6;
	s8 =	sshll.u32 s5, $0xB  }
0x9: {  	s9 =	smul.u32 $0x27100, s5;
	_ =	strace $0x8000004A;
	s10 =	ssub.s32 $0x2, s5  }
0xa: {  	p0 =	seq.s32 s5, $0x0;
	s5 =	simm.s32 $0x1E80;
	s7 =	sor.u32 s8, s7  }
0xb: {  	s17 =	sshrl.u32 s10, $0x1;
	s8 =	sshrl.u32 s16, $0x2;
	s2 =	smov.u32 @p0 s1  }
0xc: {  	s16 =	sor.u32 $0x1C04, s26;
	s26 =	simm.s32 $0x1;
	s7 =	sadd.s32 s7, s0  }
0xd: {  	s9 =	sadd.s32 s6, s9;
	s18 =	sadd.s32 s8, s3;
	s15 =	sadd.s32 s2, s6  }
0xe: {  	s2 =	simm.s32 $0xF80;
	s6 =	simm.s32 $0x1F00;
	s19 =	sadd.s32 $0x1A00, s7  }
0xf: {  	s8 =	simm.s32 $0x0;
	s20 =	sadd.s32 $0x11A00, s7;
	[dreg:$0x5] =	wrdreg s19  }
0x10: {  	s0 =	sadd.s32 s9, s0;
	s21 =	sadd.s32 $0x1C00, s7;
	[dreg:$0x6] =	wrdreg s20  }
0x11: {  	s9 =	ssub.s32 s10, s17;
	s22 =	sadd.s32 $0x11C00, s7;
	[dreg:$0x7] =	wrdreg s21  }
0x12: {  	s23 =	sadd.s32 $0x1E00, s7;
	s24 =	sadd.s32 $0x11E00, s7;
	[dreg:$0x8] =	wrdreg s22  }
0x13: {  	s25 =	sadd.s32 $0x2000, s7;
	s12 =	sadd.s32 $0x12000, s7;
	[dreg:$0x9] =	wrdreg s23  }
0x14: {  	s17 =	sshrl.u32 s18, $0x3;
	s18 =	simm.s32 $0x4;
	[dreg:$0xa] =	wrdreg s24  }
0x15: {  	s7 =	simm.s32 $0x1F80;
	[dreg:$0xb] =	wrdreg s25;
	s13 =	sadd.s32 $0x21A00, s0  }
0x16: {  	s14 =	smax.u32 s9, $0x1;
	s19 =	simm.s32 $0x1000;
	s20 =	simm.s32 $0x50  }
0x17: {  	s21 =	simm.s32 $0x2000;
	s22 =	simm.s32 $0x80;
	s23 =	simm.s32 $0x4800  }
0x18: {  	s24 =	simm.s32 $0x100;
	s25 =	simm.s32 $0x7000;
	s0 =	simm.s32 $0x1E00  }
.LBB2_1:
0x19: {  	[spmem:s17], [sflag:s16] =	dma.local [hbm:s15], $0x2800  }
0x1a: {  	_ =	swait.ge [sflag:s18], $0x2800  }
0x1b: {  	[sflag:s18] =	ssyncset.done $0x0  }
0x1c: {  	[sflag:s18] =	ssyncadd.s32 $0xFFFFD800  }
0x1d: {  	[bflag:$0x0] =	sbarrier.arrive $0xFFFF  }
0x1e: {  	s9 =	rddreg [dreg:$0x5]  }
0x1f: {  	[tilespmem:s4], [sflag:$0x4] =	stream.linear.gather [hbm4b:s9+s4], $0x1000, $0x38;
	[tilespmem:$0x1D080] =	vst v63  }
0x20: {  	_ =	swait.ge [sflag:s18], $0x1000  }
0x21: {  	[sflag:s18] =	ssyncset.done $0x0  }
0x22: {  	s10 =	rddreg [dreg:$0x6];
	[sflag:s18] =	ssyncadd.s32 $0xFFFFF000  }
0x23: {  	[tilespmem:s19], [sflag:$0x4] =	stream.linear.gather [hbm4b:s10+s4], $0x1000, $0x38;
	[tilespmem:$0x1D080] =	vst v63  }
0x24: {  	_ =	swait.ge [sflag:s18], $0x1000  }
0x25: {  	[sflag:s18] =	ssyncset.done $0x0  }
0x26: {  	[sflag:s18] =	ssyncadd.s32 $0xFFFFF000  }
0x27: {  	[tilespmem:s21], [sflag:$0x1] =	stream.indirect.gather [hbm4b:s1+s20], $0x80, s4, s20, $0xb8;
	[tilespmem:$0x1D080] =	vst v63  }
0x28: {  	_ = 	snop  }
0x29: {  	[tilespmem:s23], [sflag:$0x2] =	stream.indirect.gather [hbm4b:s1+s20], $0x80, s22, s20, $0xb8;
	[tilespmem:$0x1D080] =	vst v63  }
0x2a: {  	_ = 	snop  }
0x2b: {  	[tilespmem:s25], [sflag:$0x3] =	stream.indirect.gather [hbm4b:s1+s20], $0x80, s24, s20, $0xb8;
	[tilespmem:$0x1D080] =	vst v63  }
0x2c: {  	_ =	swait.ge [sflag:s26], $0x2800  }
0x2d: {  	[sflag:s26] =	ssyncset.done $0x0  }
0x2e: {  	s11 =	simm.s32 $0x1000;
	[sflag:s26] =	ssyncadd.s32 $0xFFFFD800  }
0x2f: {  	[spmem:s3] =	stream.indirect.scatter.add.f32 [tilespmem:s21], [sflag:$0x4], $0x80, s11, s20, $0xb8;
	[tilespmem:$0x1D080] =	vst v63  }
0x30: {  	_ =	swait.ge [sflag:s18], $0x2800  }
0x31: {  	[sflag:s18] =	ssyncset.done $0x0  }
0x32: {  	s10 =	simm.s32 $0x180;
	[sflag:s18] =	ssyncadd.s32 $0xFFFFD800  }
0x33: {  	[tilespmem:s21], [sflag:$0x1] =	stream.indirect.gather [hbm4b:s1+s20], $0x80, s10, s20, $0xb8;
	[tilespmem:$0x1D080] =	vst v63  }
0x34: {  	_ =	swait.ge [sflag:s28], $0x2800  }
0x35: {  	[sflag:s28] =	ssyncset.done $0x0  }
0x36: {  	s11 =	simm.s32 $0x1080;
	[sflag:s28] =	ssyncadd.s32 $0xFFFFD800  }
0x37: {  	[spmem:s3] =	stream.indirect.scatter.add.f32 [tilespmem:s23], [sflag:$0x4], $0x80, s11, s20, $0xb8;
	[tilespmem:$0x1D080] =	vst v63  }
0x38: {  	_ =	swait.ge [sflag:s18], $0x2800  }
0x39: {  	[sflag:s18] =	ssyncset.done $0x0  }
0x3a: {  	s10 =	simm.s32 $0x200;
	[sflag:s18] =	ssyncadd.s32 $0xFFFFD800  }
0x3b: {  	[tilespmem:s23], [sflag:$0x2] =	stream.indirect.gather [hbm4b:s1+s20], $0x80, s10, s20, $0xb8;
	[tilespmem:$0x1D080] =	vst v63  }
0x3c: {  	_ =	swait.ge [sflag:s29], $0x2800  }
0x3d: {  	[sflag:s29] =	ssyncset.done $0x0  }
0x3e: {  	s11 =	simm.s32 $0x1100;
	[sflag:s29] =	ssyncadd.s32 $0xFFFFD800  }
0x3f: {  	[spmem:s3] =	stream.indirect.scatter.add.f32 [tilespmem:s25], [sflag:$0x4], $0x80, s11, s20, $0xb8;
	[tilespmem:$0x1D080] =	vst v63  }
0x40: {  	_ =	swait.ge [sflag:s18], $0x2800  }
0x41: {  	[sflag:s18] =	ssyncset.done $0x0  }
0x42: {  	s9 =	simm.s32 $0x600;
	s10 =	simm.s32 $0x280;
	[sflag:s18] =	ssyncadd.s32 $0xFFFFD800  }
.LBB2_2:
0x43: {  	[tilespmem:s25], [sflag:$0x3] =	stream.indirect.gather [hbm4b:s1+s20], $0x80, s10, s20, $0xb8;
	[tilespmem:$0x1D080] =	vst v63  }
0x44: {  	s10 =	smov.u32 s9  }
0x45: {  	p0 =	sne.s32 s9, $0x3000;
	s9 =	sadd.s32 $0x600, s9;
	_ =	swait.ge [sflag:s26], $0x2800  }
0x46: {  	s10 =	sshra.s32 s10, $0x2;
	[sflag:s26] =	ssyncset.done $0x0  }
0x47: {  	s11 =	sadd.s32 $0x1000, s10;
	[sflag:s26] =	ssyncadd.s32 $0xFFFFD800  }
0x48: {  	[spmem:s3] =	stream.indirect.scatter.add.f32 [tilespmem:s21], [sflag:$0x4], $0x80, s11, s20, $0xb8;
	[tilespmem:$0x1D080] =	vst v63  }
0x49: {  	_ =	swait.ge [sflag:s18], $0x2800  }
0x4a: {  	[sflag:s18] =	ssyncset.done $0x0  }
0x4b: {  	s11 =	sadd.s32 $0x180, s10;
	[sflag:s18] =	ssyncadd.s32 $0xFFFFD800  }
0x4c: {  	[tilespmem:s21], [sflag:$0x1] =	stream.indirect.gather [hbm4b:s1+s20], $0x80, s11, s20, $0xb8;
	[tilespmem:$0x1D080] =	vst v63  }
0x4d: {  	_ =	swait.ge [sflag:s28], $0x2800  }
0x4e: {  	[sflag:s28] =	ssyncset.done $0x0  }
0x4f: {  	s11 =	sadd.s32 $0x1080, s10;
	[sflag:s28] =	ssyncadd.s32 $0xFFFFD800  }
0x50: {  	[spmem:s3] =	stream.indirect.scatter.add.f32 [tilespmem:s23], [sflag:$0x4], $0x80, s11, s20, $0xb8;
	[tilespmem:$0x1D080] =	vst v63  }
0x51: {  	_ =	swait.ge [sflag:s18], $0x2800  }
0x52: {  	[sflag:s18] =	ssyncset.done $0x0  }
0x53: {  	s11 =	sadd.s32 $0x200, s10;
	[sflag:s18] =	ssyncadd.s32 $0xFFFFD800  }
0x54: {  	[tilespmem:s23], [sflag:$0x2] =	stream.indirect.gather [hbm4b:s1+s20], $0x80, s11, s20, $0xb8;
	[tilespmem:$0x1D080] =	vst v63  }
0x55: {  	_ =	swait.ge [sflag:s29], $0x2800  }
0x56: {  	[sflag:s29] =	ssyncset.done $0x0  }
.Ltmp0:
0x57: {  	s11 =	sadd.s32 $0x1100, s10;
	[sflag:s29] =	ssyncadd.s32 $0xFFFFD800;
	(pc) =	sbr.rel @p0 .LBB2_2-.Ltmp0, $4  }
0x58: {  	[spmem:s3] =	stream.indirect.scatter.add.f32 [tilespmem:s25], [sflag:$0x4], $0x80, s11, s20, $0xb8;
	[tilespmem:$0x1D080] =	vst v63  }
0x59: {  	_ =	swait.ge [sflag:s18], $0x2800  }
0x5a: {  	[sflag:s18] =	ssyncset.done $0x0  }
0x5b: {  	s10 =	sadd.s32 $0x280, s10;
	[sflag:s18] =	ssyncadd.s32 $0xFFFFD800  }
0x5c: {  	[tilespmem:s25], [sflag:$0x3] =	stream.indirect.gather [hbm4b:s1+s20], $0x80, s10, s20, $0xb8;
	[tilespmem:$0x1D080] =	vst v63  }
0x5d: {  	_ =	swait.ge [sflag:s26], $0x2800  }
0x5e: {  	[sflag:s26] =	ssyncset.done $0x0  }
0x5f: {  	[sflag:s26] =	ssyncadd.s32 $0xFFFFD800  }
0x60: {  	[spmem:s3] =	stream.indirect.scatter.add.f32 [tilespmem:s21], [sflag:$0x4], $0x80, s30, s20, $0xb8;
	[tilespmem:$0x1D080] =	vst v63  }
0x61: {  	_ =	swait.ge [sflag:s18], $0x2800  }
0x62: {  	[sflag:s18] =	ssyncset.done $0x0  }
0x63: {  	[sflag:s18] =	ssyncadd.s32 $0xFFFFD800  }
0x64: {  	[tilespmem:s21], [sflag:$0x1] =	stream.indirect.gather [hbm4b:s1+s20], $0x80, s31, s20, $0xb8;
	[tilespmem:$0x1D080] =	vst v63  }
0x65: {  	_ =	swait.ge [sflag:s28], $0x2800  }
0x66: {  	[sflag:s28] =	ssyncset.done $0x0  }
0x67: {  	[sflag:s28] =	ssyncadd.s32 $0xFFFFD800  }
0x68: {  	[spmem:s3] =	stream.indirect.scatter.add.f32 [tilespmem:s23], [sflag:$0x4], $0x80, s0, s20, $0xb8;
	[tilespmem:$0x1D080] =	vst v63  }
0x69: {  	_ =	swait.ge [sflag:s18], $0x2800  }
0x6a: {  	[sflag:s18] =	ssyncset.done $0x0  }
0x6b: {  	[sflag:s18] =	ssyncadd.s32 $0xFFFFD800  }
0x6c: {  	[tilespmem:s23], [sflag:$0x2] =	stream.indirect.gather [hbm4b:s1+s20], $0x80, s2, s20, $0xb8;
	[tilespmem:$0x1D080] =	vst v63  }
0x6d: {  	_ =	swait.ge [sflag:s29], $0x2800  }
0x6e: {  	[sflag:s29] =	ssyncset.done $0x0  }
0x6f: {  	[sflag:s29] =	ssyncadd.s32 $0xFFFFD800  }
0x70: {  	[spmem:s3] =	stream.indirect.scatter.add.f32 [tilespmem:s25], [sflag:$0x4], $0x80, s5, s20, $0xb8;
	[tilespmem:$0x1D080] =	vst v63  }
0x71: {  	_ =	swait.ge [sflag:s18], $0x2800  }
0x72: {  	[sflag:s18] =	ssyncset.done $0x0  }
0x73: {  	[sflag:s18] =	ssyncadd.s32 $0xFFFFD800  }
0x74: {  	_ =	swait.ge [sflag:s26], $0x2800  }
0x75: {  	[sflag:s26] =	ssyncset.done $0x0  }
0x76: {  	[sflag:s26] =	ssyncadd.s32 $0xFFFFD800  }
0x77: {  	[spmem:s3] =	stream.indirect.scatter.add.f32 [tilespmem:s21], [sflag:$0x4], $0x80, s6, s20, $0xb8;
	[tilespmem:$0x1D080] =	vst v63  }
0x78: {  	_ =	swait.ge [sflag:s18], $0x2800  }
0x79: {  	[sflag:s18] =	ssyncset.done $0x0  }
0x7a: {  	[sflag:s18] =	ssyncadd.s32 $0xFFFFD800  }
0x7b: {  	_ =	swait.ge [sflag:s28], $0x2800  }
0x7c: {  	[sflag:s28] =	ssyncset.done $0x0  }
0x7d: {  	[sflag:s28] =	ssyncadd.s32 $0xFFFFD800  }
0x7e: {  	[spmem:s3] =	stream.indirect.scatter.add.f32 [tilespmem:s23], [sflag:$0x4], $0x80, s7, s20, $0xb8;
	[tilespmem:$0x1D080] =	vst v63  }
0x7f: {  	_ =	swait.ge [sflag:s18], $0x2800  }
0x80: {  	[sflag:s18] =	ssyncset.done $0x0  }
0x81: {  	s9 =	simm.s32 $0x0;
	s11 =	rddreg [dreg:$0x7];
	[sflag:s18] =	ssyncadd.s32 $0xFFFFD800  }
0x82: {  	[tilespmem:s9], [sflag:$0x4] =	stream.linear.gather [hbm4b:s11+s9], $0x1000, $0x38;
	[tilespmem:$0x1D080] =	vst v63  }
0x83: {  	_ =	swait.ge [sflag:s18], $0x1000  }
0x84: {  	[sflag:s18] =	ssyncset.done $0x0  }
0x85: {  	s11 =	rddreg [dreg:$0x8];
	[sflag:s18] =	ssyncadd.s32 $0xFFFFF000  }
0x86: {  	[tilespmem:s19], [sflag:$0x4] =	stream.linear.gather [hbm4b:s11+s9], $0x1000, $0x38;
	[tilespmem:$0x1D080] =	vst v63  }
0x87: {  	_ =	swait.ge [sflag:s18], $0x1000  }
0x88: {  	[sflag:s18] =	ssyncset.done $0x0  }
0x89: {  	[sflag:s18] =	ssyncadd.s32 $0xFFFFF000  }
0x8a: {  	[tilespmem:s21], [sflag:$0x1] =	stream.indirect.gather [hbm4b:s1+s20], $0x80, s9, s20, $0xb8;
	[tilespmem:$0x1D080] =	vst v63  }
0x8b: {  	_ = 	snop  }
0x8c: {  	[tilespmem:s23], [sflag:$0x2] =	stream.indirect.gather [hbm4b:s1+s20], $0x80, s22, s20, $0xb8;
	[tilespmem:$0x1D080] =	vst v63  }
0x8d: {  	_ = 	snop  }
0x8e: {  	[tilespmem:s25], [sflag:$0x3] =	stream.indirect.gather [hbm4b:s1+s20], $0x80, s24, s20, $0xb8;
	[tilespmem:$0x1D080] =	vst v63  }
0x8f: {  	_ =	swait.ge [sflag:s26], $0x2800  }
0x90: {  	[sflag:s26] =	ssyncset.done $0x0  }
0x91: {  	s11 =	simm.s32 $0x1000;
	[sflag:s26] =	ssyncadd.s32 $0xFFFFD800  }
0x92: {  	[spmem:s3] =	stream.indirect.scatter.add.f32 [tilespmem:s21], [sflag:$0x4], $0x80, s11, s20, $0xb8;
	[tilespmem:$0x1D080] =	vst v63  }
0x93: {  	_ =	swait.ge [sflag:s18], $0x2800  }
0x94: {  	[sflag:s18] =	ssyncset.done $0x0  }
0x95: {  	s10 =	simm.s32 $0x180;
	[sflag:s18] =	ssyncadd.s32 $0xFFFFD800  }
0x96: {  	[tilespmem:s21], [sflag:$0x1] =	stream.indirect.gather [hbm4b:s1+s20], $0x80, s10, s20, $0xb8;
	[tilespmem:$0x1D080] =	vst v63  }
0x97: {  	_ =	swait.ge [sflag:s28], $0x2800  }
0x98: {  	[sflag:s28] =	ssyncset.done $0x0  }
0x99: {  	s11 =	simm.s32 $0x1080;
	[sflag:s28] =	ssyncadd.s32 $0xFFFFD800  }
0x9a: {  	[spmem:s3] =	stream.indirect.scatter.add.f32 [tilespmem:s23], [sflag:$0x4], $0x80, s11, s20, $0xb8;
	[tilespmem:$0x1D080] =	vst v63  }
0x9b: {  	_ =	swait.ge [sflag:s18], $0x2800  }
0x9c: {  	[sflag:s18] =	ssyncset.done $0x0  }
0x9d: {  	s10 =	simm.s32 $0x200;
	[sflag:s18] =	ssyncadd.s32 $0xFFFFD800  }
0x9e: {  	[tilespmem:s23], [sflag:$0x2] =	stream.indirect.gather [hbm4b:s1+s20], $0x80, s10, s20, $0xb8;
	[tilespmem:$0x1D080] =	vst v63  }
0x9f: {  	_ =	swait.ge [sflag:s29], $0x2800  }
0xa0: {  	[sflag:s29] =	ssyncset.done $0x0  }
0xa1: {  	s11 =	simm.s32 $0x1100;
	[sflag:s29] =	ssyncadd.s32 $0xFFFFD800  }
0xa2: {  	[spmem:s3] =	stream.indirect.scatter.add.f32 [tilespmem:s25], [sflag:$0x4], $0x80, s11, s20, $0xb8;
	[tilespmem:$0x1D080] =	vst v63  }
0xa3: {  	_ =	swait.ge [sflag:s18], $0x2800  }
0xa4: {  	[sflag:s18] =	ssyncset.done $0x0  }
0xa5: {  	s9 =	simm.s32 $0x600;
	s10 =	simm.s32 $0x280;
	[sflag:s18] =	ssyncadd.s32 $0xFFFFD800  }
.LBB2_4:
0xa6: {  	[tilespmem:s25], [sflag:$0x3] =	stream.indirect.gather [hbm4b:s1+s20], $0x80, s10, s20, $0xb8;
	[tilespmem:$0x1D080] =	vst v63  }
0xa7: {  	s10 =	smov.u32 s9  }
0xa8: {  	p0 =	sne.s32 s9, $0x3000;
	s9 =	sadd.s32 $0x600, s9;
	_ =	swait.ge [sflag:s26], $0x2800  }
0xa9: {  	s10 =	sshra.s32 s10, $0x2;
	[sflag:s26] =	ssyncset.done $0x0  }
0xaa: {  	s11 =	sadd.s32 $0x1000, s10;
	[sflag:s26] =	ssyncadd.s32 $0xFFFFD800  }
0xab: {  	[spmem:s3] =	stream.indirect.scatter.add.f32 [tilespmem:s21], [sflag:$0x4], $0x80, s11, s20, $0xb8;
	[tilespmem:$0x1D080] =	vst v63  }
0xac: {  	_ =	swait.ge [sflag:s18], $0x2800  }
0xad: {  	[sflag:s18] =	ssyncset.done $0x0  }
0xae: {  	s11 =	sadd.s32 $0x180, s10;
	[sflag:s18] =	ssyncadd.s32 $0xFFFFD800  }
0xaf: {  	[tilespmem:s21], [sflag:$0x1] =	stream.indirect.gather [hbm4b:s1+s20], $0x80, s11, s20, $0xb8;
	[tilespmem:$0x1D080] =	vst v63  }
0xb0: {  	_ =	swait.ge [sflag:s28], $0x2800  }
0xb1: {  	[sflag:s28] =	ssyncset.done $0x0  }
0xb2: {  	s11 =	sadd.s32 $0x1080, s10;
	[sflag:s28] =	ssyncadd.s32 $0xFFFFD800  }
0xb3: {  	[spmem:s3] =	stream.indirect.scatter.add.f32 [tilespmem:s23], [sflag:$0x4], $0x80, s11, s20, $0xb8;
	[tilespmem:$0x1D080] =	vst v63  }
0xb4: {  	_ =	swait.ge [sflag:s18], $0x2800  }
0xb5: {  	[sflag:s18] =	ssyncset.done $0x0  }
0xb6: {  	s11 =	sadd.s32 $0x200, s10;
	[sflag:s18] =	ssyncadd.s32 $0xFFFFD800  }
0xb7: {  	[tilespmem:s23], [sflag:$0x2] =	stream.indirect.gather [hbm4b:s1+s20], $0x80, s11, s20, $0xb8;
	[tilespmem:$0x1D080] =	vst v63  }
0xb8: {  	_ =	swait.ge [sflag:s29], $0x2800  }
0xb9: {  	[sflag:s29] =	ssyncset.done $0x0  }
.Ltmp1:
0xba: {  	s11 =	sadd.s32 $0x1100, s10;
	[sflag:s29] =	ssyncadd.s32 $0xFFFFD800;
	(pc) =	sbr.rel @p0 .LBB2_4-.Ltmp1, $4  }
0xbb: {  	[spmem:s3] =	stream.indirect.scatter.add.f32 [tilespmem:s25], [sflag:$0x4], $0x80, s11, s20, $0xb8;
	[tilespmem:$0x1D080] =	vst v63  }
0xbc: {  	_ =	swait.ge [sflag:s18], $0x2800  }
0xbd: {  	[sflag:s18] =	ssyncset.done $0x0  }
0xbe: {  	s10 =	sadd.s32 $0x280, s10;
	[sflag:s18] =	ssyncadd.s32 $0xFFFFD800  }
0xbf: {  	[tilespmem:s25], [sflag:$0x3] =	stream.indirect.gather [hbm4b:s1+s20], $0x80, s10, s20, $0xb8;
	[tilespmem:$0x1D080] =	vst v63  }
0xc0: {  	_ =	swait.ge [sflag:s26], $0x2800  }
0xc1: {  	[sflag:s26] =	ssyncset.done $0x0  }
0xc2: {  	[sflag:s26] =	ssyncadd.s32 $0xFFFFD800  }
0xc3: {  	[spmem:s3] =	stream.indirect.scatter.add.f32 [tilespmem:s21], [sflag:$0x4], $0x80, s30, s20, $0xb8;
	[tilespmem:$0x1D080] =	vst v63  }
0xc4: {  	_ =	swait.ge [sflag:s18], $0x2800  }
0xc5: {  	[sflag:s18] =	ssyncset.done $0x0  }
0xc6: {  	[sflag:s18] =	ssyncadd.s32 $0xFFFFD800  }
0xc7: {  	[tilespmem:s21], [sflag:$0x1] =	stream.indirect.gather [hbm4b:s1+s20], $0x80, s31, s20, $0xb8;
	[tilespmem:$0x1D080] =	vst v63  }
0xc8: {  	_ =	swait.ge [sflag:s28], $0x2800  }
0xc9: {  	[sflag:s28] =	ssyncset.done $0x0  }
0xca: {  	[sflag:s28] =	ssyncadd.s32 $0xFFFFD800  }
0xcb: {  	[spmem:s3] =	stream.indirect.scatter.add.f32 [tilespmem:s23], [sflag:$0x4], $0x80, s0, s20, $0xb8;
	[tilespmem:$0x1D080] =	vst v63  }
0xcc: {  	_ =	swait.ge [sflag:s18], $0x2800  }
0xcd: {  	[sflag:s18] =	ssyncset.done $0x0  }
0xce: {  	[sflag:s18] =	ssyncadd.s32 $0xFFFFD800  }
0xcf: {  	[tilespmem:s23], [sflag:$0x2] =	stream.indirect.gather [hbm4b:s1+s20], $0x80, s2, s20, $0xb8;
	[tilespmem:$0x1D080] =	vst v63  }
0xd0: {  	_ =	swait.ge [sflag:s29], $0x2800  }
0xd1: {  	[sflag:s29] =	ssyncset.done $0x0  }
0xd2: {  	[sflag:s29] =	ssyncadd.s32 $0xFFFFD800  }
0xd3: {  	[spmem:s3] =	stream.indirect.scatter.add.f32 [tilespmem:s25], [sflag:$0x4], $0x80, s5, s20, $0xb8;
	[tilespmem:$0x1D080] =	vst v63  }
0xd4: {  	_ =	swait.ge [sflag:s18], $0x2800  }
0xd5: {  	[sflag:s18] =	ssyncset.done $0x0  }
0xd6: {  	[sflag:s18] =	ssyncadd.s32 $0xFFFFD800  }
0xd7: {  	_ =	swait.ge [sflag:s26], $0x2800  }
0xd8: {  	[sflag:s26] =	ssyncset.done $0x0  }
0xd9: {  	[sflag:s26] =	ssyncadd.s32 $0xFFFFD800  }
0xda: {  	[spmem:s3] =	stream.indirect.scatter.add.f32 [tilespmem:s21], [sflag:$0x4], $0x80, s6, s20, $0xb8;
	[tilespmem:$0x1D080] =	vst v63  }
0xdb: {  	_ =	swait.ge [sflag:s18], $0x2800  }
0xdc: {  	[sflag:s18] =	ssyncset.done $0x0  }
0xdd: {  	[sflag:s18] =	ssyncadd.s32 $0xFFFFD800  }
0xde: {  	_ =	swait.ge [sflag:s28], $0x2800  }
0xdf: {  	[sflag:s28] =	ssyncset.done $0x0  }
0xe0: {  	[sflag:s28] =	ssyncadd.s32 $0xFFFFD800  }
0xe1: {  	[spmem:s3] =	stream.indirect.scatter.add.f32 [tilespmem:s23], [sflag:$0x4], $0x80, s7, s20, $0xb8;
	[tilespmem:$0x1D080] =	vst v63  }
0xe2: {  	_ =	swait.ge [sflag:s18], $0x2800  }
0xe3: {  	[sflag:s18] =	ssyncset.done $0x0  }
0xe4: {  	s9 =	simm.s32 $0x0;
	s11 =	rddreg [dreg:$0x9];
	[sflag:s18] =	ssyncadd.s32 $0xFFFFD800  }
0xe5: {  	[tilespmem:s9], [sflag:$0x4] =	stream.linear.gather [hbm4b:s11+s9], $0x1000, $0x38;
	[tilespmem:$0x1D080] =	vst v63  }
0xe6: {  	_ =	swait.ge [sflag:s18], $0x1000  }
0xe7: {  	[sflag:s18] =	ssyncset.done $0x0  }
0xe8: {  	s11 =	rddreg [dreg:$0xa];
	[sflag:s18] =	ssyncadd.s32 $0xFFFFF000  }
0xe9: {  	[tilespmem:s19], [sflag:$0x4] =	stream.linear.gather [hbm4b:s11+s9], $0x1000, $0x38;
	[tilespmem:$0x1D080] =	vst v63  }
0xea: {  	_ =	swait.ge [sflag:s18], $0x1000  }
0xeb: {  	[sflag:s18] =	ssyncset.done $0x0  }
0xec: {  	[sflag:s18] =	ssyncadd.s32 $0xFFFFF000  }
0xed: {  	[tilespmem:s21], [sflag:$0x1] =	stream.indirect.gather [hbm4b:s1+s20], $0x80, s9, s20, $0xb8;
	[tilespmem:$0x1D080] =	vst v63  }
0xee: {  	_ = 	snop  }
0xef: {  	[tilespmem:s23], [sflag:$0x2] =	stream.indirect.gather [hbm4b:s1+s20], $0x80, s22, s20, $0xb8;
	[tilespmem:$0x1D080] =	vst v63  }
0xf0: {  	_ = 	snop  }
0xf1: {  	[tilespmem:s25], [sflag:$0x3] =	stream.indirect.gather [hbm4b:s1+s20], $0x80, s24, s20, $0xb8;
	[tilespmem:$0x1D080] =	vst v63  }
0xf2: {  	_ =	swait.ge [sflag:s26], $0x2800  }
0xf3: {  	[sflag:s26] =	ssyncset.done $0x0  }
0xf4: {  	s11 =	simm.s32 $0x1000;
	[sflag:s26] =	ssyncadd.s32 $0xFFFFD800  }
0xf5: {  	[spmem:s3] =	stream.indirect.scatter.add.f32 [tilespmem:s21], [sflag:$0x4], $0x80, s11, s20, $0xb8;
	[tilespmem:$0x1D080] =	vst v63  }
0xf6: {  	_ =	swait.ge [sflag:s18], $0x2800  }
0xf7: {  	[sflag:s18] =	ssyncset.done $0x0  }
0xf8: {  	s10 =	simm.s32 $0x180;
	[sflag:s18] =	ssyncadd.s32 $0xFFFFD800  }
0xf9: {  	[tilespmem:s21], [sflag:$0x1] =	stream.indirect.gather [hbm4b:s1+s20], $0x80, s10, s20, $0xb8;
	[tilespmem:$0x1D080] =	vst v63  }
0xfa: {  	_ =	swait.ge [sflag:s28], $0x2800  }
0xfb: {  	[sflag:s28] =	ssyncset.done $0x0  }
0xfc: {  	s11 =	simm.s32 $0x1080;
	[sflag:s28] =	ssyncadd.s32 $0xFFFFD800  }
0xfd: {  	[spmem:s3] =	stream.indirect.scatter.add.f32 [tilespmem:s23], [sflag:$0x4], $0x80, s11, s20, $0xb8;
	[tilespmem:$0x1D080] =	vst v63  }
0xfe: {  	_ =	swait.ge [sflag:s18], $0x2800  }
0xff: {  	[sflag:s18] =	ssyncset.done $0x0  }
0x100: {  	s10 =	simm.s32 $0x200;
	[sflag:s18] =	ssyncadd.s32 $0xFFFFD800  }
0x101: {  	[tilespmem:s23], [sflag:$0x2] =	stream.indirect.gather [hbm4b:s1+s20], $0x80, s10, s20, $0xb8;
	[tilespmem:$0x1D080] =	vst v63  }
0x102: {  	_ =	swait.ge [sflag:s29], $0x2800  }
0x103: {  	[sflag:s29] =	ssyncset.done $0x0  }
0x104: {  	s11 =	simm.s32 $0x1100;
	[sflag:s29] =	ssyncadd.s32 $0xFFFFD800  }
0x105: {  	[spmem:s3] =	stream.indirect.scatter.add.f32 [tilespmem:s25], [sflag:$0x4], $0x80, s11, s20, $0xb8;
	[tilespmem:$0x1D080] =	vst v63  }
0x106: {  	_ =	swait.ge [sflag:s18], $0x2800  }
0x107: {  	[sflag:s18] =	ssyncset.done $0x0  }
0x108: {  	s9 =	simm.s32 $0x600;
	s10 =	simm.s32 $0x280;
	[sflag:s18] =	ssyncadd.s32 $0xFFFFD800  }
.LBB2_6:
0x109: {  	[tilespmem:s25], [sflag:$0x3] =	stream.indirect.gather [hbm4b:s1+s20], $0x80, s10, s20, $0xb8;
	[tilespmem:$0x1D080] =	vst v63  }
0x10a: {  	s10 =	smov.u32 s9  }
0x10b: {  	p0 =	sne.s32 s9, $0x3000;
	s9 =	sadd.s32 $0x600, s9;
	_ =	swait.ge [sflag:s26], $0x2800  }
0x10c: {  	s10 =	sshra.s32 s10, $0x2;
	[sflag:s26] =	ssyncset.done $0x0  }
0x10d: {  	s11 =	sadd.s32 $0x1000, s10;
	[sflag:s26] =	ssyncadd.s32 $0xFFFFD800  }
0x10e: {  	[spmem:s3] =	stream.indirect.scatter.add.f32 [tilespmem:s21], [sflag:$0x4], $0x80, s11, s20, $0xb8;
	[tilespmem:$0x1D080] =	vst v63  }
0x10f: {  	_ =	swait.ge [sflag:s18], $0x2800  }
0x110: {  	[sflag:s18] =	ssyncset.done $0x0  }
0x111: {  	s11 =	sadd.s32 $0x180, s10;
	[sflag:s18] =	ssyncadd.s32 $0xFFFFD800  }
0x112: {  	[tilespmem:s21], [sflag:$0x1] =	stream.indirect.gather [hbm4b:s1+s20], $0x80, s11, s20, $0xb8;
	[tilespmem:$0x1D080] =	vst v63  }
0x113: {  	_ =	swait.ge [sflag:s28], $0x2800  }
0x114: {  	[sflag:s28] =	ssyncset.done $0x0  }
0x115: {  	s11 =	sadd.s32 $0x1080, s10;
	[sflag:s28] =	ssyncadd.s32 $0xFFFFD800  }
0x116: {  	[spmem:s3] =	stream.indirect.scatter.add.f32 [tilespmem:s23], [sflag:$0x4], $0x80, s11, s20, $0xb8;
	[tilespmem:$0x1D080] =	vst v63  }
0x117: {  	_ =	swait.ge [sflag:s18], $0x2800  }
0x118: {  	[sflag:s18] =	ssyncset.done $0x0  }
0x119: {  	s11 =	sadd.s32 $0x200, s10;
	[sflag:s18] =	ssyncadd.s32 $0xFFFFD800  }
0x11a: {  	[tilespmem:s23], [sflag:$0x2] =	stream.indirect.gather [hbm4b:s1+s20], $0x80, s11, s20, $0xb8;
	[tilespmem:$0x1D080] =	vst v63  }
0x11b: {  	_ =	swait.ge [sflag:s29], $0x2800  }
0x11c: {  	[sflag:s29] =	ssyncset.done $0x0  }
.Ltmp2:
0x11d: {  	s11 =	sadd.s32 $0x1100, s10;
	[sflag:s29] =	ssyncadd.s32 $0xFFFFD800;
	(pc) =	sbr.rel @p0 .LBB2_6-.Ltmp2, $4  }
0x11e: {  	[spmem:s3] =	stream.indirect.scatter.add.f32 [tilespmem:s25], [sflag:$0x4], $0x80, s11, s20, $0xb8;
	[tilespmem:$0x1D080] =	vst v63  }
0x11f: {  	_ =	swait.ge [sflag:s18], $0x2800  }
0x120: {  	[sflag:s18] =	ssyncset.done $0x0  }
0x121: {  	s10 =	sadd.s32 $0x280, s10;
	[sflag:s18] =	ssyncadd.s32 $0xFFFFD800  }
0x122: {  	[tilespmem:s25], [sflag:$0x3] =	stream.indirect.gather [hbm4b:s1+s20], $0x80, s10, s20, $0xb8;
	[tilespmem:$0x1D080] =	vst v63  }
0x123: {  	_ =	swait.ge [sflag:s26], $0x2800  }
0x124: {  	[sflag:s26] =	ssyncset.done $0x0  }
0x125: {  	[sflag:s26] =	ssyncadd.s32 $0xFFFFD800  }
0x126: {  	[spmem:s3] =	stream.indirect.scatter.add.f32 [tilespmem:s21], [sflag:$0x4], $0x80, s30, s20, $0xb8;
	[tilespmem:$0x1D080] =	vst v63  }
0x127: {  	_ =	swait.ge [sflag:s18], $0x2800  }
0x128: {  	[sflag:s18] =	ssyncset.done $0x0  }
0x129: {  	[sflag:s18] =	ssyncadd.s32 $0xFFFFD800  }
0x12a: {  	[tilespmem:s21], [sflag:$0x1] =	stream.indirect.gather [hbm4b:s1+s20], $0x80, s31, s20, $0xb8;
	[tilespmem:$0x1D080] =	vst v63  }
0x12b: {  	_ =	swait.ge [sflag:s28], $0x2800  }
0x12c: {  	[sflag:s28] =	ssyncset.done $0x0  }
0x12d: {  	[sflag:s28] =	ssyncadd.s32 $0xFFFFD800  }
0x12e: {  	[spmem:s3] =	stream.indirect.scatter.add.f32 [tilespmem:s23], [sflag:$0x4], $0x80, s0, s20, $0xb8;
	[tilespmem:$0x1D080] =	vst v63  }
0x12f: {  	_ =	swait.ge [sflag:s18], $0x2800  }
0x130: {  	[sflag:s18] =	ssyncset.done $0x0  }
0x131: {  	[sflag:s18] =	ssyncadd.s32 $0xFFFFD800  }
0x132: {  	[tilespmem:s23], [sflag:$0x2] =	stream.indirect.gather [hbm4b:s1+s20], $0x80, s2, s20, $0xb8;
	[tilespmem:$0x1D080] =	vst v63  }
0x133: {  	_ =	swait.ge [sflag:s29], $0x2800  }
0x134: {  	[sflag:s29] =	ssyncset.done $0x0  }
0x135: {  	[sflag:s29] =	ssyncadd.s32 $0xFFFFD800  }
0x136: {  	[spmem:s3] =	stream.indirect.scatter.add.f32 [tilespmem:s25], [sflag:$0x4], $0x80, s5, s20, $0xb8;
	[tilespmem:$0x1D080] =	vst v63  }
0x137: {  	_ =	swait.ge [sflag:s18], $0x2800  }
0x138: {  	[sflag:s18] =	ssyncset.done $0x0  }
0x139: {  	[sflag:s18] =	ssyncadd.s32 $0xFFFFD800  }
0x13a: {  	_ =	swait.ge [sflag:s26], $0x2800  }
0x13b: {  	[sflag:s26] =	ssyncset.done $0x0  }
0x13c: {  	[sflag:s26] =	ssyncadd.s32 $0xFFFFD800  }
0x13d: {  	[spmem:s3] =	stream.indirect.scatter.add.f32 [tilespmem:s21], [sflag:$0x4], $0x80, s6, s20, $0xb8;
	[tilespmem:$0x1D080] =	vst v63  }
0x13e: {  	_ =	swait.ge [sflag:s18], $0x2800  }
0x13f: {  	[sflag:s18] =	ssyncset.done $0x0  }
0x140: {  	[sflag:s18] =	ssyncadd.s32 $0xFFFFD800  }
0x141: {  	_ =	swait.ge [sflag:s28], $0x2800  }
0x142: {  	[sflag:s28] =	ssyncset.done $0x0  }
0x143: {  	[sflag:s28] =	ssyncadd.s32 $0xFFFFD800  }
0x144: {  	[spmem:s3] =	stream.indirect.scatter.add.f32 [tilespmem:s23], [sflag:$0x4], $0x80, s7, s20, $0xb8;
	[tilespmem:$0x1D080] =	vst v63  }
0x145: {  	_ =	swait.ge [sflag:s18], $0x2800  }
0x146: {  	[sflag:s18] =	ssyncset.done $0x0  }
0x147: {  	s9 =	simm.s32 $0x0;
	s11 =	rddreg [dreg:$0xb];
	[sflag:s18] =	ssyncadd.s32 $0xFFFFD800  }
0x148: {  	[tilespmem:s9], [sflag:$0x4] =	stream.linear.gather [hbm4b:s11+s9], $0xE80, $0x38;
	[tilespmem:$0x1D080] =	vst v63  }
0x149: {  	_ =	swait.ge [sflag:s18], $0xE80  }
0x14a: {  	[sflag:s18] =	ssyncset.done $0x0  }
0x14b: {  	[sflag:s18] =	ssyncadd.s32 $0xFFFFF180  }
0x14c: {  	[tilespmem:s19], [sflag:$0x4] =	stream.linear.gather [hbm4b:s12+s9], $0xE80, $0x38;
	[tilespmem:$0x1D080] =	vst v63  }
0x14d: {  	_ =	swait.ge [sflag:s18], $0xE80  }
0x14e: {  	[sflag:s18] =	ssyncset.done $0x0  }
0x14f: {  	[sflag:s18] =	ssyncadd.s32 $0xFFFFF180  }
0x150: {  	[tilespmem:s21], [sflag:$0x1] =	stream.indirect.gather [hbm4b:s1+s20], $0x80, s9, s20, $0xb8;
	[tilespmem:$0x1D080] =	vst v63  }
0x151: {  	_ = 	snop  }
0x152: {  	[tilespmem:s23], [sflag:$0x2] =	stream.indirect.gather [hbm4b:s1+s20], $0x80, s22, s20, $0xb8;
	[tilespmem:$0x1D080] =	vst v63  }
0x153: {  	_ = 	snop  }
0x154: {  	[tilespmem:s25], [sflag:$0x3] =	stream.indirect.gather [hbm4b:s1+s20], $0x80, s24, s20, $0xb8;
	[tilespmem:$0x1D080] =	vst v63  }
0x155: {  	_ =	swait.ge [sflag:s26], $0x2800  }
0x156: {  	[sflag:s26] =	ssyncset.done $0x0  }
0x157: {  	s11 =	simm.s32 $0x1000;
	[sflag:s26] =	ssyncadd.s32 $0xFFFFD800  }
0x158: {  	[spmem:s3] =	stream.indirect.scatter.add.f32 [tilespmem:s21], [sflag:$0x4], $0x80, s11, s20, $0xb8;
	[tilespmem:$0x1D080] =	vst v63  }
0x159: {  	_ =	swait.ge [sflag:s18], $0x2800  }
0x15a: {  	[sflag:s18] =	ssyncset.done $0x0  }
0x15b: {  	s10 =	simm.s32 $0x180;
	[sflag:s18] =	ssyncadd.s32 $0xFFFFD800  }
0x15c: {  	[tilespmem:s21], [sflag:$0x1] =	stream.indirect.gather [hbm4b:s1+s20], $0x80, s10, s20, $0xb8;
	[tilespmem:$0x1D080] =	vst v63  }
0x15d: {  	_ =	swait.ge [sflag:s28], $0x2800  }
0x15e: {  	[sflag:s28] =	ssyncset.done $0x0  }
0x15f: {  	s11 =	simm.s32 $0x1080;
	[sflag:s28] =	ssyncadd.s32 $0xFFFFD800  }
0x160: {  	[spmem:s3] =	stream.indirect.scatter.add.f32 [tilespmem:s23], [sflag:$0x4], $0x80, s11, s20, $0xb8;
	[tilespmem:$0x1D080] =	vst v63  }
0x161: {  	_ =	swait.ge [sflag:s18], $0x2800  }
0x162: {  	[sflag:s18] =	ssyncset.done $0x0  }
0x163: {  	s10 =	simm.s32 $0x200;
	[sflag:s18] =	ssyncadd.s32 $0xFFFFD800  }
0x164: {  	[tilespmem:s23], [sflag:$0x2] =	stream.indirect.gather [hbm4b:s1+s20], $0x80, s10, s20, $0xb8;
	[tilespmem:$0x1D080] =	vst v63  }
0x165: {  	_ =	swait.ge [sflag:s29], $0x2800  }
0x166: {  	[sflag:s29] =	ssyncset.done $0x0  }
0x167: {  	s11 =	simm.s32 $0x1100;
	[sflag:s29] =	ssyncadd.s32 $0xFFFFD800  }
0x168: {  	[spmem:s3] =	stream.indirect.scatter.add.f32 [tilespmem:s25], [sflag:$0x4], $0x80, s11, s20, $0xb8;
	[tilespmem:$0x1D080] =	vst v63  }
0x169: {  	_ =	swait.ge [sflag:s18], $0x2800  }
0x16a: {  	[sflag:s18] =	ssyncset.done $0x0  }
0x16b: {  	s9 =	simm.s32 $0x600;
	s10 =	simm.s32 $0x280;
	[sflag:s18] =	ssyncadd.s32 $0xFFFFD800  }
.LBB2_8:
0x16c: {  	[tilespmem:s25], [sflag:$0x3] =	stream.indirect.gather [hbm4b:s1+s20], $0x80, s10, s20, $0xb8;
	[tilespmem:$0x1D080] =	vst v63  }
0x16d: {  	s10 =	smov.u32 s9  }
0x16e: {  	p0 =	sne.s32 s9, $0x2A00;
	s9 =	sadd.s32 $0x600, s9;
	_ =	swait.ge [sflag:s26], $0x2800  }
0x16f: {  	s10 =	sshra.s32 s10, $0x2;
	[sflag:s26] =	ssyncset.done $0x0  }
0x170: {  	s11 =	sadd.s32 $0x1000, s10;
	[sflag:s26] =	ssyncadd.s32 $0xFFFFD800  }
0x171: {  	[spmem:s3] =	stream.indirect.scatter.add.f32 [tilespmem:s21], [sflag:$0x4], $0x80, s11, s20, $0xb8;
	[tilespmem:$0x1D080] =	vst v63  }
0x172: {  	_ =	swait.ge [sflag:s18], $0x2800  }
0x173: {  	[sflag:s18] =	ssyncset.done $0x0  }
0x174: {  	s11 =	sadd.s32 $0x180, s10;
	[sflag:s18] =	ssyncadd.s32 $0xFFFFD800  }
0x175: {  	[tilespmem:s21], [sflag:$0x1] =	stream.indirect.gather [hbm4b:s1+s20], $0x80, s11, s20, $0xb8;
	[tilespmem:$0x1D080] =	vst v63  }
0x176: {  	_ =	swait.ge [sflag:s28], $0x2800  }
0x177: {  	[sflag:s28] =	ssyncset.done $0x0  }
0x178: {  	s11 =	sadd.s32 $0x1080, s10;
	[sflag:s28] =	ssyncadd.s32 $0xFFFFD800  }
0x179: {  	[spmem:s3] =	stream.indirect.scatter.add.f32 [tilespmem:s23], [sflag:$0x4], $0x80, s11, s20, $0xb8;
	[tilespmem:$0x1D080] =	vst v63  }
0x17a: {  	_ =	swait.ge [sflag:s18], $0x2800  }
0x17b: {  	[sflag:s18] =	ssyncset.done $0x0  }
0x17c: {  	s11 =	sadd.s32 $0x200, s10;
	[sflag:s18] =	ssyncadd.s32 $0xFFFFD800  }
0x17d: {  	[tilespmem:s23], [sflag:$0x2] =	stream.indirect.gather [hbm4b:s1+s20], $0x80, s11, s20, $0xb8;
	[tilespmem:$0x1D080] =	vst v63  }
0x17e: {  	_ =	swait.ge [sflag:s29], $0x2800  }
0x17f: {  	[sflag:s29] =	ssyncset.done $0x0  }
.Ltmp3:
0x180: {  	s11 =	sadd.s32 $0x1100, s10;
	[sflag:s29] =	ssyncadd.s32 $0xFFFFD800;
	(pc) =	sbr.rel @p0 .LBB2_8-.Ltmp3, $4  }
0x181: {  	[spmem:s3] =	stream.indirect.scatter.add.f32 [tilespmem:s25], [sflag:$0x4], $0x80, s11, s20, $0xb8;
	[tilespmem:$0x1D080] =	vst v63  }
0x182: {  	_ =	swait.ge [sflag:s18], $0x2800  }
0x183: {  	[sflag:s18] =	ssyncset.done $0x0  }
0x184: {  	s10 =	sadd.s32 $0x280, s10;
	[sflag:s18] =	ssyncadd.s32 $0xFFFFD800  }
0x185: {  	[tilespmem:s25], [sflag:$0x3] =	stream.indirect.gather [hbm4b:s1+s20], $0x80, s10, s20, $0xb8;
	[tilespmem:$0x1D080] =	vst v63  }
0x186: {  	_ =	swait.ge [sflag:s26], $0x2800  }
0x187: {  	[sflag:s26] =	ssyncset.done $0x0  }
0x188: {  	s9 =	simm.s32 $0x1C00;
	[sflag:s26] =	ssyncadd.s32 $0xFFFFD800  }
0x189: {  	[spmem:s3] =	stream.indirect.scatter.add.f32 [tilespmem:s21], [sflag:$0x4], $0x80, s9, s20, $0xb8;
	[tilespmem:$0x1D080] =	vst v63  }
0x18a: {  	_ =	swait.ge [sflag:s18], $0x2800  }
0x18b: {  	[sflag:s18] =	ssyncset.done $0x0  }
0x18c: {  	s10 =	simm.s32 $0xD80;
	[sflag:s18] =	ssyncadd.s32 $0xFFFFD800  }
0x18d: {  	[tilespmem:s21], [sflag:$0x1] =	stream.indirect.gather [hbm4b:s1+s20], $0x80, s10, s20, $0xb8;
	[tilespmem:$0x1D080] =	vst v63  }
0x18e: {  	_ =	swait.ge [sflag:s28], $0x2800  }
0x18f: {  	[sflag:s28] =	ssyncset.done $0x0  }
0x190: {  	s11 =	simm.s32 $0x1C80;
	[sflag:s28] =	ssyncadd.s32 $0xFFFFD800  }
0x191: {  	[spmem:s3] =	stream.indirect.scatter.add.f32 [tilespmem:s23], [sflag:$0x4], $0x80, s11, s20, $0xb8;
	[tilespmem:$0x1D080] =	vst v63  }
0x192: {  	_ =	swait.ge [sflag:s18], $0x2800  }
0x193: {  	[sflag:s18] =	ssyncset.done $0x0  }
0x194: {  	s10 =	simm.s32 $0xE00;
	[sflag:s18] =	ssyncadd.s32 $0xFFFFD800  }
0x195: {  	[tilespmem:s23], [sflag:$0x2] =	stream.indirect.gather [hbm4b:s1+s20], $0x80, s10, s20, $0xb8;
	[tilespmem:$0x1D080] =	vst v63  }
0x196: {  	_ =	swait.ge [sflag:s29], $0x2800  }
0x197: {  	[sflag:s29] =	ssyncset.done $0x0  }
0x198: {  	s11 =	simm.s32 $0x1D00;
	[sflag:s29] =	ssyncadd.s32 $0xFFFFD800  }
0x199: {  	[spmem:s3] =	stream.indirect.scatter.add.f32 [tilespmem:s25], [sflag:$0x4], $0x80, s11, s20, $0xb8;
	[tilespmem:$0x1D080] =	vst v63  }
0x19a: {  	_ =	swait.ge [sflag:s18], $0x2800  }
0x19b: {  	[sflag:s18] =	ssyncset.done $0x0  }
0x19c: {  	[sflag:s18] =	ssyncadd.s32 $0xFFFFD800  }
0x19d: {  	_ =	swait.ge [sflag:s26], $0x2800  }
0x19e: {  	[sflag:s26] =	ssyncset.done $0x0  }
0x19f: {  	[sflag:s26] =	ssyncadd.s32 $0xFFFFD800  }
0x1a0: {  	[spmem:s3] =	stream.indirect.scatter.add.f32 [tilespmem:s21], [sflag:$0x4], $0x80, s30, s20, $0xb8;
	[tilespmem:$0x1D080] =	vst v63  }
0x1a1: {  	_ =	swait.ge [sflag:s18], $0x2800  }
0x1a2: {  	[sflag:s18] =	ssyncset.done $0x0  }
0x1a3: {  	[sflag:s18] =	ssyncadd.s32 $0xFFFFD800  }
0x1a4: {  	_ =	swait.ge [sflag:s28], $0x2800  }
0x1a5: {  	[sflag:s28] =	ssyncset.done $0x0  }
0x1a6: {  	[sflag:s28] =	ssyncadd.s32 $0xFFFFD800  }
0x1a7: {  	[spmem:s3] =	stream.indirect.scatter.add.f32 [tilespmem:s23], [sflag:$0x4], $0x80, s0, s20, $0xb8;
	[tilespmem:$0x1D080] =	vst v63  }
0x1a8: {  	_ =	swait.ge [sflag:s18], $0x2800  }
0x1a9: {  	s8 =	sadd.s32 $0x1, s8;
	[sflag:s18] =	ssyncset.done $0x0  }
0x1aa: {  	p0 =	sne.s32 s8, s14;
	[sflag:s18] =	ssyncadd.s32 $0xFFFFD800  }
.Ltmp4:
0x1ab: {  	[bflag:$0x0] =	sbarrier.arrive $0xFFFF;
	(pc) =	sbr.rel @p0 .LBB2_1-.Ltmp4, $4  }
0x1ac: {  	[hbm:s13], [sflag:s16] =	dma.local [spmem:s17], $0x2800  }
0x1ad: {  	_ =	swait.ge [sflag:s18], $0x2800  }
0x1ae: {  	[sflag:s18] =	ssyncset.done $0x0  }
0x1af: {  	[sflag:s18] =	ssyncadd.s32 $0xFFFFD800  }
0x1b0: {  	_ =	sfence.sel $0x180000  }
0x1b1: {  	[bflag:$0x0] =	sbarrier.arrive $0xFFFF  }
0x1b2: {  	_ =	strace $0x9000004A  }
0x1b3: {  	s0 =	stileid.u32;
	[bflag:$0x2] =	sbarrier.arrive $0xFFFF  }
0x1b4: {  	p0 =	sne.s32 s0, $0x0;
	s0 =	rddreg [dreg:$0x4]  }
0x1b5: {  	s0 =	sadd.s32 @!p0 $0x100000, s0  }
0x1b6: {  	[sflag:s0] =	ssyncadd.tile.s32 @!p0 $0x1;
	_ =	shalt  }
.Lfunc_end2:
_tile_overlayer_lowered:
.L_overlay_start_2:
0x1b7: {  	(tag) =	ssettag $0x2  }
0x1b8: {  	s0 =	rddreg [dreg:$0x0];
	s2 =	stileid.u32  }
0x1b9: {  	s1 =	rddreg [dreg:$0x1];
	p0 =	sne.s32 s2, $0x0  }
0x1ba: {  	s3 =	rddreg [dreg:$0x2];
	[bflag:$0x3] =	sbarrier.arrive $0xFFFF;
	s2 =	simm.s32 @!p0 $0x1C04  }
0x1bb: {  	[timem:s3], [sflag:s2] =	dma.local @!p0 [hbm:s0], s1  }
0x1bc: {  	s0 =	simm.s32 @!p0 $0x4  }
0x1bd: {  	_ =	swait.ge @!p0 [sflag:s0], s1  }
0x1be: {  	s1 =	ssub.s32 @!p0 $0x0, s1;
	[sflag:s0] =	ssyncset.done @!p0 $0x0  }
0x1bf: {  	[sflag:s0] =	ssyncadd.s32 @!p0 s1  }
0x1c0: {  	[bflag:$0x3] =	sbarrier.arrive $0xFFFF  }
0x1c1: {  	_ =	shalt  }

</sc_bundles>
